<compile_context>
chip_gen: v7x
topology: tpu7x:2x2x1
jax: 0.10.2.dev20260603
libtpu: 0.0.44.dev20260713+nightly
codegen_flags: <defaults>
</compile_context>

<pallas_src>
import functools

import jax
import jax.numpy as jnp
from jax import lax
from jax.experimental import pallas as pl
from jax.experimental.pallas import tpu as pltpu
from jax.experimental.pallas import tpu_sc as plsc

_N_ATOMS = 20000
_L = 16
_NC = 2
_NS = 16
_NW = _NC * _NS
_PER_TILE = 32768
_PADN = _PER_TILE * _NW
_CHUNK = 2048
_NCHUNKS = _PER_TILE // _CHUNK
_VECS = _CHUNK // _L
_MB_N = 16384
_MB_GUARD = 16
_INT_MAX = 2**31 - 1

_COV = ((0, 1), (1, 2), (2, 3), (0, 3), (3, 1), (2, 4), (3, 4))
_COVMASK = 0
for _a, _b in _COV:
    _COVMASK |= (1 << (_a * 5 + _b)) | (1 << (_b * 5 + _a))

_MESH = plsc.VectorSubcoreMesh(core_axis_name="c", subcore_axis_name="s")

_TOP_LV = 7
_TREE_IDX = []
for _k in range(1, _TOP_LV + 1):
    for _n in range(1 << (_k - 1), 1 << _k):
        _TREE_IDX.append((_n - (1 << (_k - 1))) * (1 << (15 - _k))
                         + (1 << (14 - _k)) - 1)
_TREE_ORDER = [0] * 128
for _n, _ix in zip(range(1, 128), _TREE_IDX):
    _TREE_ORDER[_n] = _ix


@functools.partial(
    pl.kernel,
    out_type=jax.ShapeDtypeStruct((_PADN,), jnp.float32),
    mesh=_MESH,
    compiler_params=pltpu.CompilerParams(needs_layout_passes=False),
    scratch_types=[
        pltpu.VMEM((_N_ATOMS,), jnp.float32),
        pltpu.VMEM((_N_ATOMS,), jnp.float32),
        pltpu.VMEM((_N_ATOMS,), jnp.float32),
        pltpu.VMEM((_N_ATOMS,), jnp.int32),
        pltpu.VMEM((128,), jnp.float32),
        pltpu.VMEM((_MB_N + _MB_GUARD,), jnp.int32),
        pltpu.VMEM((128 * _L,), jnp.int32),
        pltpu.VMEM((6 * _L,), jnp.float32),
        pltpu.VMEM((_CHUNK,), jnp.int32),
        pltpu.VMEM((_CHUNK,), jnp.int32),
        pltpu.VMEM((_CHUNK,), jnp.float32),
    ],
)
def _clash_sc(i_hbm, j_hbm, xs_hbm, ys_hbm, zs_hbm, pk_hbm, er_hbm,
              mb_hbm, tree_hbm, tol_hbm, out_hbm,
              xs_v, ys_v, zs_v, pk_v, er_v, mb_v, tree_v, tol_v,
              iv, jv, ov):
    wid = lax.axis_index("s") * _NC + lax.axis_index("c")
    base = wid * _PER_TILE

    pltpu.sync_copy(xs_hbm, xs_v)
    pltpu.sync_copy(ys_hbm, ys_v)
    pltpu.sync_copy(zs_hbm, zs_v)
    pltpu.sync_copy(pk_hbm, pk_v)
    pltpu.sync_copy(er_hbm, er_v)
    pltpu.sync_copy(mb_hbm, mb_v)
    pltpu.sync_copy(tree_hbm, tree_v)
    pltpu.sync_copy(tol_hbm, tol_v)

    tols = [tol_v[pl.ds(k * _L, _L)] for k in range(6)]
    lane_off = lax.iota(jnp.int32, _L) * 128

    def vec_body(s):
        ii = iv[pl.ds(s, _L)]
        jj = jv[pl.ds(s, _L)]

        x1 = plsc.load_gather(xs_v, [ii])
        y1 = plsc.load_gather(ys_v, [ii])
        z1 = plsc.load_gather(zs_v, [ii])
        p1 = plsc.load_gather(pk_v, [ii])
        x2 = plsc.load_gather(xs_v, [jj])
        y2 = plsc.load_gather(ys_v, [jj])
        z2 = plsc.load_gather(zs_v, [jj])
        p2 = plsc.load_gather(pk_v, [jj])

        dx = x1 - x2
        dy = y1 - y2
        dz = z1 - z2
        d2 = dx * dx + dy * dy + dz * dz + 1e-12

        bi = lax.bitcast_convert_type(d2, jnp.int32)
        bi = 0x5F3759DF - lax.shift_right_logical(bi, 1)
        y = lax.bitcast_convert_type(bi, jnp.float32)
        y = y * (1.5 - 0.5 * d2 * y * y)
        y = y * (1.5 - 0.5 * d2 * y * y)
        y = y * (1.5 - 0.5 * d2 * y * y)
        d = d2 * y

        at1 = p1 & 63
        ch1 = lax.shift_right_logical(p1, 6) & 63
        rs1 = lax.shift_right_logical(p1, 12)
        at2 = p2 & 63
        ch2 = lax.shift_right_logical(p2, 6) & 63
        rs2 = lax.shift_right_logical(p2, 12)

        er1 = plsc.load_gather(er_v, [at1])
        er2 = plsc.load_gather(er_v, [at2])
        sumr = er1 + er2
        first = (d <= 5.0) & ((d - (sumr + 0.6)) <= 0.0)

        bb1 = at1 < 4
        bb2 = at2 < 4
        same_chain = ch1 == ch2
        dres = rs1 - rs2
        adjacent = same_chain & (jnp.abs(dres) == 1)
        same_res = same_chain & (dres == 0)

        ksafe = jnp.minimum(at1 * 5 + at2, 31)
        cov = ((at1 < 5) & (at2 < 5) &
               ((lax.shift_right_logical(jnp.int32(_COVMASK), ksafe) & 1) == 1))

        key = (ii * _N_ATOMS + jj) * 2
        n = jnp.ones((_L,), jnp.int32)
        for _ in range(_TOP_LV):
            t = plsc.load_gather(tree_v, [lane_off + n])
            n = 2 * n + jnp.where(t < key, 1, 0)
        pos = (n - 128) * 128
        step = _MB_N >> (_TOP_LV + 1)
        while step >= 1:
            probe = plsc.load_gather(mb_v, [pos + (step - 1)])
            pos = jnp.where(probe < key, pos + step, pos)
            step //= 2
        v0 = plsc.load_gather(mb_v, [pos])
        v1 = plsc.load_gather(mb_v, [pos + 1])
        v2 = plsc.load_gather(mb_v, [pos + 2])
        in_hb = v0 == key
        in_ss = (v0 == key + 1) | (v1 == key + 1) | (v2 == key + 1)

        ncov = ~cov
        nadj = ~adjacent
        nsr = ~same_res
        nhb = ~in_hb
        masks = (
            adjacent & bb1 & bb2 & ncov,
            same_res & nadj & ncov,
            (bb1 ^ bb2) & nadj & nsr & nhb & ncov,
            (~bb1) & (~bb2) & nadj & nsr & nhb & (~in_ss) & ncov,
            in_hb,
            in_ss,
        )
        basecd = sumr - d
        e = jnp.zeros((_L,), jnp.float32)
        for k in range(6):
            cd = basecd + tols[k]
            sel = first & masks[k] & (cd >= 0.0)
            e = e + jnp.where(sel, cd * cd, 0.0)
        ov[pl.ds(s, _L)] = e

    def chunk_body(g, carry):
        off = pl.multiple_of(base + g * _CHUNK, _CHUNK)
        pltpu.sync_copy(i_hbm.at[pl.ds(off, _CHUNK)], iv)
        pltpu.sync_copy(j_hbm.at[pl.ds(off, _CHUNK)], jv)
        plsc.parallel_loop(0, _CHUNK, _L, unroll=16)(vec_body)
        pltpu.sync_copy(ov, out_hbm.at[pl.ds(off, _CHUNK)])
        return carry

    lax.fori_loop(0, _NCHUNKS, chunk_body, 0)


def kernel(coords, atom_description, atom_pairs, hbond_network,
           disulfide_network, atom_Properties, tollerances):
    ap = atom_pairs.astype(jnp.int32)
    npairs = ap.shape[0]
    i_arr = jnp.pad(ap[:, 0], (0, _PADN - npairs))
    j_arr = jnp.pad(ap[:, 1], (0, _PADN - npairs))

    c = coords.astype(jnp.float32)
    xs, ys, zs = c[:, 0], c[:, 1], c[:, 2]

    ad = atom_description.astype(jnp.int32)
    pk = ad[:, 0] + (ad[:, 1] << 6) + (ad[:, 2] << 12)

    er = jnp.where(atom_Properties[:, 1] == 0.0,
                   atom_Properties[:, 0], -1e4).astype(jnp.float32)
    er = jnp.pad(er, (0, 128 - er.shape[0]))

    def both_ids(net, tag):
        net = net.astype(jnp.int32)
        ids = jnp.concatenate([net[:, 0] * _N_ATOMS + net[:, 1],
                               net[:, 1] * _N_ATOMS + net[:, 0]])
        return ids * 2 + tag

    keys = jnp.concatenate([both_ids(hbond_network, 0),
                            both_ids(disulfide_network, 1)])
    keys = jnp.pad(keys, (0, _MB_N - keys.shape[0]), constant_values=_INT_MAX)
    mb = jnp.concatenate([jnp.sort(keys),
                          jnp.full((_MB_GUARD,), _INT_MAX, jnp.int32)])
    tree = jnp.tile(mb[jnp.array(_TREE_ORDER, jnp.int32)], _L)
    tol = jnp.repeat(tollerances.astype(jnp.float32), _L)

    out = _clash_sc(i_arr, j_arr, xs, ys, zs, pk, er, mb, tree, tol)
    return out[:npairs]

# --- scband reference (transcript-rebuilt; emitter-appended) ---
"""Pipeline reference for scband-clash-energy-54803782697318 (READ-ONLY COPY).

The authoritative reference and input builder live on the scoring server;
editing this copy changes nothing except your own understanding.
"""

import jax, jax.numpy as jnp
import numpy as np

N_ATOMS = 20000
N_PAIRS = 1000000
N_TYPES = 40
N_HB = 5000
N_SS = 200
BACKBONE = (0, 1, 2, 3)
COVALENT = ((0, 1), (1, 2), (2, 3), (0, 3), (3, 1), (2, 4), (3, 4))
MIN_DIST_LOOK_H = 0.6
ATOM_DISTANCE_THRESHOLD = 5.0


def setup_inputs(seed: int = 0):
    key = jax.random.key(seed)
    ks = jax.random.split(key, 6)
    coords = jax.random.normal(ks[0], (N_ATOMS, 3), dtype=jnp.float32) * 12.0
    atom_description = jax.random.randint(ks[1], (N_ATOMS, 3), 0, 40)
    atom_pairs = jax.random.randint(ks[2], (N_PAIRS, 2), 0, N_ATOMS)
    hbond_network = jax.random.randint(ks[3], (N_HB, 2), 0, N_ATOMS)
    disulfide_network = jax.random.randint(ks[4], (N_SS, 2), 0, N_ATOMS)
    radii = 1.2 + 0.8 * jax.random.uniform(ks[5], (N_TYPES,), dtype=jnp.float32)
    virtual = (jnp.arange(N_TYPES) % 13 == 12).astype(jnp.float32)
    atom_Properties = jnp.stack([radii, virtual], axis=1)
    tollerances = jnp.array([-0.0315, 0.182, 0.061, -0.036, 0.0007, -1.313], dtype=jnp.float32)
    return {"coords": coords, "atom_description": atom_description, "atom_pairs": atom_pairs, "hbond_network": hbond_network, "disulfide_network": disulfide_network, "atom_Properties": atom_Properties, "tollerances": tollerances}


def _member(x, values):
    m = jnp.zeros(x.shape, dtype=bool)
    for v in values:
        m = m | (x == v)
    return m


def reference(coords, atom_description, atom_pairs, hbond_network, disulfide_network, atom_Properties, tollerances):
    i = atom_pairs[:, 0]
    j = atom_pairs[:, 1]
    diff = coords[i] - coords[j]
    d = jnp.sqrt(jnp.sum(diff * diff, axis=-1) + 1e-12)
    at1 = atom_description[i, 0]
    at2 = atom_description[j, 0]
    r1 = atom_Properties[at1, 0]
    r2 = atom_Properties[at2, 0]
    non_virtual = (atom_Properties[at1, 1] == 0) & (atom_Properties[at2, 1] == 0)
    pre_long = d <= ATOM_DISTANCE_THRESHOLD
    first = pre_long & non_virtual & ((d - (r1 + r2 + MIN_DIST_LOOK_H)) <= 0)
    bb1 = _member(at1, BACKBONE)
    bb2 = _member(at2, BACKBONE)
    same_chain = atom_description[i, 1] == atom_description[j, 1]
    dres = atom_description[i, 2] - atom_description[j, 2]
    adjacent = same_chain & (jnp.abs(dres) == 1)
    same_res = same_chain & (dres == 0)
    cov = jnp.zeros(d.shape, dtype=bool)
    for a, b in COVALENT:
        cov = cov | ((at1 == a) & (at2 == b)) | ((at1 == b) & (at2 == a))
    pid = i * N_ATOMS + j
    pid_r = j * N_ATOMS + i
    hb_ids = hbond_network[:, 0] * N_ATOMS + hbond_network[:, 1]
    ss_ids = disulfide_network[:, 0] * N_ATOMS + disulfide_network[:, 1]
    in_hb = jnp.isin(pid, hb_ids) | jnp.isin(pid_r, hb_ids)
    in_ss = jnp.isin(pid, ss_ids) | jnp.isin(pid_r, ss_ids)
    masks = [
        adjacent & bb1 & bb2 & (~cov),
        same_res & (~adjacent) & (~cov),
        (bb1 ^ bb2) & (~adjacent) & (~same_res) & (~in_hb) & (~cov),
        (~bb1) & (~bb2) & (~adjacent) & (~same_res) & (~in_hb) & (~in_ss) & (~cov),
        in_hb,
        in_ss,
    ]
    energy = jnp.zeros(d.shape, dtype=jnp.float32)
    for k in range(len(masks)):
        clashing_distance = r1 + r2 - (d - tollerances[k])
        contrib = jnp.where(first & masks[k] & (clashing_distance >= 0.0), clashing_distance * clashing_distance, 0.0)
        energy = energy + contrib
    return energy

if __name__ == "__main__":
    import jax
    _d = setup_inputs()
    print(jax.jit(kernel)(*tuple(_d.values())))

</pallas_src>

<mosaic_0001>
#map = affine_map<(d0, d1) -> (0)>
module attributes {stable_mosaic.version = 14 : i64} {
  func.func @_clash_sc(%arg0: i32, %arg1: i32, %arg2: memref<1048576xi32, #tpu.memory_space<hbm>>, %arg3: memref<1048576xi32, #tpu.memory_space<hbm>>, %arg4: memref<20000xf32, #tpu.memory_space<hbm>>, %arg5: memref<20000xf32, #tpu.memory_space<hbm>>, %arg6: memref<20000xf32, #tpu.memory_space<hbm>>, %arg7: memref<20000xi32, #tpu.memory_space<hbm>>, %arg8: memref<128xf32, #tpu.memory_space<hbm>>, %arg9: memref<16400xi32, #tpu.memory_space<hbm>>, %arg10: memref<2048xi32, #tpu.memory_space<hbm>>, %arg11: memref<96xf32, #tpu.memory_space<hbm>>, %arg12: memref<1048576xf32, #tpu.memory_space<hbm>>, %arg13: memref<20000xf32, #tpu.memory_space<vmem>>, %arg14: memref<20000xf32, #tpu.memory_space<vmem>>, %arg15: memref<20000xf32, #tpu.memory_space<vmem>>, %arg16: memref<20000xi32, #tpu.memory_space<vmem>>, %arg17: memref<128xf32, #tpu.memory_space<vmem>>, %arg18: memref<16400xi32, #tpu.memory_space<vmem>>, %arg19: memref<2048xi32, #tpu.memory_space<vmem>>, %arg20: memref<96xf32, #tpu.memory_space<vmem>>, %arg21: memref<2048xi32, #tpu.memory_space<vmem>>, %arg22: memref<2048xi32, #tpu.memory_space<vmem>>, %arg23: memref<2048xf32, #tpu.memory_space<vmem>>) attributes {dimension_semantics = [#tpu.dimension_semantics<core_parallel>, #tpu.dimension_semantics<subcore_parallel>], iteration_bounds = array<i64: 2, 16>, scalar_prefetch = 0 : i64, scratch_operands = 11 : i64, tpu.core_type = #tpu.core_type<sc_vector_subcore>, window_params = [{transform_indices = #map}, {transform_indices = #map}, {transform_indices = #map}, {transform_indices = #map}, {transform_indices = #map}, {transform_indices = #map}, {transform_indices = #map}, {transform_indices = #map}, {transform_indices = #map}, {transform_indices = #map}, {transform_indices = #map}]} {
    %mul3A = arith.constant 2 : i32
    %mul3A_0 = arith.muli %arg1, %mul3A : i32
    %add3A = arith.addi %mul3A_0, %arg0 : i32
    %mul3A_1 = arith.constant 32768 : i32
    %mul3A_2 = arith.muli %add3A, %mul3A_1 : i32
    "tpu.region"() ({
      %run_scoped3A = tpu.sem_alloc : memref<!tpu.dma_semaphore, #tpu.memory_space<semaphore_mem>>
      tpu.enqueue_dma source(%arg4 : memref<20000xf32, #tpu.memory_space<hbm>>) target(%arg13 : memref<20000xf32, #tpu.memory_space<vmem>>) target_semaphore(%run_scoped3A : memref<!tpu.dma_semaphore, #tpu.memory_space<semaphore_mem>>)
      tpu.wait_dma2 semaphore(%run_scoped3A : memref<!tpu.dma_semaphore, #tpu.memory_space<semaphore_mem>>) src(%arg4 : memref<20000xf32, #tpu.memory_space<hbm>>) dst(%arg13 : memref<20000xf32, #tpu.memory_space<vmem>>)
      tpu.yield
    }) : () -> ()
    "tpu.region"() ({
      %run_scoped3A = tpu.sem_alloc : memref<!tpu.dma_semaphore, #tpu.memory_space<semaphore_mem>>
      tpu.enqueue_dma source(%arg5 : memref<20000xf32, #tpu.memory_space<hbm>>) target(%arg14 : memref<20000xf32, #tpu.memory_space<vmem>>) target_semaphore(%run_scoped3A : memref<!tpu.dma_semaphore, #tpu.memory_space<semaphore_mem>>)
      tpu.wait_dma2 semaphore(%run_scoped3A : memref<!tpu.dma_semaphore, #tpu.memory_space<semaphore_mem>>) src(%arg5 : memref<20000xf32, #tpu.memory_space<hbm>>) dst(%arg14 : memref<20000xf32, #tpu.memory_space<vmem>>)
      tpu.yield
    }) : () -> ()
    "tpu.region"() ({
      %run_scoped3A = tpu.sem_alloc : memref<!tpu.dma_semaphore, #tpu.memory_space<semaphore_mem>>
      tpu.enqueue_dma source(%arg6 : memref<20000xf32, #tpu.memory_space<hbm>>) target(%arg15 : memref<20000xf32, #tpu.memory_space<vmem>>) target_semaphore(%run_scoped3A : memref<!tpu.dma_semaphore, #tpu.memory_space<semaphore_mem>>)
      tpu.wait_dma2 semaphore(%run_scoped3A : memref<!tpu.dma_semaphore, #tpu.memory_space<semaphore_mem>>) src(%arg6 : memref<20000xf32, #tpu.memory_space<hbm>>) dst(%arg15 : memref<20000xf32, #tpu.memory_space<vmem>>)
      tpu.yield
    }) : () -> ()
    "tpu.region"() ({
      %run_scoped3A = tpu.sem_alloc : memref<!tpu.dma_semaphore, #tpu.memory_space<semaphore_mem>>
      tpu.enqueue_dma source(%arg7 : memref<20000xi32, #tpu.memory_space<hbm>>) target(%arg16 : memref<20000xi32, #tpu.memory_space<vmem>>) target_semaphore(%run_scoped3A : memref<!tpu.dma_semaphore, #tpu.memory_space<semaphore_mem>>)
      tpu.wait_dma2 semaphore(%run_scoped3A : memref<!tpu.dma_semaphore, #tpu.memory_space<semaphore_mem>>) src(%arg7 : memref<20000xi32, #tpu.memory_space<hbm>>) dst(%arg16 : memref<20000xi32, #tpu.memory_space<vmem>>)
      tpu.yield
    }) : () -> ()
    "tpu.region"() ({
      %run_scoped3A = tpu.sem_alloc : memref<!tpu.dma_semaphore, #tpu.memory_space<semaphore_mem>>
      tpu.enqueue_dma source(%arg8 : memref<128xf32, #tpu.memory_space<hbm>>) target(%arg17 : memref<128xf32, #tpu.memory_space<vmem>>) target_semaphore(%run_scoped3A : memref<!tpu.dma_semaphore, #tpu.memory_space<semaphore_mem>>)
      tpu.wait_dma2 semaphore(%run_scoped3A : memref<!tpu.dma_semaphore, #tpu.memory_space<semaphore_mem>>) src(%arg8 : memref<128xf32, #tpu.memory_space<hbm>>) dst(%arg17 : memref<128xf32, #tpu.memory_space<vmem>>)
      tpu.yield
    }) : () -> ()
    "tpu.region"() ({
      %run_scoped3A = tpu.sem_alloc : memref<!tpu.dma_semaphore, #tpu.memory_space<semaphore_mem>>
      tpu.enqueue_dma source(%arg9 : memref<16400xi32, #tpu.memory_space<hbm>>) target(%arg18 : memref<16400xi32, #tpu.memory_space<vmem>>) target_semaphore(%run_scoped3A : memref<!tpu.dma_semaphore, #tpu.memory_space<semaphore_mem>>)
      tpu.wait_dma2 semaphore(%run_scoped3A : memref<!tpu.dma_semaphore, #tpu.memory_space<semaphore_mem>>) src(%arg9 : memref<16400xi32, #tpu.memory_space<hbm>>) dst(%arg18 : memref<16400xi32, #tpu.memory_space<vmem>>)
      tpu.yield
    }) : () -> ()
    "tpu.region"() ({
      %run_scoped3A = tpu.sem_alloc : memref<!tpu.dma_semaphore, #tpu.memory_space<semaphore_mem>>
      tpu.enqueue_dma source(%arg10 : memref<2048xi32, #tpu.memory_space<hbm>>) target(%arg19 : memref<2048xi32, #tpu.memory_space<vmem>>) target_semaphore(%run_scoped3A : memref<!tpu.dma_semaphore, #tpu.memory_space<semaphore_mem>>)
      tpu.wait_dma2 semaphore(%run_scoped3A : memref<!tpu.dma_semaphore, #tpu.memory_space<semaphore_mem>>) src(%arg10 : memref<2048xi32, #tpu.memory_space<hbm>>) dst(%arg19 : memref<2048xi32, #tpu.memory_space<vmem>>)
      tpu.yield
    }) : () -> ()
    "tpu.region"() ({
      %run_scoped3A = tpu.sem_alloc : memref<!tpu.dma_semaphore, #tpu.memory_space<semaphore_mem>>
      tpu.enqueue_dma source(%arg11 : memref<96xf32, #tpu.memory_space<hbm>>) target(%arg20 : memref<96xf32, #tpu.memory_space<vmem>>) target_semaphore(%run_scoped3A : memref<!tpu.dma_semaphore, #tpu.memory_space<semaphore_mem>>)
      tpu.wait_dma2 semaphore(%run_scoped3A : memref<!tpu.dma_semaphore, #tpu.memory_space<semaphore_mem>>) src(%arg11 : memref<96xf32, #tpu.memory_space<hbm>>) dst(%arg20 : memref<96xf32, #tpu.memory_space<vmem>>)
      tpu.yield
    }) : () -> ()
    %get3A = arith.constant 0 : index
    %get3A_3 = tpu.vector_load %arg20[%get3A] {strides = array<i32>} : memref<96xf32, #tpu.memory_space<vmem>>, vector<16xf32>,
    %get3A_4 = arith.constant 16 : index
    %get3A_5 = tpu.vector_load %arg20[%get3A_4] {strides = array<i32>} : memref<96xf32, #tpu.memory_space<vmem>>, vector<16xf32>,
    %get3A_6 = arith.constant 32 : index
    %get3A_7 = tpu.vector_load %arg20[%get3A_6] {strides = array<i32>} : memref<96xf32, #tpu.memory_space<vmem>>, vector<16xf32>,
    %get3A_8 = arith.constant 48 : index
    %get3A_9 = tpu.vector_load %arg20[%get3A_8] {strides = array<i32>} : memref<96xf32, #tpu.memory_space<vmem>>, vector<16xf32>,
    %get3A_10 = arith.constant 64 : index
    %get3A_11 = tpu.vector_load %arg20[%get3A_10] {strides = array<i32>} : memref<96xf32, #tpu.memory_space<vmem>>, vector<16xf32>,
    %get3A_12 = arith.constant 80 : index
    %get3A_13 = tpu.vector_load %arg20[%get3A_12] {strides = array<i32>} : memref<96xf32, #tpu.memory_space<vmem>>, vector<16xf32>,
    %iota3A = tpu.iota {dimensions = array<i32: 0>} : vector<16xi32>
    %mul3A_14 = arith.constant 128 : i32
    %mul3A_15 = vector.broadcast %mul3A_14 : i32 to vector<16xi32>
    %mul3A_16 = arith.muli %iota3A, %mul3A_15 : vector<16xi32>
    %scan3A = arith.constant 0 : i32
    %scan3A_17 = arith.constant 0 : i32
    %scan3A_18 = arith.constant 16 : i32
    %scan3A_19 = arith.addi %scan3A_17, %scan3A_18 : i32
    %scan3A_20 = arith.constant 1 : i32
    scf.for %scan3A_22 = %scan3A_17 to %scan3A_19 step %scan3A_20  : i32 {
      %mul3A_23 = arith.constant 2048 : i32
      %mul3A_24 = arith.muli %scan3A_22, %mul3A_23 : i32
      %add3A_25 = arith.addi %mul3A_2, %mul3A_24 : i32
      %multiple_of3A = tpu.assume_multiple %add3A_25, 2048 : i32
      "tpu.region"() ({
        %run_scoped3A = tpu.sem_alloc : memref<!tpu.dma_semaphore, #tpu.memory_space<semaphore_mem>>
        %dma_start3A = tpu.memref_slice %arg2[%multiple_of3A] : memref<1048576xi32, #tpu.memory_space<hbm>> -> memref<2048xi32, #tpu.memory_space<hbm>>
        %dma_start3A_28 = tpu.memref_slice %arg2[%multiple_of3A] : memref<1048576xi32, #tpu.memory_space<hbm>> -> memref<2048xi32, #tpu.memory_space<hbm>>
        tpu.enqueue_dma source(%dma_start3A_28 : memref<2048xi32, #tpu.memory_space<hbm>>) target(%arg21 : memref<2048xi32, #tpu.memory_space<vmem>>) target_semaphore(%run_scoped3A : memref<!tpu.dma_semaphore, #tpu.memory_space<semaphore_mem>>)
        %dma_wait3A = tpu.memref_slice %arg2[%multiple_of3A] : memref<1048576xi32, #tpu.memory_space<hbm>> -> memref<2048xi32, #tpu.memory_space<hbm>>
        %dma_wait3A_29 = tpu.memref_slice %arg2[%multiple_of3A] : memref<1048576xi32, #tpu.memory_space<hbm>> -> memref<2048xi32, #tpu.memory_space<hbm>>
        tpu.wait_dma2 semaphore(%run_scoped3A : memref<!tpu.dma_semaphore, #tpu.memory_space<semaphore_mem>>) src(%dma_wait3A_29 : memref<2048xi32, #tpu.memory_space<hbm>>) dst(%arg21 : memref<2048xi32, #tpu.memory_space<vmem>>)
        tpu.yield
      }) : () -> ()
      "tpu.region"() ({
        %run_scoped3A = tpu.sem_alloc : memref<!tpu.dma_semaphore, #tpu.memory_space<semaphore_mem>>
        %dma_start3A = tpu.memref_slice %arg3[%multiple_of3A] : memref<1048576xi32, #tpu.memory_space<hbm>> -> memref<2048xi32, #tpu.memory_space<hbm>>
        %dma_start3A_28 = tpu.memref_slice %arg3[%multiple_of3A] : memref<1048576xi32, #tpu.memory_space<hbm>> -> memref<2048xi32, #tpu.memory_space<hbm>>
        tpu.enqueue_dma source(%dma_start3A_28 : memref<2048xi32, #tpu.memory_space<hbm>>) target(%arg22 : memref<2048xi32, #tpu.memory_space<vmem>>) target_semaphore(%run_scoped3A : memref<!tpu.dma_semaphore, #tpu.memory_space<semaphore_mem>>)
        %dma_wait3A = tpu.memref_slice %arg3[%multiple_of3A] : memref<1048576xi32, #tpu.memory_space<hbm>> -> memref<2048xi32, #tpu.memory_space<hbm>>
        %dma_wait3A_29 = tpu.memref_slice %arg3[%multiple_of3A] : memref<1048576xi32, #tpu.memory_space<hbm>> -> memref<2048xi32, #tpu.memory_space<hbm>>
        tpu.wait_dma2 semaphore(%run_scoped3A : memref<!tpu.dma_semaphore, #tpu.memory_space<semaphore_mem>>) src(%dma_wait3A_29 : memref<2048xi32, #tpu.memory_space<hbm>>) dst(%arg22 : memref<2048xi32, #tpu.memory_space<vmem>>)
        tpu.yield
      }) : () -> ()
      %parallel_loop3A = arith.constant 0 : i32
      %parallel_loop3A_26 = arith.constant 2048 : i32
      %parallel_loop3A_27 = arith.constant 16 : i32
      scf.for %parallel_loop3A_28 = %parallel_loop3A to %parallel_loop3A_26 step %parallel_loop3A_27  : i32 {
        %parallel_loop3A_29 = arith.index_cast %parallel_loop3A_28 : i32 to index
        %parallel_loop3A_30 = tpu.vector_load %arg21[%parallel_loop3A_29] {strides = array<i32>} : memref<2048xi32, #tpu.memory_space<vmem>>, vector<16xi32>,
        %parallel_loop3A_31 = arith.index_cast %parallel_loop3A_28 : i32 to index
        %parallel_loop3A_32 = tpu.vector_load %arg22[%parallel_loop3A_31] {strides = array<i32>} : memref<2048xi32, #tpu.memory_space<vmem>>, vector<16xi32>,
        %parallel_loop3A_33 = tpu.vector_load_idx %arg13[%parallel_loop3A_30] : memref<20000xf32, #tpu.memory_space<vmem>>[vector<16xi32>], vector<16xf32>,
        %parallel_loop3A_34 = tpu.vector_load_idx %arg14[%parallel_loop3A_30] : memref<20000xf32, #tpu.memory_space<vmem>>[vector<16xi32>], vector<16xf32>,
        %parallel_loop3A_35 = tpu.vector_load_idx %arg15[%parallel_loop3A_30] : memref<20000xf32, #tpu.memory_space<vmem>>[vector<16xi32>], vector<16xf32>,
        %parallel_loop3A_36 = tpu.vector_load_idx %arg16[%parallel_loop3A_30] : memref<20000xi32, #tpu.memory_space<vmem>>[vector<16xi32>], vector<16xi32>,
        %parallel_loop3A_37 = tpu.vector_load_idx %arg13[%parallel_loop3A_32] : memref<20000xf32, #tpu.memory_space<vmem>>[vector<16xi32>], vector<16xf32>,
        %parallel_loop3A_38 = tpu.vector_load_idx %arg14[%parallel_loop3A_32] : memref<20000xf32, #tpu.memory_space<vmem>>[vector<16xi32>], vector<16xf32>,
        %parallel_loop3A_39 = tpu.vector_load_idx %arg15[%parallel_loop3A_32] : memref<20000xf32, #tpu.memory_space<vmem>>[vector<16xi32>], vector<16xf32>,
        %parallel_loop3A_40 = tpu.vector_load_idx %arg16[%parallel_loop3A_32] : memref<20000xi32, #tpu.memory_space<vmem>>[vector<16xi32>], vector<16xi32>,
        %parallel_loop3A_41 = arith.subf %parallel_loop3A_33, %parallel_loop3A_37 : vector<16xf32>
        %parallel_loop3A_42 = arith.subf %parallel_loop3A_34, %parallel_loop3A_38 : vector<16xf32>
        %parallel_loop3A_43 = arith.subf %parallel_loop3A_35, %parallel_loop3A_39 : vector<16xf32>
        %parallel_loop3A_44 = arith.mulf %parallel_loop3A_41, %parallel_loop3A_41 : vector<16xf32>
        %parallel_loop3A_45 = arith.mulf %parallel_loop3A_42, %parallel_loop3A_42 : vector<16xf32>
        %parallel_loop3A_46 = arith.addf %parallel_loop3A_44, %parallel_loop3A_45 : vector<16xf32>
        %parallel_loop3A_47 = arith.mulf %parallel_loop3A_43, %parallel_loop3A_43 : vector<16xf32>
        %parallel_loop3A_48 = arith.addf %parallel_loop3A_46, %parallel_loop3A_47 : vector<16xf32>
        %parallel_loop3A_49 = arith.constant 9.99999996E-13 : f32
        %parallel_loop3A_50 = vector.broadcast %parallel_loop3A_49 : f32 to vector<16xf32>
        %parallel_loop3A_51 = arith.addf %parallel_loop3A_48, %parallel_loop3A_50 : vector<16xf32>
        %parallel_loop3A_52 = tpu.bitcast %parallel_loop3A_51 : vector<16xf32> -> vector<16xi32>
        %parallel_loop3A_53 = arith.constant 1 : i32
        %parallel_loop3A_54 = vector.broadcast %parallel_loop3A_53 : i32 to vector<16xi32>
        %parallel_loop3A_55 = arith.shrui %parallel_loop3A_52, %parallel_loop3A_54 : vector<16xi32>
        %parallel_loop3A_56 = arith.constant 1597463007 : i32
        %parallel_loop3A_57 = vector.broadcast %parallel_loop3A_56 : i32 to vector<16xi32>
        %parallel_loop3A_58 = arith.subi %parallel_loop3A_57, %parallel_loop3A_55 : vector<16xi32>
        %parallel_loop3A_59 = tpu.bitcast %parallel_loop3A_58 : vector<16xi32> -> vector<16xf32>
        %parallel_loop3A_60 = arith.constant 5.000000e-01 : f32
        %parallel_loop3A_61 = vector.broadcast %parallel_loop3A_60 : f32 to vector<16xf32>
        %parallel_loop3A_62 = arith.mulf %parallel_loop3A_61, %parallel_loop3A_51 : vector<16xf32>
        %parallel_loop3A_63 = arith.mulf %parallel_loop3A_62, %parallel_loop3A_59 : vector<16xf32>
        %parallel_loop3A_64 = arith.mulf %parallel_loop3A_63, %parallel_loop3A_59 : vector<16xf32>
        %parallel_loop3A_65 = arith.constant 1.500000e+00 : f32
        %parallel_loop3A_66 = vector.broadcast %parallel_loop3A_65 : f32 to vector<16xf32>
        %parallel_loop3A_67 = arith.subf %parallel_loop3A_66, %parallel_loop3A_64 : vector<16xf32>
        %parallel_loop3A_68 = arith.mulf %parallel_loop3A_59, %parallel_loop3A_67 : vector<16xf32>
        %parallel_loop3A_69 = arith.constant 5.000000e-01 : f32
        %parallel_loop3A_70 = vector.broadcast %parallel_loop3A_69 : f32 to vector<16xf32>
        %parallel_loop3A_71 = arith.mulf %parallel_loop3A_70, %parallel_loop3A_51 : vector<16xf32>
        %parallel_loop3A_72 = arith.mulf %parallel_loop3A_71, %parallel_loop3A_68 : vector<16xf32>
        %parallel_loop3A_73 = arith.mulf %parallel_loop3A_72, %parallel_loop3A_68 : vector<16xf32>
        %parallel_loop3A_74 = arith.constant 1.500000e+00 : f32
        %parallel_loop3A_75 = vector.broadcast %parallel_loop3A_74 : f32 to vector<16xf32>
        %parallel_loop3A_76 = arith.subf %parallel_loop3A_75, %parallel_loop3A_73 : vector<16xf32>
        %parallel_loop3A_77 = arith.mulf %parallel_loop3A_68, %parallel_loop3A_76 : vector<16xf32>
        %parallel_loop3A_78 = arith.constant 5.000000e-01 : f32
        %parallel_loop3A_79 = vector.broadcast %parallel_loop3A_78 : f32 to vector<16xf32>
        %parallel_loop3A_80 = arith.mulf %parallel_loop3A_79, %parallel_loop3A_51 : vector<16xf32>
        %parallel_loop3A_81 = arith.mulf %parallel_loop3A_80, %parallel_loop3A_77 : vector<16xf32>
        %parallel_loop3A_82 = arith.mulf %parallel_loop3A_81, %parallel_loop3A_77 : vector<16xf32>
        %parallel_loop3A_83 = arith.constant 1.500000e+00 : f32
        %parallel_loop3A_84 = vector.broadcast %parallel_loop3A_83 : f32 to vector<16xf32>
        %parallel_loop3A_85 = arith.subf %parallel_loop3A_84, %parallel_loop3A_82 : vector<16xf32>
        %parallel_loop3A_86 = arith.mulf %parallel_loop3A_77, %parallel_loop3A_85 : vector<16xf32>
        %parallel_loop3A_87 = arith.mulf %parallel_loop3A_51, %parallel_loop3A_86 : vector<16xf32>
        %parallel_loop3A_88 = arith.constant 63 : i32
        %parallel_loop3A_89 = vector.broadcast %parallel_loop3A_88 : i32 to vector<16xi32>
        %parallel_loop3A_90 = arith.andi %parallel_loop3A_36, %parallel_loop3A_89 : vector<16xi32>
        %parallel_loop3A_91 = arith.constant 6 : i32
        %parallel_loop3A_92 = vector.broadcast %parallel_loop3A_91 : i32 to vector<16xi32>
        %parallel_loop3A_93 = arith.shrui %parallel_loop3A_36, %parallel_loop3A_92 : vector<16xi32>
        %parallel_loop3A_94 = arith.constant 63 : i32
        %parallel_loop3A_95 = vector.broadcast %parallel_loop3A_94 : i32 to vector<16xi32>
        %parallel_loop3A_96 = arith.andi %parallel_loop3A_93, %parallel_loop3A_95 : vector<16xi32>
        %parallel_loop3A_97 = arith.constant 12 : i32
        %parallel_loop3A_98 = vector.broadcast %parallel_loop3A_97 : i32 to vector<16xi32>
        %parallel_loop3A_99 = arith.shrui %parallel_loop3A_36, %parallel_loop3A_98 : vector<16xi32>
        %parallel_loop3A_100 = arith.constant 63 : i32
        %parallel_loop3A_101 = vector.broadcast %parallel_loop3A_100 : i32 to vector<16xi32>
        %parallel_loop3A_102 = arith.andi %parallel_loop3A_40, %parallel_loop3A_101 : vector<16xi32>
        %parallel_loop3A_103 = arith.constant 6 : i32
        %parallel_loop3A_104 = vector.broadcast %parallel_loop3A_103 : i32 to vector<16xi32>
        %parallel_loop3A_105 = arith.shrui %parallel_loop3A_40, %parallel_loop3A_104 : vector<16xi32>
        %parallel_loop3A_106 = arith.constant 63 : i32
        %parallel_loop3A_107 = vector.broadcast %parallel_loop3A_106 : i32 to vector<16xi32>
        %parallel_loop3A_108 = arith.andi %parallel_loop3A_105, %parallel_loop3A_107 : vector<16xi32>
        %parallel_loop3A_109 = arith.constant 12 : i32
        %parallel_loop3A_110 = vector.broadcast %parallel_loop3A_109 : i32 to vector<16xi32>
        %parallel_loop3A_111 = arith.shrui %parallel_loop3A_40, %parallel_loop3A_110 : vector<16xi32>
        %parallel_loop3A_112 = tpu.vector_load_idx %arg17[%parallel_loop3A_90] : memref<128xf32, #tpu.memory_space<vmem>>[vector<16xi32>], vector<16xf32>,
        %parallel_loop3A_113 = tpu.vector_load_idx %arg17[%parallel_loop3A_102] : memref<128xf32, #tpu.memory_space<vmem>>[vector<16xi32>], vector<16xf32>,
        %parallel_loop3A_114 = arith.addf %parallel_loop3A_112, %parallel_loop3A_113 : vector<16xf32>
        %parallel_loop3A_115 = arith.constant 5.000000e+00 : f32
        %parallel_loop3A_116 = vector.broadcast %parallel_loop3A_115 : f32 to vector<16xf32>
        %parallel_loop3A_117 = arith.cmpf ole, %parallel_loop3A_87, %parallel_loop3A_116 : vector<16xf32>
        %parallel_loop3A_118 = arith.constant 6.000000e-01 : f32
        %parallel_loop3A_119 = vector.broadcast %parallel_loop3A_118 : f32 to vector<16xf32>
        %parallel_loop3A_120 = arith.addf %parallel_loop3A_114, %parallel_loop3A_119 : vector<16xf32>
        %parallel_loop3A_121 = arith.subf %parallel_loop3A_87, %parallel_loop3A_120 : vector<16xf32>
        %parallel_loop3A_122 = arith.constant 0.000000e+00 : f32
        %parallel_loop3A_123 = vector.broadcast %parallel_loop3A_122 : f32 to vector<16xf32>
        %parallel_loop3A_124 = arith.cmpf ole, %parallel_loop3A_121, %parallel_loop3A_123 : vector<16xf32>
        %parallel_loop3A_125 = arith.andi %parallel_loop3A_117, %parallel_loop3A_124 : vector<16xi1>
        %parallel_loop3A_126 = arith.constant 4 : i32
        %parallel_loop3A_127 = vector.broadcast %parallel_loop3A_126 : i32 to vector<16xi32>
        %parallel_loop3A_128 = arith.cmpi slt, %parallel_loop3A_90, %parallel_loop3A_127 : vector<16xi32>
        %parallel_loop3A_129 = arith.constant 4 : i32
        %parallel_loop3A_130 = vector.broadcast %parallel_loop3A_129 : i32 to vector<16xi32>
        %parallel_loop3A_131 = arith.cmpi slt, %parallel_loop3A_102, %parallel_loop3A_130 : vector<16xi32>
        %parallel_loop3A_132 = arith.cmpi eq, %parallel_loop3A_96, %parallel_loop3A_108 : vector<16xi32>
        %parallel_loop3A_133 = arith.subi %parallel_loop3A_99, %parallel_loop3A_111 : vector<16xi32>
        %parallel_loop3A_134 = math.absi %parallel_loop3A_133 : vector<16xi32>
        %parallel_loop3A_135 = arith.constant 1 : i32
        %parallel_loop3A_136 = vector.broadcast %parallel_loop3A_135 : i32 to vector<16xi32>
        %parallel_loop3A_137 = arith.cmpi eq, %parallel_loop3A_134, %parallel_loop3A_136 : vector<16xi32>
        %parallel_loop3A_138 = arith.andi %parallel_loop3A_132, %parallel_loop3A_137 : vector<16xi1>
        %parallel_loop3A_139 = arith.constant 0 : i32
        %parallel_loop3A_140 = vector.broadcast %parallel_loop3A_139 : i32 to vector<16xi32>
        %parallel_loop3A_141 = arith.cmpi eq, %parallel_loop3A_133, %parallel_loop3A_140 : vector<16xi32>
        %parallel_loop3A_142 = arith.andi %parallel_loop3A_132, %parallel_loop3A_141 : vector<16xi1>
        %parallel_loop3A_143 = arith.constant 5 : i32
        %parallel_loop3A_144 = vector.broadcast %parallel_loop3A_143 : i32 to vector<16xi32>
        %parallel_loop3A_145 = arith.muli %parallel_loop3A_90, %parallel_loop3A_144 : vector<16xi32>
        %parallel_loop3A_146 = arith.addi %parallel_loop3A_145, %parallel_loop3A_102 : vector<16xi32>
        %parallel_loop3A_147 = arith.constant 31 : i32
        %parallel_loop3A_148 = vector.broadcast %parallel_loop3A_147 : i32 to vector<16xi32>
        %parallel_loop3A_149 = arith.minsi %parallel_loop3A_146, %parallel_loop3A_148 : vector<16xi32>
        %parallel_loop3A_150 = arith.constant 5 : i32
        %parallel_loop3A_151 = vector.broadcast %parallel_loop3A_150 : i32 to vector<16xi32>
        %parallel_loop3A_152 = arith.cmpi slt, %parallel_loop3A_90, %parallel_loop3A_151 : vector<16xi32>
        %parallel_loop3A_153 = arith.constant 5 : i32
        %parallel_loop3A_154 = vector.broadcast %parallel_loop3A_153 : i32 to vector<16xi32>
        %parallel_loop3A_155 = arith.cmpi slt, %parallel_loop3A_102, %parallel_loop3A_154 : vector<16xi32>
        %parallel_loop3A_156 = arith.andi %parallel_loop3A_152, %parallel_loop3A_155 : vector<16xi1>
        %parallel_loop3A_157 = arith.constant 13363626 : i32
        %parallel_loop3A_158 = vector.broadcast %parallel_loop3A_157 : i32 to vector<16xi32>
        %parallel_loop3A_159 = arith.shrui %parallel_loop3A_158, %parallel_loop3A_149 : vector<16xi32>
        %parallel_loop3A_160 = arith.constant 1 : i32
        %parallel_loop3A_161 = vector.broadcast %parallel_loop3A_160 : i32 to vector<16xi32>
        %parallel_loop3A_162 = arith.andi %parallel_loop3A_159, %parallel_loop3A_161 : vector<16xi32>
        %parallel_loop3A_163 = arith.constant 1 : i32
        %parallel_loop3A_164 = vector.broadcast %parallel_loop3A_163 : i32 to vector<16xi32>
        %parallel_loop3A_165 = arith.cmpi eq, %parallel_loop3A_162, %parallel_loop3A_164 : vector<16xi32>
        %parallel_loop3A_166 = arith.andi %parallel_loop3A_156, %parallel_loop3A_165 : vector<16xi1>
        %parallel_loop3A_167 = arith.constant 20000 : i32
        %parallel_loop3A_168 = vector.broadcast %parallel_loop3A_167 : i32 to vector<16xi32>
        %parallel_loop3A_169 = arith.muli %parallel_loop3A_30, %parallel_loop3A_168 : vector<16xi32>
        %parallel_loop3A_170 = arith.addi %parallel_loop3A_169, %parallel_loop3A_32 : vector<16xi32>
        %parallel_loop3A_171 = arith.constant 2 : i32
        %parallel_loop3A_172 = vector.broadcast %parallel_loop3A_171 : i32 to vector<16xi32>
        %parallel_loop3A_173 = arith.muli %parallel_loop3A_170, %parallel_loop3A_172 : vector<16xi32>
        %parallel_loop3A_174 = arith.constant 1 : i32
        %parallel_loop3A_175 = vector.broadcast %parallel_loop3A_174 : i32 to vector<16xi32>
        %parallel_loop3A_176 = arith.addi %mul3A_16, %parallel_loop3A_175 : vector<16xi32>
        %parallel_loop3A_177 = tpu.vector_load_idx %arg19[%parallel_loop3A_176] : memref<2048xi32, #tpu.memory_space<vmem>>[vector<16xi32>], vector<16xi32>,
        %parallel_loop3A_178 = arith.constant 2 : i32
        %parallel_loop3A_179 = vector.broadcast %parallel_loop3A_178 : i32 to vector<16xi32>
        %parallel_loop3A_180 = arith.muli %parallel_loop3A_179, %parallel_loop3A_175 : vector<16xi32>
        %parallel_loop3A_181 = arith.cmpi slt, %parallel_loop3A_177, %parallel_loop3A_173 : vector<16xi32>
        %parallel_loop3A_182 = arith.constant 1 : i32
        %parallel_loop3A_183 = arith.constant 0 : i32
        %parallel_loop3A_184 = vector.broadcast %parallel_loop3A_182 : i32 to vector<16xi32>
        %parallel_loop3A_185 = vector.broadcast %parallel_loop3A_183 : i32 to vector<16xi32>
        %parallel_loop3A_186 = arith.select %parallel_loop3A_181, %parallel_loop3A_184, %parallel_loop3A_185 : vector<16xi1>, vector<16xi32>
        %parallel_loop3A_187 = arith.addi %parallel_loop3A_180, %parallel_loop3A_186 : vector<16xi32>
        %parallel_loop3A_188 = arith.addi %mul3A_16, %parallel_loop3A_187 : vector<16xi32>
        %parallel_loop3A_189 = tpu.vector_load_idx %arg19[%parallel_loop3A_188] : memref<2048xi32, #tpu.memory_space<vmem>>[vector<16xi32>], vector<16xi32>,
        %parallel_loop3A_190 = arith.constant 2 : i32
        %parallel_loop3A_191 = vector.broadcast %parallel_loop3A_190 : i32 to vector<16xi32>
        %parallel_loop3A_192 = arith.muli %parallel_loop3A_191, %parallel_loop3A_187 : vector<16xi32>
        %parallel_loop3A_193 = arith.cmpi slt, %parallel_loop3A_189, %parallel_loop3A_173 : vector<16xi32>
        %parallel_loop3A_194 = arith.constant 1 : i32
        %parallel_loop3A_195 = arith.constant 0 : i32
        %parallel_loop3A_196 = vector.broadcast %parallel_loop3A_194 : i32 to vector<16xi32>
        %parallel_loop3A_197 = vector.broadcast %parallel_loop3A_195 : i32 to vector<16xi32>
        %parallel_loop3A_198 = arith.select %parallel_loop3A_193, %parallel_loop3A_196, %parallel_loop3A_197 : vector<16xi1>, vector<16xi32>
        %parallel_loop3A_199 = arith.addi %parallel_loop3A_192, %parallel_loop3A_198 : vector<16xi32>
        %parallel_loop3A_200 = arith.addi %mul3A_16, %parallel_loop3A_199 : vector<16xi32>
        %parallel_loop3A_201 = tpu.vector_load_idx %arg19[%parallel_loop3A_200] : memref<2048xi32, #tpu.memory_space<vmem>>[vector<16xi32>], vector<16xi32>,
        %parallel_loop3A_202 = arith.constant 2 : i32
        %parallel_loop3A_203 = vector.broadcast %parallel_loop3A_202 : i32 to vector<16xi32>
        %parallel_loop3A_204 = arith.muli %parallel_loop3A_203, %parallel_loop3A_199 : vector<16xi32>
        %parallel_loop3A_205 = arith.cmpi slt, %parallel_loop3A_201, %parallel_loop3A_173 : vector<16xi32>
        %parallel_loop3A_206 = arith.constant 1 : i32
        %parallel_loop3A_207 = arith.constant 0 : i32
        %parallel_loop3A_208 = vector.broadcast %parallel_loop3A_206 : i32 to vector<16xi32>
        %parallel_loop3A_209 = vector.broadcast %parallel_loop3A_207 : i32 to vector<16xi32>
        %parallel_loop3A_210 = arith.select %parallel_loop3A_205, %parallel_loop3A_208, %parallel_loop3A_209 : vector<16xi1>, vector<16xi32>
        %parallel_loop3A_211 = arith.addi %parallel_loop3A_204, %parallel_loop3A_210 : vector<16xi32>
        %parallel_loop3A_212 = arith.addi %mul3A_16, %parallel_loop3A_211 : vector<16xi32>
        %parallel_loop3A_213 = tpu.vector_load_idx %arg19[%parallel_loop3A_212] : memref<2048xi32, #tpu.memory_space<vmem>>[vector<16xi32>], vector<16xi32>,
        %parallel_loop3A_214 = arith.constant 2 : i32
        %parallel_loop3A_215 = vector.broadcast %parallel_loop3A_214 : i32 to vector<16xi32>
        %parallel_loop3A_216 = arith.muli %parallel_loop3A_215, %parallel_loop3A_211 : vector<16xi32>
        %parallel_loop3A_217 = arith.cmpi slt, %parallel_loop3A_213, %parallel_loop3A_173 : vector<16xi32>
        %parallel_loop3A_218 = arith.constant 1 : i32
        %parallel_loop3A_219 = arith.constant 0 : i32
        %parallel_loop3A_220 = vector.broadcast %parallel_loop3A_218 : i32 to vector<16xi32>
        %parallel_loop3A_221 = vector.broadcast %parallel_loop3A_219 : i32 to vector<16xi32>
        %parallel_loop3A_222 = arith.select %parallel_loop3A_217, %parallel_loop3A_220, %parallel_loop3A_221 : vector<16xi1>, vector<16xi32>
        %parallel_loop3A_223 = arith.addi %parallel_loop3A_216, %parallel_loop3A_222 : vector<16xi32>
        %parallel_loop3A_224 = arith.addi %mul3A_16, %parallel_loop3A_223 : vector<16xi32>
        %parallel_loop3A_225 = tpu.vector_load_idx %arg19[%parallel_loop3A_224] : memref<2048xi32, #tpu.memory_space<vmem>>[vector<16xi32>], vector<16xi32>,
        %parallel_loop3A_226 = arith.constant 2 : i32
        %parallel_loop3A_227 = vector.broadcast %parallel_loop3A_226 : i32 to vector<16xi32>
        %parallel_loop3A_228 = arith.muli %parallel_loop3A_227, %parallel_loop3A_223 : vector<16xi32>
        %parallel_loop3A_229 = arith.cmpi slt, %parallel_loop3A_225, %parallel_loop3A_173 : vector<16xi32>
        %parallel_loop3A_230 = arith.constant 1 : i32
        %parallel_loop3A_231 = arith.constant 0 : i32
        %parallel_loop3A_232 = vector.broadcast %parallel_loop3A_230 : i32 to vector<16xi32>
        %parallel_loop3A_233 = vector.broadcast %parallel_loop3A_231 : i32 to vector<16xi32>
        %parallel_loop3A_234 = arith.select %parallel_loop3A_229, %parallel_loop3A_232, %parallel_loop3A_233 : vector<16xi1>, vector<16xi32>
        %parallel_loop3A_235 = arith.addi %parallel_loop3A_228, %parallel_loop3A_234 : vector<16xi32>
        %parallel_loop3A_236 = arith.addi %mul3A_16, %parallel_loop3A_235 : vector<16xi32>
        %parallel_loop3A_237 = tpu.vector_load_idx %arg19[%parallel_loop3A_236] : memref<2048xi32, #tpu.memory_space<vmem>>[vector<16xi32>], vector<16xi32>,
        %parallel_loop3A_238 = arith.constant 2 : i32
        %parallel_loop3A_239 = vector.broadcast %parallel_loop3A_238 : i32 to vector<16xi32>
        %parallel_loop3A_240 = arith.muli %parallel_loop3A_239, %parallel_loop3A_235 : vector<16xi32>
        %parallel_loop3A_241 = arith.cmpi slt, %parallel_loop3A_237, %parallel_loop3A_173 : vector<16xi32>
        %parallel_loop3A_242 = arith.constant 1 : i32
        %parallel_loop3A_243 = arith.constant 0 : i32
        %parallel_loop3A_244 = vector.broadcast %parallel_loop3A_242 : i32 to vector<16xi32>
        %parallel_loop3A_245 = vector.broadcast %parallel_loop3A_243 : i32 to vector<16xi32>
        %parallel_loop3A_246 = arith.select %parallel_loop3A_241, %parallel_loop3A_244, %parallel_loop3A_245 : vector<16xi1>, vector<16xi32>
        %parallel_loop3A_247 = arith.addi %parallel_loop3A_240, %parallel_loop3A_246 : vector<16xi32>
        %parallel_loop3A_248 = arith.addi %mul3A_16, %parallel_loop3A_247 : vector<16xi32>
        %parallel_loop3A_249 = tpu.vector_load_idx %arg19[%parallel_loop3A_248] : memref<2048xi32, #tpu.memory_space<vmem>>[vector<16xi32>], vector<16xi32>,
        %parallel_loop3A_250 = arith.constant 2 : i32
        %parallel_loop3A_251 = vector.broadcast %parallel_loop3A_250 : i32 to vector<16xi32>
        %parallel_loop3A_252 = arith.muli %parallel_loop3A_251, %parallel_loop3A_247 : vector<16xi32>
        %parallel_loop3A_253 = arith.cmpi slt, %parallel_loop3A_249, %parallel_loop3A_173 : vector<16xi32>
        %parallel_loop3A_254 = arith.constant 1 : i32
        %parallel_loop3A_255 = arith.constant 0 : i32
        %parallel_loop3A_256 = vector.broadcast %parallel_loop3A_254 : i32 to vector<16xi32>
        %parallel_loop3A_257 = vector.broadcast %parallel_loop3A_255 : i32 to vector<16xi32>
        %parallel_loop3A_258 = arith.select %parallel_loop3A_253, %parallel_loop3A_256, %parallel_loop3A_257 : vector<16xi1>, vector<16xi32>
        %parallel_loop3A_259 = arith.addi %parallel_loop3A_252, %parallel_loop3A_258 : vector<16xi32>
        %parallel_loop3A_260 = arith.constant 128 : i32
        %parallel_loop3A_261 = vector.broadcast %parallel_loop3A_260 : i32 to vector<16xi32>
        %parallel_loop3A_262 = arith.subi %parallel_loop3A_259, %parallel_loop3A_261 : vector<16xi32>
        %parallel_loop3A_263 = arith.constant 128 : i32
        %parallel_loop3A_264 = vector.broadcast %parallel_loop3A_263 : i32 to vector<16xi32>
        %parallel_loop3A_265 = arith.muli %parallel_loop3A_262, %parallel_loop3A_264 : vector<16xi32>
        %parallel_loop3A_266 = arith.constant 63 : i32
        %parallel_loop3A_267 = vector.broadcast %parallel_loop3A_266 : i32 to vector<16xi32>
        %parallel_loop3A_268 = arith.addi %parallel_loop3A_265, %parallel_loop3A_267 : vector<16xi32>
        %parallel_loop3A_269 = tpu.vector_load_idx %arg18[%parallel_loop3A_268] : memref<16400xi32, #tpu.memory_space<vmem>>[vector<16xi32>], vector<16xi32>,
        %parallel_loop3A_270 = arith.cmpi slt, %parallel_loop3A_269, %parallel_loop3A_173 : vector<16xi32>
        %parallel_loop3A_271 = arith.constant 64 : i32
        %parallel_loop3A_272 = vector.broadcast %parallel_loop3A_271 : i32 to vector<16xi32>
        %parallel_loop3A_273 = arith.addi %parallel_loop3A_265, %parallel_loop3A_272 : vector<16xi32>
        %parallel_loop3A_274 = arith.select %parallel_loop3A_270, %parallel_loop3A_273, %parallel_loop3A_265 : vector<16xi1>, vector<16xi32>
        %parallel_loop3A_275 = arith.constant 31 : i32
        %parallel_loop3A_276 = vector.broadcast %parallel_loop3A_275 : i32 to vector<16xi32>
        %parallel_loop3A_277 = arith.addi %parallel_loop3A_274, %parallel_loop3A_276 : vector<16xi32>
        %parallel_loop3A_278 = tpu.vector_load_idx %arg18[%parallel_loop3A_277] : memref<16400xi32, #tpu.memory_space<vmem>>[vector<16xi32>], vector<16xi32>,
        %parallel_loop3A_279 = arith.cmpi slt, %parallel_loop3A_278, %parallel_loop3A_173 : vector<16xi32>
        %parallel_loop3A_280 = arith.constant 32 : i32
        %parallel_loop3A_281 = vector.broadcast %parallel_loop3A_280 : i32 to vector<16xi32>
        %parallel_loop3A_282 = arith.addi %parallel_loop3A_274, %parallel_loop3A_281 : vector<16xi32>
        %parallel_loop3A_283 = arith.select %parallel_loop3A_279, %parallel_loop3A_282, %parallel_loop3A_274 : vector<16xi1>, vector<16xi32>
        %parallel_loop3A_284 = arith.constant 15 : i32
        %parallel_loop3A_285 = vector.broadcast %parallel_loop3A_284 : i32 to vector<16xi32>
        %parallel_loop3A_286 = arith.addi %parallel_loop3A_283, %parallel_loop3A_285 : vector<16xi32>
        %parallel_loop3A_287 = tpu.vector_load_idx %arg18[%parallel_loop3A_286] : memref<16400xi32, #tpu.memory_space<vmem>>[vector<16xi32>], vector<16xi32>,
        %parallel_loop3A_288 = arith.cmpi slt, %parallel_loop3A_287, %parallel_loop3A_173 : vector<16xi32>
        %parallel_loop3A_289 = arith.constant 16 : i32
        %parallel_loop3A_290 = vector.broadcast %parallel_loop3A_289 : i32 to vector<16xi32>
        %parallel_loop3A_291 = arith.addi %parallel_loop3A_283, %parallel_loop3A_290 : vector<16xi32>
        %parallel_loop3A_292 = arith.select %parallel_loop3A_288, %parallel_loop3A_291, %parallel_loop3A_283 : vector<16xi1>, vector<16xi32>
        %parallel_loop3A_293 = arith.constant 7 : i32
        %parallel_loop3A_294 = vector.broadcast %parallel_loop3A_293 : i32 to vector<16xi32>
        %parallel_loop3A_295 = arith.addi %parallel_loop3A_292, %parallel_loop3A_294 : vector<16xi32>
        %parallel_loop3A_296 = tpu.vector_load_idx %arg18[%parallel_loop3A_295] : memref<16400xi32, #tpu.memory_space<vmem>>[vector<16xi32>], vector<16xi32>,
        %parallel_loop3A_297 = arith.cmpi slt, %parallel_loop3A_296, %parallel_loop3A_173 : vector<16xi32>
        %parallel_loop3A_298 = arith.constant 8 : i32
        %parallel_loop3A_299 = vector.broadcast %parallel_loop3A_298 : i32 to vector<16xi32>
        %parallel_loop3A_300 = arith.addi %parallel_loop3A_292, %parallel_loop3A_299 : vector<16xi32>
        %parallel_loop3A_301 = arith.select %parallel_loop3A_297, %parallel_loop3A_300, %parallel_loop3A_292 : vector<16xi1>, vector<16xi32>
        %parallel_loop3A_302 = arith.constant 3 : i32
        %parallel_loop3A_303 = vector.broadcast %parallel_loop3A_302 : i32 to vector<16xi32>
        %parallel_loop3A_304 = arith.addi %parallel_loop3A_301, %parallel_loop3A_303 : vector<16xi32>
        %parallel_loop3A_305 = tpu.vector_load_idx %arg18[%parallel_loop3A_304] : memref<16400xi32, #tpu.memory_space<vmem>>[vector<16xi32>], vector<16xi32>,
        %parallel_loop3A_306 = arith.cmpi slt, %parallel_loop3A_305, %parallel_loop3A_173 : vector<16xi32>
        %parallel_loop3A_307 = arith.constant 4 : i32
        %parallel_loop3A_308 = vector.broadcast %parallel_loop3A_307 : i32 to vector<16xi32>
        %parallel_loop3A_309 = arith.addi %parallel_loop3A_301, %parallel_loop3A_308 : vector<16xi32>
        %parallel_loop3A_310 = arith.select %parallel_loop3A_306, %parallel_loop3A_309, %parallel_loop3A_301 : vector<16xi1>, vector<16xi32>
        %parallel_loop3A_311 = arith.constant 1 : i32
        %parallel_loop3A_312 = vector.broadcast %parallel_loop3A_311 : i32 to vector<16xi32>
        %parallel_loop3A_313 = arith.addi %parallel_loop3A_310, %parallel_loop3A_312 : vector<16xi32>
        %parallel_loop3A_314 = tpu.vector_load_idx %arg18[%parallel_loop3A_313] : memref<16400xi32, #tpu.memory_space<vmem>>[vector<16xi32>], vector<16xi32>,
        %parallel_loop3A_315 = arith.cmpi slt, %parallel_loop3A_314, %parallel_loop3A_173 : vector<16xi32>
        %parallel_loop3A_316 = arith.constant 2 : i32
        %parallel_loop3A_317 = vector.broadcast %parallel_loop3A_316 : i32 to vector<16xi32>
        %parallel_loop3A_318 = arith.addi %parallel_loop3A_310, %parallel_loop3A_317 : vector<16xi32>
        %parallel_loop3A_319 = arith.select %parallel_loop3A_315, %parallel_loop3A_318, %parallel_loop3A_310 : vector<16xi1>, vector<16xi32>
        %parallel_loop3A_320 = arith.constant 0 : i32
        %parallel_loop3A_321 = vector.broadcast %parallel_loop3A_320 : i32 to vector<16xi32>
        %parallel_loop3A_322 = arith.addi %parallel_loop3A_319, %parallel_loop3A_321 : vector<16xi32>
        %parallel_loop3A_323 = tpu.vector_load_idx %arg18[%parallel_loop3A_322] : memref<16400xi32, #tpu.memory_space<vmem>>[vector<16xi32>], vector<16xi32>,
        %parallel_loop3A_324 = arith.cmpi slt, %parallel_loop3A_323, %parallel_loop3A_173 : vector<16xi32>
        %parallel_loop3A_325 = arith.constant 1 : i32
        %parallel_loop3A_326 = vector.broadcast %parallel_loop3A_325 : i32 to vector<16xi32>
        %parallel_loop3A_327 = arith.addi %parallel_loop3A_319, %parallel_loop3A_326 : vector<16xi32>
        %parallel_loop3A_328 = arith.select %parallel_loop3A_324, %parallel_loop3A_327, %parallel_loop3A_319 : vector<16xi1>, vector<16xi32>
        %parallel_loop3A_329 = tpu.vector_load_idx %arg18[%parallel_loop3A_328] : memref<16400xi32, #tpu.memory_space<vmem>>[vector<16xi32>], vector<16xi32>,
        %parallel_loop3A_330 = arith.constant 1 : i32
        %parallel_loop3A_331 = vector.broadcast %parallel_loop3A_330 : i32 to vector<16xi32>
        %parallel_loop3A_332 = arith.addi %parallel_loop3A_328, %parallel_loop3A_331 : vector<16xi32>
        %parallel_loop3A_333 = tpu.vector_load_idx %arg18[%parallel_loop3A_332] : memref<16400xi32, #tpu.memory_space<vmem>>[vector<16xi32>], vector<16xi32>,
        %parallel_loop3A_334 = arith.constant 2 : i32
        %parallel_loop3A_335 = vector.broadcast %parallel_loop3A_334 : i32 to vector<16xi32>
        %parallel_loop3A_336 = arith.addi %parallel_loop3A_328, %parallel_loop3A_335 : vector<16xi32>
        %parallel_loop3A_337 = tpu.vector_load_idx %arg18[%parallel_loop3A_336] : memref<16400xi32, #tpu.memory_space<vmem>>[vector<16xi32>], vector<16xi32>,
        %parallel_loop3A_338 = arith.cmpi eq, %parallel_loop3A_329, %parallel_loop3A_173 : vector<16xi32>
        %parallel_loop3A_339 = arith.constant 1 : i32
        %parallel_loop3A_340 = vector.broadcast %parallel_loop3A_339 : i32 to vector<16xi32>
        %parallel_loop3A_341 = arith.addi %parallel_loop3A_173, %parallel_loop3A_340 : vector<16xi32>
        %parallel_loop3A_342 = arith.cmpi eq, %parallel_loop3A_329, %parallel_loop3A_341 : vector<16xi32>
        %parallel_loop3A_343 = arith.constant 1 : i32
        %parallel_loop3A_344 = vector.broadcast %parallel_loop3A_343 : i32 to vector<16xi32>
        %parallel_loop3A_345 = arith.addi %parallel_loop3A_173, %parallel_loop3A_344 : vector<16xi32>
        %parallel_loop3A_346 = arith.cmpi eq, %parallel_loop3A_333, %parallel_loop3A_345 : vector<16xi32>
        %parallel_loop3A_347 = arith.ori %parallel_loop3A_342, %parallel_loop3A_346 : vector<16xi1>
        %parallel_loop3A_348 = arith.constant 1 : i32
        %parallel_loop3A_349 = vector.broadcast %parallel_loop3A_348 : i32 to vector<16xi32>
        %parallel_loop3A_350 = arith.addi %parallel_loop3A_173, %parallel_loop3A_349 : vector<16xi32>
        %parallel_loop3A_351 = arith.cmpi eq, %parallel_loop3A_337, %parallel_loop3A_350 : vector<16xi32>
        %parallel_loop3A_352 = arith.ori %parallel_loop3A_347, %parallel_loop3A_351 : vector<16xi1>
        %parallel_loop3A_353 = arith.constant dense<true> : vector<16xi1>
        %parallel_loop3A_354 = arith.xori %parallel_loop3A_166, %parallel_loop3A_353 : vector<16xi1>
        %parallel_loop3A_355 = arith.constant dense<true> : vector<16xi1>
        %parallel_loop3A_356 = arith.xori %parallel_loop3A_138, %parallel_loop3A_355 : vector<16xi1>
        %parallel_loop3A_357 = arith.constant dense<true> : vector<16xi1>
        %parallel_loop3A_358 = arith.xori %parallel_loop3A_142, %parallel_loop3A_357 : vector<16xi1>
        %parallel_loop3A_359 = arith.constant dense<true> : vector<16xi1>
        %parallel_loop3A_360 = arith.xori %parallel_loop3A_338, %parallel_loop3A_359 : vector<16xi1>
        %parallel_loop3A_361 = arith.andi %parallel_loop3A_138, %parallel_loop3A_128 : vector<16xi1>
        %parallel_loop3A_362 = arith.andi %parallel_loop3A_361, %parallel_loop3A_131 : vector<16xi1>
        %parallel_loop3A_363 = arith.andi %parallel_loop3A_362, %parallel_loop3A_354 : vector<16xi1>
        %parallel_loop3A_364 = arith.andi %parallel_loop3A_142, %parallel_loop3A_356 : vector<16xi1>
        %parallel_loop3A_365 = arith.andi %parallel_loop3A_364, %parallel_loop3A_354 : vector<16xi1>
        %parallel_loop3A_366 = arith.xori %parallel_loop3A_128, %parallel_loop3A_131 : vector<16xi1>
        %parallel_loop3A_367 = arith.andi %parallel_loop3A_366, %parallel_loop3A_356 : vector<16xi1>
        %parallel_loop3A_368 = arith.andi %parallel_loop3A_367, %parallel_loop3A_358 : vector<16xi1>
        %parallel_loop3A_369 = arith.andi %parallel_loop3A_368, %parallel_loop3A_360 : vector<16xi1>
        %parallel_loop3A_370 = arith.andi %parallel_loop3A_369, %parallel_loop3A_354 : vector<16xi1>
        %parallel_loop3A_371 = arith.constant dense<true> : vector<16xi1>
        %parallel_loop3A_372 = arith.xori %parallel_loop3A_128, %parallel_loop3A_371 : vector<16xi1>
        %parallel_loop3A_373 = arith.constant dense<true> : vector<16xi1>
        %parallel_loop3A_374 = arith.xori %parallel_loop3A_131, %parallel_loop3A_373 : vector<16xi1>
        %parallel_loop3A_375 = arith.andi %parallel_loop3A_372, %parallel_loop3A_374 : vector<16xi1>
        %parallel_loop3A_376 = arith.andi %parallel_loop3A_375, %parallel_loop3A_356 : vector<16xi1>
        %parallel_loop3A_377 = arith.andi %parallel_loop3A_376, %parallel_loop3A_358 : vector<16xi1>
        %parallel_loop3A_378 = arith.andi %parallel_loop3A_377, %parallel_loop3A_360 : vector<16xi1>
        %parallel_loop3A_379 = arith.constant dense<true> : vector<16xi1>
        %parallel_loop3A_380 = arith.xori %parallel_loop3A_352, %parallel_loop3A_379 : vector<16xi1>
        %parallel_loop3A_381 = arith.andi %parallel_loop3A_378, %parallel_loop3A_380 : vector<16xi1>
        %parallel_loop3A_382 = arith.andi %parallel_loop3A_381, %parallel_loop3A_354 : vector<16xi1>
        %parallel_loop3A_383 = arith.subf %parallel_loop3A_114, %parallel_loop3A_87 : vector<16xf32>
        %parallel_loop3A_384 = arith.constant 0.000000e+00 : f32
        %parallel_loop3A_385 = vector.broadcast %parallel_loop3A_384 : f32 to vector<16xf32>
        %parallel_loop3A_386 = arith.addf %parallel_loop3A_383, %get3A_3 : vector<16xf32>
        %parallel_loop3A_387 = arith.andi %parallel_loop3A_125, %parallel_loop3A_363 : vector<16xi1>
        %parallel_loop3A_388 = arith.constant 0.000000e+00 : f32
        %parallel_loop3A_389 = vector.broadcast %parallel_loop3A_388 : f32 to vector<16xf32>
        %parallel_loop3A_390 = arith.cmpf oge, %parallel_loop3A_386, %parallel_loop3A_389 : vector<16xf32>
        %parallel_loop3A_391 = arith.andi %parallel_loop3A_387, %parallel_loop3A_390 : vector<16xi1>
        %parallel_loop3A_392 = arith.mulf %parallel_loop3A_386, %parallel_loop3A_386 : vector<16xf32>
        %parallel_loop3A_393 = arith.constant 0.000000e+00 : f32
        %parallel_loop3A_394 = vector.broadcast %parallel_loop3A_393 : f32 to vector<16xf32>
        %parallel_loop3A_395 = arith.select %parallel_loop3A_391, %parallel_loop3A_392, %parallel_loop3A_394 : vector<16xi1>, vector<16xf32>
        %parallel_loop3A_396 = arith.addf %parallel_loop3A_385, %parallel_loop3A_395 : vector<16xf32>
        %parallel_loop3A_397 = arith.addf %parallel_loop3A_383, %get3A_5 : vector<16xf32>
        %parallel_loop3A_398 = arith.andi %parallel_loop3A_125, %parallel_loop3A_365 : vector<16xi1>
        %parallel_loop3A_399 = arith.constant 0.000000e+00 : f32
        %parallel_loop3A_400 = vector.broadcast %parallel_loop3A_399 : f32 to vector<16xf32>
        %parallel_loop3A_401 = arith.cmpf oge, %parallel_loop3A_397, %parallel_loop3A_400 : vector<16xf32>
        %parallel_loop3A_402 = arith.andi %parallel_loop3A_398, %parallel_loop3A_401 : vector<16xi1>
        %parallel_loop3A_403 = arith.mulf %parallel_loop3A_397, %parallel_loop3A_397 : vector<16xf32>
        %parallel_loop3A_404 = arith.constant 0.000000e+00 : f32
        %parallel_loop3A_405 = vector.broadcast %parallel_loop3A_404 : f32 to vector<16xf32>
        %parallel_loop3A_406 = arith.select %parallel_loop3A_402, %parallel_loop3A_403, %parallel_loop3A_405 : vector<16xi1>, vector<16xf32>
        %parallel_loop3A_407 = arith.addf %parallel_loop3A_396, %parallel_loop3A_406 : vector<16xf32>
        %parallel_loop3A_408 = arith.addf %parallel_loop3A_383, %get3A_7 : vector<16xf32>
        %parallel_loop3A_409 = arith.andi %parallel_loop3A_125, %parallel_loop3A_370 : vector<16xi1>
        %parallel_loop3A_410 = arith.constant 0.000000e+00 : f32
        %parallel_loop3A_411 = vector.broadcast %parallel_loop3A_410 : f32 to vector<16xf32>
        %parallel_loop3A_412 = arith.cmpf oge, %parallel_loop3A_408, %parallel_loop3A_411 : vector<16xf32>
        %parallel_loop3A_413 = arith.andi %parallel_loop3A_409, %parallel_loop3A_412 : vector<16xi1>
        %parallel_loop3A_414 = arith.mulf %parallel_loop3A_408, %parallel_loop3A_408 : vector<16xf32>
        %parallel_loop3A_415 = arith.constant 0.000000e+00 : f32
        %parallel_loop3A_416 = vector.broadcast %parallel_loop3A_415 : f32 to vector<16xf32>
        %parallel_loop3A_417 = arith.select %parallel_loop3A_413, %parallel_loop3A_414, %parallel_loop3A_416 : vector<16xi1>, vector<16xf32>
        %parallel_loop3A_418 = arith.addf %parallel_loop3A_407, %parallel_loop3A_417 : vector<16xf32>
        %parallel_loop3A_419 = arith.addf %parallel_loop3A_383, %get3A_9 : vector<16xf32>
        %parallel_loop3A_420 = arith.andi %parallel_loop3A_125, %parallel_loop3A_382 : vector<16xi1>
        %parallel_loop3A_421 = arith.constant 0.000000e+00 : f32
        %parallel_loop3A_422 = vector.broadcast %parallel_loop3A_421 : f32 to vector<16xf32>
        %parallel_loop3A_423 = arith.cmpf oge, %parallel_loop3A_419, %parallel_loop3A_422 : vector<16xf32>
        %parallel_loop3A_424 = arith.andi %parallel_loop3A_420, %parallel_loop3A_423 : vector<16xi1>
        %parallel_loop3A_425 = arith.mulf %parallel_loop3A_419, %parallel_loop3A_419 : vector<16xf32>
        %parallel_loop3A_426 = arith.constant 0.000000e+00 : f32
        %parallel_loop3A_427 = vector.broadcast %parallel_loop3A_426 : f32 to vector<16xf32>
        %parallel_loop3A_428 = arith.select %parallel_loop3A_424, %parallel_loop3A_425, %parallel_loop3A_427 : vector<16xi1>, vector<16xf32>
        %parallel_loop3A_429 = arith.addf %parallel_loop3A_418, %parallel_loop3A_428 : vector<16xf32>
        %parallel_loop3A_430 = arith.addf %parallel_loop3A_383, %get3A_11 : vector<16xf32>
        %parallel_loop3A_431 = arith.andi %parallel_loop3A_125, %parallel_loop3A_338 : vector<16xi1>
        %parallel_loop3A_432 = arith.constant 0.000000e+00 : f32
        %parallel_loop3A_433 = vector.broadcast %parallel_loop3A_432 : f32 to vector<16xf32>
        %parallel_loop3A_434 = arith.cmpf oge, %parallel_loop3A_430, %parallel_loop3A_433 : vector<16xf32>
        %parallel_loop3A_435 = arith.andi %parallel_loop3A_431, %parallel_loop3A_434 : vector<16xi1>
        %parallel_loop3A_436 = arith.mulf %parallel_loop3A_430, %parallel_loop3A_430 : vector<16xf32>
        %parallel_loop3A_437 = arith.constant 0.000000e+00 : f32
        %parallel_loop3A_438 = vector.broadcast %parallel_loop3A_437 : f32 to vector<16xf32>
        %parallel_loop3A_439 = arith.select %parallel_loop3A_435, %parallel_loop3A_436, %parallel_loop3A_438 : vector<16xi1>, vector<16xf32>
        %parallel_loop3A_440 = arith.addf %parallel_loop3A_429, %parallel_loop3A_439 : vector<16xf32>
        %parallel_loop3A_441 = arith.addf %parallel_loop3A_383, %get3A_13 : vector<16xf32>
        %parallel_loop3A_442 = arith.andi %parallel_loop3A_125, %parallel_loop3A_352 : vector<16xi1>
        %parallel_loop3A_443 = arith.constant 0.000000e+00 : f32
        %parallel_loop3A_444 = vector.broadcast %parallel_loop3A_443 : f32 to vector<16xf32>
        %parallel_loop3A_445 = arith.cmpf oge, %parallel_loop3A_441, %parallel_loop3A_444 : vector<16xf32>
        %parallel_loop3A_446 = arith.andi %parallel_loop3A_442, %parallel_loop3A_445 : vector<16xi1>
        %parallel_loop3A_447 = arith.mulf %parallel_loop3A_441, %parallel_loop3A_441 : vector<16xf32>
        %parallel_loop3A_448 = arith.constant 0.000000e+00 : f32
        %parallel_loop3A_449 = vector.broadcast %parallel_loop3A_448 : f32 to vector<16xf32>
        %parallel_loop3A_450 = arith.select %parallel_loop3A_446, %parallel_loop3A_447, %parallel_loop3A_449 : vector<16xi1>, vector<16xf32>
        %parallel_loop3A_451 = arith.addf %parallel_loop3A_440, %parallel_loop3A_450 : vector<16xf32>
        %parallel_loop3A_452 = arith.index_cast %parallel_loop3A_28 : i32 to index
        %parallel_loop3A_453 = tpu.vector_load %arg23[%parallel_loop3A_452] {strides = array<i32>} : memref<2048xf32, #tpu.memory_space<vmem>>, vector<16xf32>,
        tpu.vector_store %arg23[%parallel_loop3A_452], %parallel_loop3A_451 {strides = array<i32>} : memref<2048xf32, #tpu.memory_space<vmem>>, vector<16xf32>,
      } {sc.loop_unroll_factor = 16 : i64, sc.parallel_access}
      "tpu.region"() ({
        %run_scoped3A = tpu.sem_alloc : memref<!tpu.dma_semaphore, #tpu.memory_space<semaphore_mem>>
        %dma_start3A = tpu.memref_slice %arg12[%multiple_of3A] : memref<1048576xf32, #tpu.memory_space<hbm>> -> memref<2048xf32, #tpu.memory_space<hbm>>
        %dma_start3A_28 = tpu.memref_slice %arg12[%multiple_of3A] : memref<1048576xf32, #tpu.memory_space<hbm>> -> memref<2048xf32, #tpu.memory_space<hbm>>
        tpu.enqueue_dma source(%arg23 : memref<2048xf32, #tpu.memory_space<vmem>>) target(%dma_start3A_28 : memref<2048xf32, #tpu.memory_space<hbm>>) target_semaphore(%run_scoped3A : memref<!tpu.dma_semaphore, #tpu.memory_space<semaphore_mem>>)
        %dma_wait3A = tpu.memref_slice %arg12[%multiple_of3A] : memref<1048576xf32, #tpu.memory_space<hbm>> -> memref<2048xf32, #tpu.memory_space<hbm>>
        %dma_wait3A_29 = tpu.memref_slice %arg12[%multiple_of3A] : memref<1048576xf32, #tpu.memory_space<hbm>> -> memref<2048xf32, #tpu.memory_space<hbm>>
        tpu.wait_dma2 semaphore(%run_scoped3A : memref<!tpu.dma_semaphore, #tpu.memory_space<semaphore_mem>>) src(%arg23 : memref<2048xf32, #tpu.memory_space<vmem>>) dst(%dma_wait3A_29 : memref<2048xf32, #tpu.memory_space<hbm>>)
        tpu.yield
      }) : () -> ()
    }
    %scan3A_21 = arith.constant 16 : i32
    return
  }
}

</mosaic_0001>

<sc_bundles>
// kernel: kernel.3.cloned.1.call-start
scs
__scs_entry_jumppad:
0x0: {  	(pc) =	sbr.rel $0x88, $3  }
0x1: {  	(tag) =	ssettag $0x0;
	lr =	simm.s32 $0x1  }
0x2: {  	[smem:$0x3F9A] =	sst lr;
	_ =	strace $0xD0000000  }
0x3: {  	_ = 	snop  }
0x4: {  	_ = 	snop  }
0x5: {  	_ = 	snop  }
0x6: {  	_ = 	snop  }
0x7: {  	_ = 	snop  }
__scs_overlays_trampoline_lowered:
0x8: {  	[smem:$0x3FA9] =	sst s0  }
0x9: {  	[smem:$0x3FAA] =	sst s1  }
0xa: {  	[smem:$0x3FAB] =	sst s2  }
0xb: {  	[smem:$0x3FAC] =	sst s3  }
0xc: {  	[smem:$0x3FAD] =	sst s4  }
0xd: {  	[smem:$0x3FAE] =	sst s5  }
0xe: {  	[smem:$0x3FAF] =	sst s6  }
0xf: {  	[smem:$0x3FB0] =	sst s7  }
0x10: {  	[smem:$0x3FB1] =	sst s8  }
0x11: {  	[smem:$0x3FB2] =	sst s9;
	s0 =	simm.s32 @!p0 $0x0  }
0x12: {  	s1 =	sld [smem:$0x3F98];
	s0 =	simm.s32 @p0 $0x1  }
0x13: {  	[smem:$0x3FB3] =	sst s0;
	s0 =	simm.s32 @!p1 $0x0  }
0x14: {  	s2 =	sld [smem:$0x3F97];
	s0 =	simm.s32 @p1 $0x1  }
0x15: {  	[smem:$0x3FB4] =	sst s0;
	s0 =	simm.s32 @!p2 $0x0  }
0x16: {  	s3 =	sld [smem:$0x3FDB];
	s0 =	simm.s32 @p2 $0x1  }
0x17: {  	s4 =	simm.s32 $0x1BF5;
	[smem:$0x3FB6] =	sst s0  }
0x18: {  	s0 =	sld [smem:$0x3F99];
	_ =	swait.ge [sflag:s4], $0x0  }
0x19: {  	s7 =	sld [smem:$0x3F9A]  }
0x1a: {  	s8 =	sadd.s32 $0xFFFFE003, lr  }
0x1b: {  	s9 =	sadd.s32 $0xFFFFFEF7, lr;
	s5 =	simm.s32 $0xFFFFFFFF;
	p2 =	slt.u32 s8, $0xFFFFF086  }
0x1c: {  	p1 =	slt.u32 s9, $0xF7A;
	s5 =	simm.s32 @!p2 $0x0  }
0x1d: {  	s5 =	simm.s32 @p1 $0x1;
	p0 =	seq.s32 s7, s2  }
0x1e: {  	s7 =	smul.u32 @!p0 $0xF7A, s2;
	p2 =	seq.s32 @!p0 s5, $0x0  }
0x1f: {  	s9 =	smul.u32 $0xF7A, s1;
	s8 =	simm.s32 @!p0 $0x1BF5;
	p2 =	por !p2, p0  }
0x20: {  	[sflag:s8] =	ssyncset.s32 @!p0 $0xFFFFF086;
	s6 =	sadd.s32 @!p0 s3, s7;
	s7 =	simm.s32 @!p0 $0x108  }
0x21: {  	s3 =	sadd.s32 s3, s9;
	s6 =	sadd.s32 @!p0 $0x88, s6;
	s7 =	simm.s32 @p2 $0x1082  }
0x22: {  	[simem:s7], [sflag:s8] =	dma.local @!p0 [hbm:s6], $0xF7A  }
0x23: {  	s9 =	sor.u32 $0xD0000000, s2;
	s6 =	simm.s32 $0x108;
	_ =	swait.ge @!p0 [sflag:s8], $0x0  }
0x24: {  	s3 =	sadd.s32 $0x88, s3;
	s6 =	simm.s32 @!p1 $0x1082;
	[sflag:s4] =	ssyncset.s32 $0xFFFFF086  }
0x25: {  	[simem:s6], [sflag:s4] =	dma.local [hbm:s3], $0xF7A  }
0x26: {  	[smem:$0x3F9A] =	sst s1;
	(tag) =	ssettag s2;
	_ =	strace s9  }
0x27: {  	s1 =	sld [smem:$0x3FAA]  }
0x28: {  	s2 =	sld [smem:$0x3FAB]  }
0x29: {  	s4 =	sld [smem:$0x3FAD]  }
0x2a: {  	p0 =	seq.s32 s5, $0x0;
	s5 =	sld [smem:$0x3FAE]  }
0x2b: {  	s6 =	sld [smem:$0x3FAF]  }
0x2c: {  	s7 =	sld [smem:$0x3FB0]  }
0x2d: {  	s3 =	simm.s32 $0x108;
	s8 =	sld [smem:$0x3FB1]  }
0x2e: {  	s3 =	simm.s32 @!p0 $0x1082;
	s9 =	sld [smem:$0x3FB2]  }
0x2f: {  	lr =	sadd.s32 s0, s3;
	s0 =	sld [smem:$0x3FA9]  }
0x30: {  	s3 =	sld [smem:$0x3FAC]  }
0x31: {  	[smem:$0x3FB5] =	sst s10  }
0x32: {  	s10 =	sld [smem:$0x3FB3];
	_ =	sdelay $0x3  }
0x33: {  	p0 =	seq.s32 s10, $0x1;
	s10 =	sld [smem:$0x3FB5];
	_ =	sdelay $0x3  }
0x34: {  	[smem:$0x3FB5] =	sst s10  }
0x35: {  	s10 =	sld [smem:$0x3FB4];
	_ =	sdelay $0x3  }
0x36: {  	p1 =	seq.s32 s10, $0x1;
	s10 =	sld [smem:$0x3FB5];
	_ =	sdelay $0x3  }
0x37: {  	[smem:$0x3FB5] =	sst s10  }
0x38: {  	s10 =	sld [smem:$0x3FB6]  }
0x39: {  	_ = 	snop;
	(pc) =	sbr.ind lr, $3  }
0x3a: {  	_ = 	snop  }
0x3b: {  	_ = 	snop  }
0x3c: {  	p2 =	seq.s32 s10, $0x1;
	s10 =	sld [smem:$0x3FB5]  }
0x3d: {  	_ =	shalt  }
0x3e: {  	_ =	shalt  }
0x3f: {  	_ =	shalt  }
0x40: {  	_ =	shalt  }
0x41: {  	_ =	shalt  }
0x42: {  	_ =	shalt  }
0x43: {  	_ =	shalt  }
0x44: {  	_ =	shalt  }
0x45: {  	_ =	shalt  }
0x46: {  	_ =	shalt  }
0x47: {  	_ =	shalt  }
0x48: {  	_ =	shalt  }
0x49: {  	_ =	shalt  }
0x4a: {  	_ =	shalt  }
0x4b: {  	_ =	shalt  }
0x4c: {  	_ =	shalt  }
0x4d: {  	_ =	shalt  }
0x4e: {  	_ =	shalt  }
0x4f: {  	_ =	shalt  }
0x50: {  	_ =	shalt  }
0x51: {  	_ =	shalt  }
0x52: {  	_ =	shalt  }
0x53: {  	_ =	shalt  }
0x54: {  	_ =	shalt  }
0x55: {  	_ =	shalt  }
0x56: {  	_ =	shalt  }
0x57: {  	_ =	shalt  }
0x58: {  	_ =	shalt  }
0x59: {  	_ =	shalt  }
0x5a: {  	_ =	shalt  }
0x5b: {  	_ =	shalt  }
0x5c: {  	_ =	shalt  }
0x5d: {  	_ =	shalt  }
0x5e: {  	_ =	shalt  }
0x5f: {  	_ =	shalt  }
0x60: {  	_ =	shalt  }
0x61: {  	_ =	shalt  }
0x62: {  	_ =	shalt  }
0x63: {  	_ =	shalt  }
0x64: {  	_ =	shalt  }
0x65: {  	_ =	shalt  }
0x66: {  	_ =	shalt  }
0x67: {  	_ =	shalt  }
0x68: {  	_ =	shalt  }
0x69: {  	_ =	shalt  }
0x6a: {  	_ =	shalt  }
0x6b: {  	_ =	shalt  }
0x6c: {  	_ =	shalt  }
0x6d: {  	_ =	shalt  }
0x6e: {  	_ =	shalt  }
0x6f: {  	_ =	shalt  }
0x70: {  	_ =	shalt  }
0x71: {  	_ =	shalt  }
0x72: {  	_ =	shalt  }
0x73: {  	_ =	shalt  }
0x74: {  	_ =	shalt  }
0x75: {  	_ =	shalt  }
0x76: {  	_ =	shalt  }
0x77: {  	_ =	shalt  }
0x78: {  	_ =	shalt  }
0x79: {  	_ =	shalt  }
0x7a: {  	_ =	shalt  }
0x7b: {  	_ =	shalt  }
0x7c: {  	_ =	shalt  }
0x7d: {  	_ =	shalt  }
0x7e: {  	_ =	shalt  }
0x7f: {  	_ =	shalt  }
0x80: {  	_ =	shalt  }
0x81: {  	_ =	shalt  }
0x82: {  	_ =	shalt  }
0x83: {  	_ =	shalt  }
0x84: {  	_ =	shalt  }
0x85: {  	_ =	shalt  }
0x86: {  	_ =	shalt  }
0x87: {  	_ =	shalt  }
.Lfunc_end0:
.L_simem_size_0:
called_computation_lowered:
.L_overlay_start_0:
0x88: {  	s2 =	sld [smem:$0x3FD9]  }
0x89: {  	s3 =	sld [smem:$0x3FFE];
	_ =	sdelay $0x1  }
0x8a: {  	s1 =	srdreg.scid  }
0x8b: {  	s0 =	sand.u32 $0x1, s1  }
0x8c: {  	s17 =	sshll.u32 s0, $0xA;
	s2 =	sadd.s32 s3, s2  }
0x8d: {  	s2 =	sadd.s32 s2, s17  }
0x8e: {  	[smem:$0x3FC1] =	sst s2  }
0x8f: {  	_ = 	snop  }
0x90: {  	s2 =	sld [smem:$0x3FD0];
	(tm) =	ssettm $0x1  }
0x91: {  	s18 =	sld [smem:$0x3FFB];
	_ =	sdelay $0x3  }
0x92: {  	_ =	strace s18  }
0x93: {  	s3 =	sld [smem:$0x3FFC];
	_ =	sdelay $0x3  }
0x94: {  	_ =	strace s3  }
0x95: {  	s3 =	sld [smem:$0x3FFD];
	_ =	sdelay $0x3  }
0x96: {  	_ =	strace s3  }
0x97: {  	_ =	strace $0x8FFFFFFF  }
0x98: {  	s19 =	sld [smem:$0x3FDB];
	_ =	sdelay $0x1  }
0x99: {  	s4 =	simm.s32 $_scs_section_size  }
0x9a: {  	s5 =	simm.s32 $_size__tile_overlayer_lowered;
	s6 =	simm.s32 $_tile_overlayer_lowered  }
0x9b: {  	s22 =	simm.s32 $0x1BFF;
	s21 =	sshll.u32 s6, $0x1;
	s3 =	sadd.s32 s4, s19  }
0x9c: {  	s7 =	simm.s32 $0x0;
	s20 =	sshll.u32 s5, $0x1;
	s5 =	sadd.s32 s21, s3  }
0x9d: {  	[timem:s7], [sflag:s22] =	dma.local [hbm:s5], s20  }
0x9e: {  	_ =	swait.ge [sflag:s22], s20  }
0x9f: {  	s4 =	ssub.s32 $0x0, s20;
	[sflag:s22] =	ssyncset.done $0x0  }
0xa0: {  	[sflag:s22] =	ssyncadd.s32 s4;
	_ =	sdelay $0x1  }
0xa1: {  	s23 =	simm.s32 $0x1B8B  }
0xa2: {  	_ =	swait.ge [sflag:s23], $0x1  }
0xa3: {  	[sflag:s23] =	ssyncset.done $0x0  }
0xa4: {  	s25 =	simm.s32 $0x1B8E;
	s24 =	sld [smem:$0x3FFE];
	[sflag:s23] =	ssyncadd.s32 $0xFFFFFFFF  }
0xa5: {  	s26 =	simm.s32 $execute0_lowered;
	[smem:$0x3FD2] =	sst s25  }
0xa6: {  	s5 =	sshll.u32 s26, $0x1;
	_ =	strace $0x80000046;
	[dreg:$0x1] =	wrdreg $0xFFFFFFFF  }
0xa7: {  	s28 =	simm.s32 $_size_execute0_lowered;
	s3 =	sadd.s32 s3, s5;
	[dreg:$0x0] =	wrdreg $0x0  }
0xa8: {  	s5 =	sshll.u32 s28, $0x1;
	[dreg:$0x2] =	wrdreg s3  }
0xa9: {  	[dreg:$0x3] =	wrdreg s5  }
0xaa: {  	[dreg:$0x4] =	wrdreg $0xC0  }
0xab: {  	_ =	task [dreg:s7], $0x5FFFF  }
0xac: {  	[dreg:$0x1] =	wrdreg $0xFFFFFFFF  }
0xad: {  	[dreg:$0x0] =	wrdreg $0x60  }
0xae: {  	[dreg:$0x2] =	wrdreg s24  }
0xaf: {  	[dreg:$0x3] =	wrdreg s2  }
0xb0: {  	[dreg:$0x4] =	wrdreg $0x9  }
0xb1: {  	_ =	task.clear_ibuf [dreg:s7], $0x5FFFF;
	_ =	strace $0x90000046  }
0xb2: {  	s29 =	simm.s32 $0x9;
	_ =	strace $0x80000048  }
0xb3: {  	_ =	swait.ge [sflag:s29], $0x1  }
0xb4: {  	[sflag:s29] =	ssyncadd.s32 $0xFFFFFFFF  }
0xb5: {  	_ =	strace $0x90000048  }
0xb6: {  	_ =	sfence  }
0xb7: {  	s30 =	sld [smem:$0x0];
	_ =	sdelay $0x2  }
0xb8: {  	s31 =	sshll.u32 s1, $0xD;
	s1 =	sshrl.u32 s1, $0x2  }
0xb9: {  	s3 =	sand.u32 $0x4000, s31;
	s1 =	sadd.s32 s1, s30  }
0xba: {  	s0 =	sor.u32 s3, s0;
	s1 =	sshll.u32 s1, $0x11  }
0xbb: {  	s0 =	sor.u32 s1, s0  }
0xbc: {  	s0 =	sadd.s32 $0x8F2B, s0  }
0xbd: {  	[sflag:s0] =	ssyncadd.remote.s32 $0x1  }
0xbe: {  	_ =	sfence.sel $0xFFFF  }
0xbf: {  	[dreg:$0x0] =	wrdreg $0xFFFFFFFF;
	(pc) =	sbr.abs _section_cstart, $3  }
0xc0: {  	[dreg:$0x1] =	wrdreg $0xFFFFFFFF  }
0xc1: {  	_ =	task.clear_ibuf [dreg:s7], $0x2FFFF;
	_ =	strace $0x9FFFFFFF  }
0xc2: {  	(tm) =	ssettm $0x7FFFFFFF  }
0xc3: {  	_ =	shalt  }
tec
execute0_lowered:
.L_overlay_start_1:
0x0: {  	(tag) =	ssettag $0x1  }
0x1: {  	s1 =	rddreg [dreg:$0x0];
	s3 =	simm.s32 $0x0  }
0x2: {  	s0 =	srdreg.scid;
	s13 =	stileid.u32;
	s16 =	simm.s32 $0x1  }
0x3: {  	s17 =	simm.s32 $0x4E80;
	s18 =	simm.s32 $0x9D00;
	s19 =	simm.s32 $0xEB80  }
0x4: {  	s20 =	simm.s32 $0x13A00;
	s21 =	simm.s32 $0x13A80;
	s22 =	simm.s32 $0x17B00  }
0x5: {  	s23 =	simm.s32 $0x18300;
	s24 =	simm.s32 $0x18380;
	s25 =	simm.s32 $0x18B80  }
0x6: {  	s26 =	simm.s32 $0x19380;
	s28 =	simm.s32 $0x0;
	[smem:$0x7FF] =	sst s3  }
0x7: {  	s4 =	sadd.s32 $0x22C00, s1;
	s5 =	sadd.s32 $0x2C00, s1;
	s6 =	sadd.s32 $0x2200, s1  }
0x8: {  	s7 =	sadd.s32 $0x1800, s1;
	s8 =	sadd.s32 $0xE00, s1;
	s0 =	sand.u32 $0x1, s0  }
0x9: {  	v0 =	vlaneseq.u32;
	s10 =	sadd.s32 $0x42C00, s1;
	s11 =	sadd.s32 $0x200, s1;
	s2 =	ssub.s32 $0x2, s0  }
0xa: {  	s12 =	sadd.s32 $0xC00, s1;
	s31 =	sshll.u32 s13, $0xD;
	v0 =	vmul.u32 $0x80, v0;
	s9 =	sshrl.u32 s2, $0x1  }
0xb: {  	v1 =	vimm.s32 $0x0;
	v2 =	vimm.s32 $0xCBE9AA;
	s13 =	sadd.s32 $0x42E00, s1;
	s0 =	sshll.u32 s0, $0xC;
	s2 =	ssub.s32 s2, s9  }
0xc: {  	v4 =	vimm.s32 $0x2;
	v5 =	vimm.s32 $0xFFFFC000;
	_ =	strace $0x80000047;
	s14 =	sor.u32 s0, s31;
	v3 =	vor.u32 $0x1, v0;
	s15 =	smax.u32 s2, $0x1  }
.LBB2_1:
0xd: {  	[tilespmem:s3], [sflag:$0x1] =	stream.linear.gather [hbm4b:s6+s3], $0x4E80, $0x38;
	[tilespmem:$0x19B80] =	vst v63  }
0xe: {  	_ =	swait.ge [sflag:s16], $0x4E80  }
0xf: {  	[sflag:s16] =	ssyncset.done $0x0  }
0x10: {  	[sflag:s16] =	ssyncadd.s32 $0xFFFFB180  }
0x11: {  	[tilespmem:s17], [sflag:$0x1] =	stream.linear.gather [hbm4b:s7+s3], $0x4E80, $0x38;
	[tilespmem:$0x19B80] =	vst v63  }
0x12: {  	_ =	swait.ge [sflag:s16], $0x4E80  }
0x13: {  	[sflag:s16] =	ssyncset.done $0x0  }
0x14: {  	[sflag:s16] =	ssyncadd.s32 $0xFFFFB180  }
0x15: {  	s0 =	rddreg [dreg:$0x1]  }
0x16: {  	[tilespmem:s18], [sflag:$0x1] =	stream.linear.gather [hbm4b:s0+s3], $0x4E80, $0x38;
	[tilespmem:$0x19B80] =	vst v63  }
0x17: {  	_ =	swait.ge [sflag:s16], $0x4E80  }
0x18: {  	[sflag:s16] =	ssyncset.done $0x0  }
0x19: {  	[sflag:s16] =	ssyncadd.s32 $0xFFFFB180  }
0x1a: {  	[tilespmem:s19], [sflag:$0x1] =	stream.linear.gather [hbm4b:s8+s3], $0x4E80, $0x38;
	[tilespmem:$0x19B80] =	vst v63  }
0x1b: {  	_ =	swait.ge [sflag:s16], $0x4E80  }
0x1c: {  	[sflag:s16] =	ssyncset.done $0x0  }
0x1d: {  	[sflag:s16] =	ssyncadd.s32 $0xFFFFB180  }
0x1e: {  	[tilespmem:s20], [sflag:$0x1] =	stream.linear.gather [hbm4b:s10+s3], $0x80, $0x38;
	[tilespmem:$0x19B80] =	vst v63  }
0x1f: {  	_ =	swait.ge [sflag:s16], $0x80  }
0x20: {  	[sflag:s16] =	ssyncset.done $0x0  }
0x21: {  	[sflag:s16] =	ssyncadd.s32 $0xFFFFFF80  }
0x22: {  	[tilespmem:s21], [sflag:$0x1] =	stream.linear.gather [hbm4b:s11+s3], $0x4080, $0x38;
	[tilespmem:$0x19B80] =	vst v63  }
0x23: {  	_ =	swait.ge [sflag:s16], $0x4080  }
0x24: {  	[sflag:s16] =	ssyncset.done $0x0  }
0x25: {  	[sflag:s16] =	ssyncadd.s32 $0xFFFFBF80  }
0x26: {  	[tilespmem:s22], [sflag:$0x1] =	stream.linear.gather [hbm4b:s12+s3], $0x800, $0x38;
	[tilespmem:$0x19B80] =	vst v63  }
0x27: {  	_ =	swait.ge [sflag:s16], $0x800  }
0x28: {  	[sflag:s16] =	ssyncset.done $0x0  }
0x29: {  	[sflag:s16] =	ssyncadd.s32 $0xFFFFF800  }
0x2a: {  	[tilespmem:s23], [sflag:$0x1] =	stream.linear.gather [hbm4b:s1+s3], $0x80, $0x38;
	[tilespmem:$0x19B80] =	vst v63  }
0x2b: {  	_ =	swait.ge [sflag:s16], $0x80  }
0x2c: {  	[sflag:s16] =	ssyncset.done $0x0  }
0x2d: {  	[sflag:s16] =	ssyncadd.s32 $0xFFFFFF80  }
0x2e: {  	v6 =	vld [tilespmem:$0x18300]  }
0x2f: {  	v7 =	vld [tilespmem:$0x18310]  }
0x30: {  	v8 =	vld [tilespmem:$0x18320]  }
0x31: {  	v9 =	vld [tilespmem:$0x18330]  }
0x32: {  	v10 =	vld [tilespmem:$0x18340]  }
0x33: {  	s29 =	simm.s32 $0x0;
	v11 =	vld [tilespmem:$0x18350]  }
.LBB2_2:
0x34: {  	s0 =	sshll.u32 s29, $0x8  }
0x35: {  	s30 =	sadd.s32 s14, s0  }
0x36: {  	s0 =	sadd.s32 s4, s30  }
0x37: {  	[tilespmem:s24], [sflag:$0x1] =	stream.linear.gather [hbm4b:s0+s3], $0x800, $0x38;
	[tilespmem:$0x19B80] =	vst v63  }
0x38: {  	_ =	swait.ge [sflag:s16], $0x800  }
0x39: {  	[sflag:s16] =	ssyncset.done $0x0  }
0x3a: {  	s9 =	sadd.s32 s5, s30;
	[sflag:s16] =	ssyncadd.s32 $0xFFFFF800  }
0x3b: {  	[tilespmem:s25], [sflag:$0x1] =	stream.linear.gather [hbm4b:s9+s3], $0x800, $0x38;
	[tilespmem:$0x19B80] =	vst v63  }
0x3c: {  	_ =	swait.ge [sflag:s16], $0x800  }
0x3d: {  	s31 =	simm.s32 $0xFFFFFF00;
	s2 =	simm.s32 $0x18400;
	[sflag:s16] =	ssyncset.done $0x0  }
0x3e: {  	s0 =	simm.s32 $0x19400;
	s9 =	simm.s32 $0x18C00;
	[sflag:s16] =	ssyncadd.s32 $0xFFFFF800  }
.LBB2_3:
0x3f: {  	v21 =	vld [tilespmem:s2+$0xFFFFFF80];
	_ =	sdelay $0x1  }
0x40: {  	v19 =	vld [tilespmem:s9+$0xFFFFFF80];
	_ =	sdelay $0x1  }
0x41: {  	v13 =	vld.idx.msk [tilespmem:v3+s22+$0x0], $0xffff  }
0x42: {  	v12 =	vmul.u32 $0x4E20, v21;
	_ =	sdelay $0x1  }
0x43: {  	v12 =	vadd.s32 v19, v12  }
0x44: {  	v14 =	vshll.u32 v12, $0x1  }
0x45: {  	vm0 =	vlt.s32 v13, v14  }
0x46: {  	v26 =	vsel vm0, $0x3, v4  }
0x47: {  	v15 =	vor.u32 v0, v26;
	_ =	sdelay $0x4  }
0x48: {  	v15 =	vld.idx.msk [tilespmem:v15+s22+$0x0], $0xffff;
	_ =	sdelay $0x4  }
0x49: {  	vm8 =	vlt.s32 v15, v14  }
0x4a: {  	v12 =	vshll.u32 v26, $0x1;
	v15 =	vsel vm8, $0x1, v1  }
0x4b: {  	v12 =	vor.u32 v15, v12  }
0x4c: {  	v15 =	vor.u32 v0, v12;
	_ =	sdelay $0x4  }
0x4d: {  	v15 =	vld.idx.msk [tilespmem:v15+s22+$0x0], $0xffff;
	_ =	sdelay $0x4  }
0x4e: {  	vm9 =	vlt.s32 v15, v14  }
0x4f: {  	v12 =	vshll.u32 v12, $0x1;
	v15 =	vsel vm9, $0x1, v1  }
0x50: {  	v12 =	vor.u32 v15, v12  }
0x51: {  	v15 =	vor.u32 v0, v12;
	_ =	sdelay $0x4  }
0x52: {  	v15 =	vld.idx.msk [tilespmem:v15+s22+$0x0], $0xffff;
	_ =	sdelay $0x4  }
0x53: {  	v12 =	vshll.u32 v12, $0x1;
	vm10 =	vlt.s32 v15, v14  }
0x54: {  	v16 =	vor.u32 v0, v12;
	v15 =	vsel vm10, $0x1, v1  }
0x55: {  	v27 =	vand.u32 $0x7FFFFF80, v16;
	v12 =	vor.u32 v15, v12  }
0x56: {  	v15 =	vor.u32 v12, v27;
	_ =	sdelay $0x4  }
0x57: {  	v15 =	vld.idx.msk [tilespmem:v15+s22+$0x0], $0xffff;
	_ =	sdelay $0x4  }
0x58: {  	v12 =	vshll.u32 v12, $0x1;
	vm11 =	vlt.s32 v15, v14  }
0x59: {  	v28 =	vadd.s32 v0, v12;
	v15 =	vsel vm11, $0x1, v1  }
0x5a: {  	v29 =	vand.u32 $0x7FFFFF80, v28;
	v12 =	vor.u32 v15, v12  }
0x5b: {  	v15 =	vor.u32 v12, v29;
	_ =	sdelay $0x2  }
0x5c: {  	v20 =	vld [tilespmem:s2+$0xFFFFFF90]  }
0x5d: {  	v18 =	vld [tilespmem:s9+$0xFFFFFF90]  }
0x5e: {  	v15 =	vld.idx.msk [tilespmem:v15+s22+$0x0], $0xffff;
	_ =	sdelay $0x2  }
0x5f: {  	v30 =	vmul.u32 $0x4E20, v20;
	_ =	sdelay $0x1  }
0x60: {  	v12 =	vshll.u32 v12, $0x1;
	vm12 =	vlt.s32 v15, v14;
	v15 =	vadd.s32 v18, v30  }
0x61: {  	v17 =	vadd.s32 v0, v12;
	v31 =	vsel vm12, $0x1, v1;
	v16 =	vshll.u32 v15, $0x1  }
0x62: {  	v32 =	vand.u32 $0x7FFFFF80, v17;
	v12 =	vor.u32 v31, v12;
	vm13 =	vlt.s32 v13, v16  }
0x63: {  	v17 =	vor.u32 v12, v32;
	v33 =	vsel vm13, $0x3, v4  }
0x64: {  	v22 =	vor.u32 v0, v33;
	_ =	sdelay $0x3  }
0x65: {  	v17 =	vld.idx.msk [tilespmem:v17+s22+$0x0], $0xffff  }
0x66: {  	v22 =	vld.idx.msk [tilespmem:v22+s22+$0x0], $0xffff;
	_ =	sdelay $0x3  }
0x67: {  	vm14 =	vlt.s32 v17, v14  }
0x68: {  	v12 =	vshll.u32 v12, $0x8;
	v17 =	vsel vm14, $0x80, v1;
	vm15 =	vlt.s32 v22, v16  }
0x69: {  	v15 =	vshll.u32 v33, $0x1;
	v12 =	vor.u32 v17, v12;
	v22 =	vsel vm15, $0x1, v1  }
0x6a: {  	v17 =	vadd.s32 $0xFFFFC03F, v12;
	v15 =	vor.u32 v22, v15  }
0x6b: {  	v22 =	vor.u32 v0, v15;
	_ =	sdelay $0x3  }
0x6c: {  	v17 =	vld.idx.msk [tilespmem:v17+s21+$0x0], $0xffff  }
0x6d: {  	v22 =	vld.idx.msk [tilespmem:v22+s22+$0x0], $0xffff;
	_ =	sdelay $0x3  }
0x6e: {  	vm4 =	vlt.s32 v17, v14  }
0x6f: {  	v17 =	vsel vm4, $0xFFFFC040, v5;
	vm5 =	vlt.s32 v22, v16  }
0x70: {  	v15 =	vshll.u32 v15, $0x1;
	v12 =	vadd.s32 v17, v12;
	v22 =	vsel vm5, $0x1, v1  }
0x71: {  	v17 =	vand.u32 $0x40, v17;
	v23 =	vand.u32 $0xFFFFFF80, v12;
	v15 =	vor.u32 v22, v15  }
0x72: {  	v17 =	vor.u32 v23, v17;
	v22 =	vor.u32 v0, v15  }
0x73: {  	v17 =	vor.u32 $0x1F, v17;
	_ =	sdelay $0x3  }
0x74: {  	v22 =	vld.idx.msk [tilespmem:v22+s22+$0x0], $0xffff  }
0x75: {  	v17 =	vld.idx.msk [tilespmem:v17+s21+$0x0], $0xffff;
	_ =	sdelay $0x3  }
0x76: {  	v34 =	vor.u32 $0x20, v12  }
0x77: {  	v15 =	vshll.u32 v15, $0x1;
	vm1 =	vlt.s32 v22, v16;
	vm6 =	vlt.s32 v17, v14  }
0x78: {  	v36 =	vor.u32 v0, v15;
	v35 =	vsel vm1, $0x1, v1;
	v12 =	vsel vm6, v34, v12  }
0x79: {  	v38 =	vand.u32 $0x7FFFFF80, v36;
	v15 =	vor.u32 v35, v15;
	v37 =	vor.u32 $0xF, v12  }
0x7a: {  	v17 =	vor.u32 v15, v38;
	_ =	sdelay $0x3  }
0x7b: {  	v39 =	vld.idx.msk [tilespmem:v37+s21+$0x0], $0xffff  }
0x7c: {  	v17 =	vld.idx.msk [tilespmem:v17+s22+$0x0], $0xffff;
	_ =	sdelay $0x1  }
0x7d: {  	v41 =	vld.idx.msk [tilespmem:v21+s3+$0x0], $0xffff  }
0x7e: {  	v43 =	vld.idx.msk [tilespmem:v21+s17+$0x0], $0xffff  }
0x7f: {  	v46 =	vld.idx.msk [tilespmem:v19+s3+$0x0], $0xffff;
	v40 =	vor.u32 $0x10, v12;
	vm7 =	vlt.s32 v39, v14  }
0x80: {  	v27 =	vld.idx.msk [tilespmem:v19+s17+$0x0], $0xffff;
	v42 =	vshll.u32 v15, $0x1;
	vm8 =	vlt.s32 v17, v16;
	v22 =	vsel vm7, v40, v12  }
0x81: {  	v26 =	vld.idx.msk [tilespmem:v21+s18+$0x0], $0xffff;
	v25 =	vadd.s32 v0, v42;
	v24 =	vsel vm8, $0x1, v1;
	v44 =	vadd.s32 $0x7, v22  }
0x82: {  	v28 =	vld.idx.msk [tilespmem:v19+s18+$0x0], $0xffff;
	v45 =	vand.u32 $0x7FFFFF80, v25;
	v24 =	vor.u32 v24, v42  }
0x83: {  	v12 =	vor.u32 v24, v45;
	_ =	sdelay $0x1  }
0x84: {  	v23 =	vsub.f32 v41, v46;
	v15 =	vsub.f32 v43, v27  }
0x85: {  	v17 =	vld.idx.msk [tilespmem:v44+s21+$0x0], $0xffff  }
0x86: {  	v26 =	vsub.f32 v26, v28;
	v23 =	vmul.f32 v23, v23;
	v15 =	vmul.f32 v15, v15  }
0x87: {  	v47 =	vld.idx.msk [tilespmem:v12+s22+$0x0], $0xffff  }
0x88: {  	v49 =	vmul.f32 v26, v26;
	v15 =	vadd.f32 v15, v23;
	v12 =	vld [tilespmem:s2+$0xFFFFFFA0];
	_ =	sdelay $0x1  }
0x89: {  	v15 =	vadd.f32 v49, v15;
	vm9 =	vlt.s32 v17, v14;
	v17 =	vld [tilespmem:s9+$0xFFFFFFA0];
	_ =	sdelay $0x1  }
0x8a: {  	v55 =	vadd.f32 $9.999999960e-13, v15;
	v48 =	vadd.s32 $0x8, v22;
	v24 =	vshll.u32 v24, $0x1  }
0x8b: {  	v53 =	vadd.s32 v0, v24;
	vm10 =	vlt.s32 v47, v16;
	v51 =	vmul.u32 $0x4E20, v12  }
0x8c: {  	v54 =	vand.u32 $0x7FFFFF80, v53;
	v22 =	vsel vm9, v48, v22;
	v52 =	vsel vm10, $0x1, v1  }
0x8d: {  	v50 =	vadd.s32 $0x3, v22;
	v23 =	vor.u32 v52, v24;
	v25 =	vadd.s32 v17, v51  }
0x8e: {  	v24 =	vor.u32 v23, v54;
	v15 =	vshll.u32 v25, $0x1  }
0x8f: {  	v56 =	vshrl.u32 v55, $0x1;
	v57 =	vmul.f32 $5.000000000e-01, v55;
	vm11 =	vlt.s32 v13, v15  }
0x90: {  	v25 =	vsub.s32 $0x5F3759DF, v56;
	v29 =	vsel vm11, $0x3, v4  }
0x91: {  	v21 =	vld.idx.msk [tilespmem:v21+s19+$0x0], $0xffff;
	v31 =	vmul.f32 v25, v57;
	v30 =	vor.u32 v0, v29  }
0x92: {  	v26 =	vld.idx.msk [tilespmem:v50+s21+$0x0], $0xffff  }
0x93: {  	v24 =	vld.idx.msk [tilespmem:v24+s22+$0x0], $0xffff;
	v31 =	vmul.f32 v25, v31;
	_ =	sdelay $0x1  }
0x94: {  	v31 =	vsub.f32 $1.500000000e+00, v31  }
0x95: {  	v59 =	vld.idx.msk [tilespmem:v30+s22+$0x0], $0xffff  }
0x96: {  	v63 =	vand.u32 $0x3F, v21;
	v19 =	vld.idx.msk [tilespmem:v19+s19+$0x0], $0xffff;
	v58 =	vadd.s32 $0x4, v22;
	v25 =	vmul.f32 v25, v31  }
0x97: {  	v23 =	vshll.u32 v23, $0x8;
	vm12 =	vlt.s32 v26, v14;
	vm13 =	vlt.s32 v24, v16  }
0x98: {  	v22 =	vsel vm12, v58, v22;
	v24 =	vsel vm13, $0x80, v1;
	v31 =	vmul.f32 v25, v57  }
0x99: {  	v60 =	vadd.s32 $0x1, v22;
	v23 =	vor.u32 v24, v23  }
0x9a: {  	v24 =	vadd.s32 $0xFFFFC03F, v23;
	v61 =	vmul.f32 v31, v25;
	vm14 =	vlt.s32 v59, v15  }
0x9b: {  	v32 =	vand.u32 $0x3F, v19;
	v29 =	vshll.u32 v29, $0x1;
	v62 =	vsel vm14, $0x1, v1  }
0x9c: {  	v26 =	vsub.f32 $1.500000000e+00, v61;
	v29 =	vor.u32 v62, v29  }
0x9d: {  	v39 =	vld.idx.msk [tilespmem:v63+s20+$0x0], $0xffff;
	v31 =	vor.u32 v0, v29  }
0x9e: {  	v30 =	vld.idx.msk [tilespmem:v60+s21+$0x0], $0xffff;
	v25 =	vmul.f32 v26, v25  }
0x9f: {  	v46 =	vshrl.u32 v21, $0xC;
	v48 =	vshrl.u32 v19, $0xC;
	v24 =	vld.idx.msk [tilespmem:v24+s21+$0x0], $0xffff  }
0xa0: {  	v49 =	vxor.u32 v21, v19;
	v40 =	vld.idx.msk [tilespmem:v32+s20+$0x0], $0xffff;
	v36 =	vsub.s32 v46, v48;
	v28 =	vmul.f32 v25, v57  }
0xa1: {  	vm3 =	veq.s32 v46, v48;
	vm12 =	vlt.u32 v63, $0x5;
	vm13 =	vlt.u32 v32, $0x5  }
0xa2: {  	v37 =	vadd.s32 $0x2, v22;
	vm1 =	vmand vm12, vm13;
	v28 =	vmul.f32 v28, v25;
	v38 =	vld.idx.msk [tilespmem:v31+s22+$0x0], $0xffff  }
0xa3: {  	v52 =	vld.idx.msk [tilespmem:v20+s3+$0x0], $0xffff;
	v62 =	vor.u32 $0x1, v14;
	v29 =	vshll.u32 v29, $0x1;
	vm15 =	vlt.s32 v30, v14  }
0xa4: {  	v56 =	vld.idx.msk [tilespmem:v20+s18+$0x0], $0xffff;
	v22 =	vsel vm15, v37, v22;
	vm4 =	vlt.s32 v24, v16;
	v28 =	vsub.f32 $1.500000000e+00, v28  }
0xa5: {  	v37 =	vsub.s32 $0x0, v36;
	v24 =	vadd.f32 v40, v39;
	v40 =	vld.idx.msk [tilespmem:v20+s17+$0x0], $0xffff;
	v33 =	vsel vm4, $0xFFFFC040, v5  }
0xa6: {  	v20 =	vld.idx.msk [tilespmem:v20+s19+$0x0], $0xffff;
	v23 =	vadd.s32 v33, v23;
	v33 =	vand.u32 $0x40, v33;
	v25 =	vmul.f32 v28, v25  }
0xa7: {  	v59 =	vld.idx.msk [tilespmem:v18+s17+$0x0], $0xffff;
	v44 =	vadd.f32 $6.000000240e-01, v24;
	v35 =	vand.u32 $0xFFFFFF80, v23;
	vm5 =	vlt.s32 v38, v15  }
0xa8: {  	v51 =	vor.u32 $0x20, v23;
	v41 =	vor.u32 v35, v33;
	v42 =	vsel vm5, $0x1, v1  }
0xa9: {  	v34 =	vld.idx.msk [tilespmem:v22+s21+$0x0], $0xffff;
	v25 =	vmul.f32 v25, v55;
	v30 =	vor.u32 $0x1F, v41;
	v29 =	vor.u32 v42, v29  }
0xaa: {  	v55 =	vmin.u32 v36, v37;
	v38 =	vmul.u32 $0x5, v63;
	v43 =	vor.u32 v0, v29  }
0xab: {  	vm11 =	veq.s32 v55, $0x1;
	v35 =	vand.u32 $0x3F, v20;
	v27 =	vsub.f32 v25, v44  }
0xac: {  	vm7 =	vle.f32 v25, $5.000000000e+00;
	vm5 =	vlt.u32 v63, $0x4;
	v44 =	vsub.f32 v40, v59  }
0xad: {  	v24 =	vsub.f32 v24, v25;
	v57 =	vadd.s32 v38, v32;
	v42 =	vor.u32 v21, v19  }
0xae: {  	vm6 =	vlt.s32 v34, v14;
	vm8 =	vle.f32 v27, $0.0e+00;
	v27 =	vand.u32 $0xFC0, v49;
	v30 =	vld.idx.msk [tilespmem:v30+s21+$0x0], $0xffff  }
0xaf: {  	v29 =	vshll.u32 v29, $0x1;
	v21 =	vmul.f32 v44, v44;
	v45 =	vsel vm6, $0x1, v1;
	v28 =	vld.idx.msk [tilespmem:v43+s22+$0x0], $0xffff  }
0xb0: {  	v61 =	vld.idx.msk [tilespmem:v18+s18+$0x0], $0xffff;
	v55 =	vadd.f32 v24, v6;
	vm0 =	vmand vm7, vm8;
	v22 =	vadd.s32 v45, v22  }
0xb1: {  	vm6 =	vlt.u32 v32, $0x4;
	v39 =	vor.u32 v0, v29;
	v31 =	vadd.s32 $0x1, v22  }
0xb2: {  	v58 =	vld.idx.msk [tilespmem:v18+s3+$0x0], $0xffff;
	vm10 =	veq.s32 v27, $0x0;
	v27 =	vmin.u32 v57, $0x1F;
	v47 =	vadd.s32 $0x2, v22  }
0xb3: {  	v54 =	vand.u32 $0x7FFFFF80, v39;
	vm7 =	vmand vm10, vm11;
	vm4 =	vmand vm3, vm10  }
0xb4: {  	v60 =	vshrl.u32 v2, v27;
	vm9 =	vlt.s32 v30, v16;
	vm2 =	vlt.s32 v28, v15  }
0xb5: {  	v45 =	vsub.f32 v56, v61;
	v22 =	vld.idx.msk [tilespmem:v22+s21+$0x0], $0xffff;
	v23 =	vsel vm9, v51, v23;
	v53 =	vsel vm2, $0x1, v1  }
0xb6: {  	v26 =	vand.u32 $0x1, v60;
	v31 =	vld.idx.msk [tilespmem:v31+s21+$0x0], $0xffff;
	v41 =	vor.u32 $0xF, v23;
	v29 =	vor.u32 v53, v29  }
0xb7: {  	vm14 =	veq.s32 v26, $0x1;
	v43 =	vsub.f32 v52, v58;
	v50 =	vld.idx.msk [tilespmem:v47+s21+$0x0], $0xffff;
	v34 =	vor.u32 v29, v54  }
0xb8: {  	v61 =	vadd.f32 v24, v7;
	vm11 =	vmor vm4, vm7;
	vm3 =	vmand vm1, vm14  }
0xb9: {  	vm14 =	vmor vm7, vm3;
	v19 =	vmul.f32 v43, v43;
	v43 =	vadd.f32 v24, v8  }
0xba: {  	v46 =	vor.u32 $0x10, v23;
	vm8 =	veq.s32 v22, v62;
	vm2 =	veq.s32 v22, v14  }
0xbb: {  	v14 =	vand.u32 $0x3C, v42;
	v53 =	vadd.f32 v21, v19;
	v21 =	vmul.f32 v55, v55;
	v63 =	vld.idx.msk [tilespmem:v41+s21+$0x0], $0xffff  }
0xbc: {  	v22 =	vmul.f32 v61, v61;
	vm9 =	veq.s32 v31, v62;
	vm12 =	veq.s32 v50, v62;
	v41 =	vld.idx.msk [tilespmem:v34+s22+$0x0], $0xffff  }
0xbd: {  	v47 =	vshll.u32 v29, $0x1;
	v54 =	vmul.f32 v45, v45;
	vm11 =	vmor vm11, vm2  }
0xbe: {  	v19 =	vld [tilespmem:s2+$0xFFFFFFB0];
	vm15 =	vmor vm8, vm9;
	vm9 =	vmneg vm3;
	v50 =	vadd.s32 v0, v47  }
0xbf: {  	vm8 =	vmneg vm14;
	vm11 =	vmor vm3, vm11;
	vm1 =	vmor vm15, vm12  }
0xc0: {  	v52 =	vand.u32 $0x7FFFFF80, v50;
	vm12 =	vmxor vm5, vm6;
	vm11 =	vmneg vm11  }
0xc1: {  	vm5 =	vmor vm5, vm6;
	vm13 =	vlt.s32 v63, v16;
	vm10 =	vlt.s32 v41, v15  }
0xc2: {  	vm6 =	vge.f32 v55, $0.0e+00;
	v48 =	vsel vm13, v46, v23;
	v49 =	vsel vm10, $0x1, v1  }
0xc3: {  	v36 =	vmul.u32 $0x4E20, v19;
	v51 =	vadd.s32 $0x7, v48;
	v28 =	vor.u32 v49, v47  }
0xc4: {  	vm13 =	vmor vm5, vm7;
	vm5 =	vmand vm12, vm11;
	v23 =	vor.u32 v28, v52  }
0xc5: {  	v46 =	vmul.f32 v43, v43;
	vm10 =	veq.s32 v14, $0x0;
	v14 =	vadd.f32 v54, v53  }
0xc6: {  	v60 =	vadd.s32 $0x8, v48;
	v54 =	vadd.f32 v24, v9;
	vm10 =	vmand vm10, vm6  }
0xc7: {  	vm6 =	vmor vm4, vm13;
	vm13 =	vge.f32 v61, $0.0e+00;
	v27 =	vadd.f32 $9.999999960e-13, v14  }
0xc8: {  	v56 =	vld.idx.msk [tilespmem:v51+s21+$0x0], $0xffff;
	vm9 =	vmand vm10, vm9;
	v63 =	vshll.u32 v28, $0x1;
	vm8 =	vmand vm13, vm8  }
0xc9: {  	vm6 =	vmor vm6, vm2;
	vm13 =	vge.f32 v54, $0.0e+00;
	vm7 =	vmand vm7, vm9;
	v57 =	vld.idx.msk [tilespmem:v23+s22+$0x0], $0xffff  }
0xca: {  	v39 =	vadd.s32 v0, v63;
	vm4 =	vmand vm4, vm8;
	vm9 =	vmor vm6, vm1;
	v23 =	vld [tilespmem:s9+$0xFFFFFFB0]  }
0xcb: {  	v14 =	vshrl.u32 v27, $0x1;
	v58 =	vmul.f32 $5.000000000e-01, v27;
	v40 =	vand.u32 $0x7FFFFF80, v39  }
0xcc: {  	vm7 =	vmand vm0, vm7;
	vm4 =	vmand vm0, vm4;
	vm3 =	vmor vm3, vm9  }
0xcd: {  	v59 =	vsub.s32 $0x5F3759DF, v14;
	v21 =	vnsel vm7, $0x0, v21;
	v22 =	vnsel vm4, $0x0, v22  }
0xce: {  	vm3 =	vmneg vm3;
	v62 =	vmul.f32 v59, v58;
	vm15 =	vlt.s32 v56, v16  }
0xcf: {  	v26 =	vsel vm15, v60, v48;
	vm12 =	vlt.s32 v57, v15;
	v25 =	vadd.s32 v23, v36  }
0xd0: {  	v37 =	vadd.s32 $0x3, v26;
	v38 =	vsel vm12, $0x1, v1;
	v14 =	vshll.u32 v25, $0x1  }
0xd1: {  	v21 =	vadd.f32 v21, v22;
	v32 =	vor.u32 v38, v63;
	vm14 =	vlt.s32 v13, v14  }
0xd2: {  	v41 =	vmul.f32 v59, v62;
	v33 =	vor.u32 v32, v40;
	v42 =	vsel vm14, $0x3, v4  }
0xd3: {  	v18 =	vld.idx.msk [tilespmem:v18+s19+$0x0], $0xffff;
	vm3 =	vmand vm13, vm3;
	v60 =	vadd.f32 v24, v10;
	v44 =	vor.u32 v0, v42  }
0xd4: {  	vm15 =	vge.f32 v43, $0.0e+00;
	v24 =	vadd.f32 v24, v11;
	v25 =	vsub.f32 $1.500000000e+00, v41  }
0xd5: {  	vm3 =	vmand vm0, vm3;
	vm5 =	vmand vm5, vm15;
	v50 =	vadd.s32 $0x4, v26;
	v28 =	vld.idx.msk [tilespmem:v37+s21+$0x0], $0xffff  }
0xd6: {  	vm8 =	vmand vm0, vm5;
	vm7 =	vge.f32 v24, $0.0e+00;
	v25 =	vmul.f32 v59, v25  }
0xd7: {  	v24 =	vmul.f32 v24, v24;
	v48 =	vnsel vm8, $0x0, v46;
	vm1 =	vmand vm1, vm7;
	v45 =	vld.idx.msk [tilespmem:v33+s22+$0x0], $0xffff  }
0xd8: {  	v36 =	vand.u32 $0x3F, v18;
	v21 =	vadd.f32 v21, v48;
	v47 =	vmul.f32 v25, v58;
	v49 =	vld.idx.msk [tilespmem:v44+s22+$0x0], $0xffff  }
0xd9: {  	vm7 =	vlt.u32 v36, $0x4;
	v63 =	vmul.f32 v60, v60;
	v51 =	vshll.u32 v32, $0x8  }
0xda: {  	vm14 =	vge.f32 v60, $0.0e+00;
	v34 =	vmul.f32 v47, v25;
	vm10 =	vlt.s32 v28, v16  }
0xdb: {  	v31 =	vshll.u32 v42, $0x1;
	vm2 =	vmand vm2, vm14;
	v26 =	vsel vm10, v50, v26  }
0xdc: {  	v52 =	vsub.f32 $1.500000000e+00, v34;
	v53 =	vadd.s32 $0x1, v26;
	vm11 =	vlt.s32 v45, v15  }
0xdd: {  	vm2 =	vmand vm0, vm2;
	v30 =	vsel vm11, $0x80, v1;
	vm12 =	vlt.s32 v49, v14  }
0xde: {  	v25 =	vmul.f32 v52, v25;
	v28 =	vor.u32 v30, v51;
	v56 =	vsel vm12, $0x1, v1  }
0xdf: {  	v57 =	vld.idx.msk [tilespmem:v35+s20+$0x0], $0xffff;
	vm0 =	vmand vm0, vm1;
	v55 =	vadd.s32 $0xFFFFC03F, v28;
	v31 =	vor.u32 v56, v31  }
0xe0: {  	v42 =	vnsel vm2, $0x0, v63;
	v29 =	vmul.f32 v25, v58;
	v58 =	vld.idx.msk [tilespmem:v36+s20+$0x0], $0xffff;
	v59 =	vor.u32 v0, v31  }
0xe1: {  	v50 =	vshrl.u32 v20, $0xC;
	v41 =	vadd.s32 $0x2, v26;
	v52 =	vxor.u32 v20, v18;
	v34 =	vld.idx.msk [tilespmem:v53+s21+$0x0], $0xffff  }
0xe2: {  	v30 =	vmul.f32 v54, v54;
	v61 =	vmul.f32 v29, v25;
	v51 =	vshrl.u32 v18, $0xC  }
0xe3: {  	v54 =	vmul.u32 $0x5, v35;
	v18 =	vor.u32 v20, v18;
	v53 =	vsub.s32 v50, v51  }
0xe4: {  	v18 =	vand.u32 $0x3C, v18;
	v30 =	vnsel vm3, $0x0, v30;
	v22 =	vsub.f32 $1.500000000e+00, v61;
	v62 =	vld.idx.msk [tilespmem:v55+s21+$0x0], $0xffff  }
0xe5: {  	v45 =	vshll.u32 v31, $0x1;
	v31 =	vand.u32 $0xFC0, v52;
	v56 =	vadd.s32 v54, v36;
	v40 =	vld.idx.msk [tilespmem:v59+s22+$0x0], $0xffff  }
0xe6: {  	v21 =	vadd.f32 v21, v30;
	v32 =	vadd.f32 v58, v57;
	vm15 =	vlt.s32 v34, v16  }
0xe7: {  	vm12 =	veq.s32 v31, $0x0;
	v22 =	vmul.f32 v22, v25;
	v25 =	vsel vm15, v41, v26  }
0xe8: {  	v58 =	vmin.u32 v56, $0x1F;
	v43 =	vadd.f32 $6.000000240e-01, v32;
	v21 =	vadd.f32 v21, v42  }
0xe9: {  	v41 =	vor.u32 $0x1, v16;
	v27 =	vmul.f32 v22, v27;
	vm6 =	vlt.s32 v62, v15  }
0xea: {  	v22 =	vnsel vm0, $0x0, v24;
	v29 =	vsel vm6, $0xFFFFC040, v5;
	vm8 =	vlt.s32 v40, v14  }
0xeb: {  	v55 =	vsub.s32 $0x0, v53;
	v28 =	vadd.s32 v29, v28;
	v46 =	vsel vm8, $0x1, v1  }
0xec: {  	v47 =	vld.idx.msk [tilespmem:v25+s21+$0x0], $0xffff;
	v29 =	vand.u32 $0x40, v29;
	v44 =	vand.u32 $0xFFFFFF80, v28;
	v30 =	vor.u32 v46, v45  }
0xed: {  	v31 =	vmin.u32 v53, v55;
	v29 =	vor.u32 v44, v29;
	v49 =	vor.u32 v0, v30  }
0xee: {  	v48 =	vsub.f32 v27, v43;
	vm9 =	vle.f32 v27, $5.000000000e+00;
	v29 =	vor.u32 $0x1F, v29  }
0xef: {  	v42 =	vld.idx.msk [tilespmem:v12+s17+$0x0], $0xffff;
	vm13 =	veq.s32 v31, $0x1;
	v31 =	vshrl.u32 v2, v58;
	v24 =	vsub.f32 v32, v27  }
0xf0: {  	vm5 =	vmand vm12, vm13;
	v31 =	vand.u32 $0x1, v31;
	vm10 =	vle.f32 v48, $0.0e+00;
	v40 =	vld.idx.msk [tilespmem:v12+s3+$0x0], $0xffff  }
0xf1: {  	v32 =	vadd.f32 v24, v6;
	vm0 =	vmand vm9, vm10;
	v46 =	vld.idx.msk [tilespmem:v17+s3+$0x0], $0xffff;
	vm11 =	vlt.s32 v47, v16  }
0xf2: {  	vm9 =	vlt.u32 v36, $0x5;
	vm10 =	veq.s32 v50, v51;
	v33 =	vsel vm11, $0x1, v1;
	v34 =	vld.idx.msk [tilespmem:v49+s22+$0x0], $0xffff  }
0xf3: {  	vm6 =	vlt.u32 v35, $0x4;
	vm4 =	vmand vm10, vm12;
	v25 =	vadd.s32 v33, v25;
	v29 =	vld.idx.msk [tilespmem:v29+s21+$0x0], $0xffff  }
0xf4: {  	vm10 =	veq.s32 v18, $0x0;
	vm8 =	vlt.u32 v35, $0x5;
	v47 =	vld.idx.msk [tilespmem:v17+s17+$0x0], $0xffff;
	v33 =	vadd.s32 $0x1, v25  }
0xf5: {  	v59 =	vor.u32 $0x20, v28;
	v30 =	vshll.u32 v30, $0x1;
	v57 =	vadd.s32 $0x2, v25  }
0xf6: {  	v48 =	vld.idx.msk [tilespmem:v17+s18+$0x0], $0xffff;
	vm2 =	vmand vm8, vm9;
	v61 =	vor.u32 v0, v30;
	vm11 =	veq.s32 v31, $0x1  }
0xf7: {  	v45 =	vld.idx.msk [tilespmem:v12+s18+$0x0], $0xffff;
	vm9 =	vmxor vm6, vm7;
	v63 =	vand.u32 $0x7FFFFF80, v61;
	vm3 =	vmand vm2, vm11  }
0xf8: {  	v18 =	vsub.f32 v40, v46;
	v25 =	vld.idx.msk [tilespmem:v25+s21+$0x0], $0xffff;
	vm15 =	vlt.s32 v34, v14;
	vm14 =	vlt.s32 v29, v15  }
0xf9: {  	v53 =	vsub.f32 v42, v47;
	v33 =	vld.idx.msk [tilespmem:v33+s21+$0x0], $0xffff;
	v60 =	vsel vm15, $0x1, v1;
	v28 =	vsel vm14, v59, v28  }
0xfa: {  	vm11 =	vmor vm5, vm3;
	v39 =	vld.idx.msk [tilespmem:v57+s21+$0x0], $0xffff;
	v29 =	vor.u32 v60, v30;
	v62 =	vor.u32 $0xF, v28  }
0xfb: {  	v17 =	vld.idx.msk [tilespmem:v17+s19+$0x0], $0xffff;
	v18 =	vmul.f32 v18, v18;
	v26 =	vmul.f32 v53, v53;
	v30 =	vor.u32 v29, v63  }
0xfc: {  	vm7 =	vmor vm6, vm7;
	vm8 =	vmneg vm3;
	vm6 =	vmneg vm11  }
0xfd: {  	v57 =	vadd.f32 v24, v7;
	v18 =	vadd.f32 v26, v18;
	vm2 =	veq.s32 v25, v16  }
0xfe: {  	vm12 =	veq.s32 v25, v41;
	v25 =	vsub.f32 v45, v48;
	v16 =	vld [tilespmem:s2+$0xFFFFFFC0];
	v59 =	vmul.f32 v32, v32  }
0xff: {  	v48 =	vadd.f32 v24, v8;
	vm13 =	veq.s32 v33, v41;
	vm14 =	veq.s32 v39, v41;
	v43 =	vld.idx.msk [tilespmem:v62+s21+$0x0], $0xffff  }
0x100: {  	v49 =	vor.u32 $0x10, v28;
	v52 =	vshll.u32 v29, $0x1;
	v39 =	vand.u32 $0x3F, v17;
	v44 =	vld.idx.msk [tilespmem:v30+s22+$0x0], $0xffff  }
0x101: {  	vm1 =	vmor vm12, vm13;
	vm12 =	vmor vm4, vm5;
	v54 =	vadd.s32 v0, v52  }
0x102: {  	v25 =	vmul.f32 v25, v25;
	vm1 =	vmor vm1, vm14;
	vm12 =	vmor vm12, vm2  }
0x103: {  	v55 =	vand.u32 $0x7FFFFF80, v54;
	vm11 =	vmor vm3, vm12;
	vm12 =	vge.f32 v32, $0.0e+00  }
0x104: {  	v20 =	vld [tilespmem:s9+$0xFFFFFFC0];
	v18 =	vadd.f32 v25, v18;
	vm11 =	vmneg vm11;
	vm10 =	vmand vm10, vm12  }
0x105: {  	v58 =	vmul.u32 $0x4E20, v16;
	vm15 =	vlt.s32 v43, v15;
	vm13 =	vlt.s32 v44, v14  }
0x106: {  	vm8 =	vmand vm10, vm8;
	v28 =	vsel vm15, v49, v28;
	v50 =	vsel vm13, $0x1, v1  }
0x107: {  	v32 =	vadd.f32 $9.999999960e-13, v18;
	v51 =	vadd.s32 $0x7, v28;
	v29 =	vor.u32 v50, v52  }
0x108: {  	v30 =	vmul.f32 v57, v57;
	vm8 =	vmand vm5, vm8;
	v27 =	vor.u32 v29, v55  }
0x109: {  	v60 =	vadd.s32 v20, v58;
	v62 =	vshrl.u32 v32, $0x1;
	v63 =	vmul.f32 $5.000000000e-01, v32  }
0x10a: {  	v58 =	vadd.f32 v24, v10;
	vm8 =	vmand vm0, vm8;
	v26 =	vsub.s32 $0x5F3759DF, v62  }
0x10b: {  	v18 =	vshll.u32 v60, $0x1;
	v31 =	vnsel vm8, $0x0, v59;
	v46 =	vmul.f32 v26, v63  }
0x10c: {  	vm13 =	vmor vm7, vm5;
	vm7 =	vmand vm9, vm11;
	vm15 =	vlt.s32 v13, v18;
	v56 =	vld.idx.msk [tilespmem:v51+s21+$0x0], $0xffff  }
0x10d: {  	v37 =	vmul.f32 v26, v46;
	v49 =	vmul.f32 v48, v48;
	v42 =	vsel vm15, $0x3, v4;
	v27 =	vld.idx.msk [tilespmem:v27+s22+$0x0], $0xffff  }
0x10e: {  	vm11 =	vge.f32 v58, $0.0e+00;
	vm12 =	vmor vm4, vm13;
	v43 =	vor.u32 v0, v42  }
0x10f: {  	vm13 =	vge.f32 v57, $0.0e+00;
	v61 =	vadd.s32 $0x8, v28;
	v50 =	vadd.f32 v24, v9  }
0x110: {  	v24 =	vadd.f32 v24, v11;
	vm5 =	vmor vm12, vm2;
	v29 =	vshll.u32 v29, $0x1  }
0x111: {  	vm6 =	vmand vm13, vm6;
	vm13 =	vge.f32 v48, $0.0e+00;
	vm14 =	vlt.s32 v56, v15  }
0x112: {  	v37 =	vsub.f32 $1.500000000e+00, v37;
	v25 =	vsel vm14, v61, v28;
	vm12 =	vlt.s32 v27, v14  }
0x113: {  	v45 =	vadd.s32 v0, v29;
	v27 =	vld.idx.msk [tilespmem:v43+s22+$0x0], $0xffff;
	v41 =	vadd.s32 $0x3, v25;
	v44 =	vsel vm12, $0x1, v1  }
0x114: {  	v53 =	vshll.u32 v42, $0x1;
	v47 =	vand.u32 $0x7FFFFF80, v45;
	v29 =	vor.u32 v44, v29  }
0x115: {  	vm2 =	vmand vm2, vm11;
	vm4 =	vmand vm4, vm6;
	v35 =	vor.u32 v29, v47  }
0x116: {  	vm5 =	vmor vm5, vm1;
	vm9 =	vge.f32 v50, $0.0e+00;
	v36 =	vmul.f32 v50, v50  }
0x117: {  	vm2 =	vmand vm0, vm2;
	vm4 =	vmand vm0, vm4;
	v26 =	vmul.f32 v26, v37  }
0x118: {  	vm3 =	vmor vm3, vm5;
	v30 =	vnsel vm4, $0x0, v30;
	vm8 =	vlt.s32 v27, v18;
	v33 =	vld.idx.msk [tilespmem:v41+s21+$0x0], $0xffff  }
0x119: {  	vm3 =	vmneg vm3;
	v30 =	vadd.f32 v31, v30;
	v54 =	vsel vm8, $0x1, v1  }
0x11a: {  	v52 =	vmul.f32 v26, v63;
	vm3 =	vmand vm9, vm3;
	v27 =	vor.u32 v54, v53;
	v35 =	vld.idx.msk [tilespmem:v35+s22+$0x0], $0xffff  }
0x11b: {  	vm3 =	vmand vm0, vm3;
	vm14 =	vmand vm7, vm13;
	v34 =	vor.u32 v0, v27  }
0x11c: {  	vm9 =	vlt.u32 v39, $0x4;
	v61 =	vnsel vm3, $0x0, v36;
	vm4 =	vmand vm0, vm14  }
0x11d: {  	v37 =	vld.idx.msk [tilespmem:v12+s19+$0x0], $0xffff;
	v51 =	vadd.s32 $0x4, v25;
	vm14 =	vge.f32 v24, $0.0e+00;
	vm15 =	vlt.s32 v33, v15  }
0x11e: {  	v24 =	vmul.f32 v24, v24;
	v31 =	vnsel vm4, $0x0, v49;
	v25 =	vsel vm15, v51, v25  }
0x11f: {  	vm1 =	vmand vm1, vm14;
	v12 =	vadd.s32 $0x1, v25;
	vm10 =	vlt.s32 v35, v14  }
0x120: {  	v29 =	vshll.u32 v29, $0x8;
	v33 =	vmul.f32 v52, v26;
	v60 =	vld.idx.msk [tilespmem:v34+s22+$0x0], $0xffff;
	v55 =	vsel vm10, $0x80, v1  }
0x121: {  	v59 =	vadd.f32 v30, v31;
	vm0 =	vmand vm0, vm1;
	v29 =	vor.u32 v55, v29  }
0x122: {  	v53 =	vshrl.u32 v37, $0xC;
	v33 =	vsub.f32 $1.500000000e+00, v33;
	v57 =	vadd.s32 $0xFFFFC03F, v29  }
0x123: {  	v54 =	vshrl.u32 v17, $0xC;
	v45 =	vshll.u32 v27, $0x1;
	v35 =	vand.u32 $0x3F, v37  }
0x124: {  	vm14 =	veq.s32 v53, v54;
	v42 =	vadd.s32 $0x2, v25;
	v26 =	vmul.f32 v33, v26;
	v56 =	vld.idx.msk [tilespmem:v12+s21+$0x0], $0xffff  }
0x125: {  	vm7 =	vlt.u32 v35, $0x4;
	vm8 =	vlt.u32 v35, $0x5;
	vm13 =	vlt.s32 v60, v18  }
0x126: {  	v41 =	vld.idx.msk [tilespmem:v39+s20+$0x0], $0xffff;
	vm10 =	vlt.u32 v39, $0x5;
	v28 =	vmul.f32 v26, v63;
	v46 =	vsel vm13, $0x1, v1  }
0x127: {  	v63 =	vmul.f32 v58, v58;
	v12 =	vadd.f32 v21, v22;
	v22 =	vor.u32 v46, v45;
	v43 =	vld.idx.msk [tilespmem:v57+s21+$0x0], $0xffff  }
0x128: {  	v62 =	vld.idx.msk [tilespmem:v35+s20+$0x0], $0xffff;
	v21 =	vadd.f32 v59, v61;
	v28 =	vmul.f32 v28, v26;
	v27 =	vor.u32 v0, v22  }
0x129: {  	v44 =	vnsel vm2, $0x0, v63;
	v63 =	vmul.u32 $0x5, v35;
	vm12 =	vlt.s32 v56, v15  }
0x12a: {  	vm2 =	vmand vm8, vm10;
	vm8 =	vmxor vm7, vm9;
	v34 =	vsel vm12, v42, v25  }
0x12b: {  	v28 =	vsub.f32 $1.500000000e+00, v28;
	v57 =	vsub.s32 v53, v54;
	v22 =	vshll.u32 v22, $0x1  }
0x12c: {  	v45 =	vadd.s32 v63, v39;
	v58 =	vsub.s32 $0x0, v57;
	vm15 =	vlt.s32 v43, v14  }
0x12d: {  	v26 =	vmul.f32 v28, v26;
	v28 =	vadd.f32 v41, v62;
	v27 =	vld.idx.msk [tilespmem:v27+s22+$0x0], $0xffff;
	v49 =	vsel vm15, $0xFFFFC040, v5  }
0x12e: {  	v56 =	vxor.u32 v37, v17;
	v60 =	vmin.u32 v57, v58;
	v50 =	vadd.s32 v49, v29  }
0x12f: {  	v26 =	vmul.f32 v26, v32;
	v32 =	vand.u32 $0x40, v49;
	v48 =	vld.idx.msk [tilespmem:v34+s21+$0x0], $0xffff;
	v52 =	vand.u32 $0xFFFFFF80, v50  }
0x130: {  	v53 =	vld.idx.msk [tilespmem:v19+s17+$0x0], $0xffff;
	v62 =	vor.u32 v0, v22;
	v17 =	vor.u32 v37, v17;
	v30 =	vor.u32 v52, v32  }
0x131: {  	v57 =	vld.idx.msk [tilespmem:v23+s3+$0x0], $0xffff;
	v25 =	vadd.f32 v21, v44;
	v47 =	vadd.f32 $6.000000240e-01, v28;
	v55 =	vor.u32 $0x1F, v30  }
0x132: {  	vm13 =	veq.s32 v60, $0x1;
	v21 =	vld [tilespmem:s2+$0xFFFFFFD0];
	v43 =	vand.u32 $0x7FFFFF80, v62;
	vm12 =	vlt.s32 v27, v18  }
0x133: {  	v51 =	vsub.f32 v26, v47;
	v52 =	vld.idx.msk [tilespmem:v19+s3+$0x0], $0xffff;
	v30 =	vand.u32 $0xFC0, v56;
	v61 =	vsel vm12, $0x1, v1  }
0x134: {  	v62 =	vld.idx.msk [tilespmem:v23+s18+$0x0], $0xffff;
	vm11 =	veq.s32 v30, $0x0;
	v22 =	vor.u32 v61, v22;
	vm6 =	vlt.s32 v48, v15  }
0x135: {  	v30 =	vor.u32 v22, v43;
	v58 =	vshll.u32 v22, $0x1;
	v22 =	vld [tilespmem:s9+$0xFFFFFFD0];
	v31 =	vsel vm6, $0x1, v1  }
0x136: {  	v54 =	vand.u32 $0x3C, v17;
	vm4 =	vle.f32 v26, $5.000000000e+00;
	v31 =	vadd.s32 v31, v34;
	v29 =	vld.idx.msk [tilespmem:v55+s21+$0x0], $0xffff  }
0x137: {  	vm5 =	vle.f32 v51, $0.0e+00;
	v51 =	vor.u32 $0x1, v15;
	v39 =	vmul.u32 $0x4E20, v21;
	v55 =	vld.idx.msk [tilespmem:v19+s18+$0x0], $0xffff  }
0x138: {  	vm1 =	vmand vm4, vm5;
	v27 =	vsub.f32 v52, v57;
	v19 =	vld.idx.msk [tilespmem:v19+s19+$0x0], $0xffff;
	v34 =	vadd.s32 $0x1, v31  }
0x139: {  	vm5 =	vmand vm14, vm11;
	v48 =	vor.u32 $0x20, v50;
	v59 =	vadd.s32 $0x2, v31  }
0x13a: {  	vm6 =	vmand vm11, vm13;
	v61 =	vadd.s32 v0, v58;
	v27 =	vmul.f32 v27, v27;
	v30 =	vld.idx.msk [tilespmem:v30+s22+$0x0], $0xffff  }
0x13b: {  	v41 =	vadd.s32 v22, v39;
	v44 =	vld.idx.msk [tilespmem:v31+s21+$0x0], $0xffff;
	v31 =	vmin.u32 v45, $0x1F;
	vm15 =	vlt.s32 v29, v14  }
0x13c: {  	v17 =	vsub.f32 v55, v62;
	v31 =	vshrl.u32 v2, v31;
	v29 =	vsel vm15, v48, v50  }
0x13d: {  	v39 =	vand.u32 $0x3F, v19;
	v46 =	vld.idx.msk [tilespmem:v34+s21+$0x0], $0xffff;
	v49 =	vand.u32 $0x1, v31;
	v50 =	vor.u32 $0xF, v29  }
0x13e: {  	v47 =	vld.idx.msk [tilespmem:v59+s21+$0x0], $0xffff;
	v31 =	vand.u32 $0x7FFFFF80, v61;
	v36 =	vor.u32 $0x10, v29;
	v40 =	vmul.f32 v17, v17  }
0x13f: {  	v59 =	vld.idx.msk [tilespmem:v23+s17+$0x0], $0xffff;
	v17 =	vshll.u32 v41, $0x1;
	vm11 =	veq.s32 v49, $0x1;
	vm15 =	vlt.s32 v30, v18  }
0x140: {  	vm4 =	vmand vm2, vm11;
	vm11 =	veq.s32 v54, $0x0;
	v60 =	vsel vm15, $0x1, v1  }
0x141: {  	vm15 =	vmor vm5, vm6;
	vm12 =	veq.s32 v44, v51;
	vm3 =	veq.s32 v44, v15  }
0x142: {  	vm10 =	vmneg vm4;
	v15 =	vsub.f32 v28, v26;
	v63 =	vor.u32 v60, v58  }
0x143: {  	vm13 =	veq.s32 v46, v51;
	vm14 =	veq.s32 v47, v51;
	v31 =	vor.u32 v63, v31  }
0x144: {  	v37 =	vsub.f32 v53, v59;
	v43 =	vshll.u32 v63, $0x1;
	vm2 =	vmor vm12, vm13  }
0x145: {  	v56 =	vld.idx.msk [tilespmem:v50+s21+$0x0], $0xffff;
	vm12 =	vmor vm6, vm4;
	v28 =	vadd.f32 v15, v6;
	vm13 =	vmor vm7, vm9  }
0x146: {  	v46 =	vadd.s32 v0, v43;
	v48 =	vadd.f32 v15, v7;
	v63 =	vadd.f32 v15, v9  }
0x147: {  	vm2 =	vmor vm2, vm14;
	vm7 =	vmneg vm12;
	vm12 =	vmor vm13, vm6  }
0x148: {  	v49 =	vand.u32 $0x7FFFFF80, v46;
	vm9 =	vge.f32 v28, $0.0e+00;
	v28 =	vmul.f32 v28, v28  }
0x149: {  	v35 =	vmul.f32 v48, v48;
	vm11 =	vmand vm11, vm9;
	vm9 =	vmor vm15, vm3;
	v31 =	vld.idx.msk [tilespmem:v31+s22+$0x0], $0xffff  }
0x14a: {  	vm9 =	vmor vm4, vm9;
	vm10 =	vmand vm11, vm10;
	vm14 =	vlt.s32 v56, v14  }
0x14b: {  	vm6 =	vmand vm6, vm10;
	vm10 =	vlt.s32 v13, v17;
	v26 =	vsel vm14, v36, v29  }
0x14c: {  	vm11 =	vmor vm5, vm12;
	v44 =	vsel vm10, $0x3, v4;
	v38 =	vadd.s32 $0x7, v26  }
0x14d: {  	vm9 =	vmneg vm9;
	vm11 =	vmor vm11, vm3;
	v47 =	vor.u32 v0, v44  }
0x14e: {  	v56 =	vadd.f32 v15, v8;
	v29 =	vmul.f32 v37, v37;
	vm12 =	vlt.s32 v31, v18  }
0x14f: {  	vm6 =	vmand vm1, vm6;
	vm10 =	vge.f32 v48, $0.0e+00;
	v45 =	vsel vm12, $0x1, v1  }
0x150: {  	vm13 =	vmor vm11, vm2;
	v27 =	vadd.f32 v29, v27;
	v30 =	vor.u32 v45, v43  }
0x151: {  	vm11 =	vge.f32 v63, $0.0e+00;
	v50 =	vadd.s32 $0x8, v26;
	v42 =	vld.idx.msk [tilespmem:v38+s21+$0x0], $0xffff;
	v32 =	vor.u32 v30, v49  }
0x152: {  	vm7 =	vmand vm10, vm7;
	v28 =	vnsel vm6, $0x0, v28;
	v27 =	vadd.f32 v40, v27;
	v34 =	vld.idx.msk [tilespmem:v47+s22+$0x0], $0xffff  }
0x153: {  	vm14 =	vge.f32 v56, $0.0e+00;
	v58 =	vmul.f32 v56, v56;
	vm4 =	vmor vm4, vm13  }
0x154: {  	v56 =	vadd.f32 v15, v11;
	vm5 =	vmand vm5, vm7;
	v27 =	vadd.f32 $9.999999960e-13, v27  }
0x155: {  	vm4 =	vmneg vm4;
	vm7 =	vlt.u32 v39, $0x4;
	v31 =	vshll.u32 v44, $0x1  }
0x156: {  	v51 =	vshrl.u32 v27, $0x1;
	v52 =	vmul.f32 $5.000000000e-01, v27;
	vm12 =	vlt.s32 v42, v14;
	v32 =	vld.idx.msk [tilespmem:v32+s22+$0x0], $0xffff  }
0x157: {  	v53 =	vsub.s32 $0x5F3759DF, v51;
	vm15 =	vlt.s32 v34, v17;
	v29 =	vsel vm12, v50, v26  }
0x158: {  	v55 =	vmul.f32 v53, v52;
	v34 =	vsel vm15, $0x1, v1;
	v54 =	vadd.s32 $0x3, v29  }
0x159: {  	vm5 =	vmand vm1, vm5;
	vm4 =	vmand vm11, vm4;
	v31 =	vor.u32 v34, v31  }
0x15a: {  	v35 =	vnsel vm5, $0x0, v35;
	v37 =	vmul.f32 v53, v55;
	v34 =	vor.u32 v0, v31  }
0x15b: {  	vm4 =	vmand vm1, vm4;
	vm12 =	vmand vm8, vm9;
	vm9 =	vlt.s32 v32, v18  }
0x15c: {  	v30 =	vshll.u32 v30, $0x8;
	v57 =	vsub.f32 $1.500000000e+00, v37;
	v32 =	vsel vm9, $0x80, v1  }
0x15d: {  	v28 =	vadd.f32 v28, v35;
	v45 =	vadd.f32 v15, v10;
	v33 =	vld.idx.msk [tilespmem:v54+s21+$0x0], $0xffff;
	v30 =	vor.u32 v32, v30  }
0x15e: {  	v15 =	vnsel vm0, $0x0, v24;
	v26 =	vld.idx.msk [tilespmem:v23+s19+$0x0], $0xffff;
	v35 =	vmul.f32 v53, v57;
	v61 =	vadd.s32 $0xFFFFC03F, v30  }
0x15f: {  	vm8 =	vge.f32 v56, $0.0e+00;
	vm5 =	vmand vm12, vm14;
	v60 =	vadd.s32 $0x4, v29;
	v34 =	vld.idx.msk [tilespmem:v34+s22+$0x0], $0xffff  }
0x160: {  	vm12 =	vge.f32 v45, $0.0e+00;
	vm0 =	vmand vm2, vm8;
	v59 =	vmul.f32 v35, v52  }
0x161: {  	vm5 =	vmand vm1, vm5;
	v37 =	vmul.f32 v63, v63;
	v31 =	vshll.u32 v31, $0x1  }
0x162: {  	vm3 =	vmand vm3, vm12;
	v23 =	vmul.f32 v59, v35;
	vm10 =	vlt.s32 v33, v14  }
0x163: {  	v62 =	vnsel vm5, $0x0, v58;
	v40 =	vand.u32 $0x3F, v26;
	v29 =	vsel vm10, v60, v29;
	v33 =	vld.idx.msk [tilespmem:v61+s21+$0x0], $0xffff  }
0x164: {  	v23 =	vsub.f32 $1.500000000e+00, v23;
	vm13 =	vlt.s32 v34, v17;
	v44 =	vadd.s32 $0x1, v29  }
0x165: {  	vm3 =	vmand vm1, vm3;
	vm1 =	vmand vm1, vm0;
	v51 =	vsel vm13, $0x1, v1  }
0x166: {  	v28 =	vadd.f32 v28, v62;
	v23 =	vmul.f32 v23, v35;
	v31 =	vor.u32 v51, v31  }
0x167: {  	v48 =	vld.idx.msk [tilespmem:v39+s20+$0x0], $0xffff;
	v46 =	vnsel vm4, $0x0, v37;
	v62 =	vshrl.u32 v19, $0xC;
	v38 =	vor.u32 v0, v31  }
0x168: {  	v63 =	vshrl.u32 v26, $0xC;
	v50 =	vld.idx.msk [tilespmem:v40+s20+$0x0], $0xffff;
	v36 =	vmul.f32 v23, v52;
	vm14 =	vlt.s32 v33, v18  }
0x169: {  	v28 =	vadd.f32 v28, v46;
	v32 =	vmul.f32 v45, v45;
	v47 =	vld.idx.msk [tilespmem:v44+s21+$0x0], $0xffff;
	v53 =	vsel vm14, $0xFFFFC040, v5  }
0x16a: {  	vm8 =	vlt.u32 v40, $0x4;
	v49 =	vmul.f32 v36, v23;
	v30 =	vadd.s32 v53, v30  }
0x16b: {  	v59 =	vnsel vm3, $0x0, v32;
	v34 =	vand.u32 $0x40, v53;
	v55 =	vand.u32 $0xFFFFFF80, v30  }
0x16c: {  	v54 =	vadd.s32 $0x2, v29;
	v52 =	vsub.f32 $1.500000000e+00, v49;
	v58 =	vld.idx.msk [tilespmem:v38+s22+$0x0], $0xffff;
	v34 =	vor.u32 v55, v34  }
0x16d: {  	v31 =	vshll.u32 v31, $0x1;
	v33 =	vadd.f32 v50, v48;
	v34 =	vor.u32 $0x1F, v34  }
0x16e: {  	vm14 =	vlt.u32 v39, $0x5;
	v23 =	vmul.f32 v52, v23;
	vm15 =	vlt.s32 v47, v14  }
0x16f: {  	v57 =	vadd.f32 $6.000000240e-01, v33;
	v51 =	vor.u32 $0x20, v30;
	v29 =	vsel vm15, v54, v29  }
0x170: {  	v52 =	vmul.u32 $0x5, v39;
	v55 =	vsub.s32 v62, v63;
	v36 =	vmul.f32 v23, v27  }
0x171: {  	v23 =	vadd.f32 v28, v59;
	v27 =	vmul.f32 v56, v56;
	vm11 =	vlt.s32 v58, v17  }
0x172: {  	v42 =	vsub.s32 $0x0, v55;
	v47 =	vor.u32 v0, v31;
	v46 =	vsel vm11, $0x1, v1;
	v45 =	vld.idx.msk [tilespmem:v34+s21+$0x0], $0xffff  }
0x173: {  	v38 =	vmin.u32 v55, v42;
	v49 =	vand.u32 $0x7FFFFF80, v47;
	v48 =	vor.u32 v46, v31  }
0x174: {  	v60 =	vsub.f32 v36, v57;
	vm9 =	vle.f32 v36, $5.000000000e+00;
	v31 =	vor.u32 v48, v49;
	v61 =	vld.idx.msk [tilespmem:v29+s21+$0x0], $0xffff  }
0x175: {  	v54 =	vxor.u32 v19, v26;
	vm3 =	veq.s32 v38, $0x1;
	vm15 =	vlt.u32 v40, $0x5  }
0x176: {  	v19 =	vor.u32 v19, v26;
	v33 =	vsub.f32 v33, v36;
	v27 =	vnsel vm1, $0x0, v27  }
0x177: {  	v44 =	vld.idx.msk [tilespmem:v20+s3+$0x0], $0xffff;
	vm4 =	vmand vm14, vm15;
	vm10 =	vle.f32 v60, $0.0e+00;
	vm13 =	vlt.s32 v45, v18  }
0x178: {  	v19 =	vand.u32 $0x3C, v19;
	vm0 =	vmand vm9, vm10;
	v46 =	vld.idx.msk [tilespmem:v20+s17+$0x0], $0xffff;
	v24 =	vsel vm13, v51, v30  }
0x179: {  	v34 =	vadd.s32 v52, v40;
	v31 =	vld.idx.msk [tilespmem:v31+s22+$0x0], $0xffff;
	vm12 =	vlt.s32 v61, v14;
	v56 =	vor.u32 $0xF, v24  }
0x17a: {  	vm10 =	veq.s32 v19, $0x0;
	v50 =	vsel vm12, $0x1, v1;
	vm12 =	veq.s32 v62, v63;
	v62 =	vld.idx.msk [tilespmem:v16+s3+$0x0], $0xffff  }
0x17b: {  	v34 =	vmin.u32 v34, $0x1F;
	v28 =	vshll.u32 v48, $0x1;
	v63 =	vld.idx.msk [tilespmem:v16+s17+$0x0], $0xffff;
	v29 =	vadd.s32 v50, v29  }
0x17c: {  	v57 =	vshrl.u32 v2, v34;
	v30 =	vand.u32 $0xFC0, v54;
	v43 =	vadd.s32 $0x2, v29  }
0x17d: {  	vm2 =	veq.s32 v30, $0x0;
	v30 =	vand.u32 $0x1, v57;
	v61 =	vor.u32 $0x1, v14  }
0x17e: {  	v47 =	vor.u32 $0x10, v24;
	vm13 =	veq.s32 v30, $0x1;
	v53 =	vadd.s32 $0x1, v29;
	v59 =	vld.idx.msk [tilespmem:v56+s21+$0x0], $0xffff  }
0x17f: {  	v48 =	vld.idx.msk [tilespmem:v16+s18+$0x0], $0xffff;
	vm6 =	vmand vm2, vm3;
	vm5 =	vmand vm12, vm2;
	vm4 =	vmand vm4, vm13  }
0x180: {  	vm14 =	vlt.s32 v31, v17;
	v51 =	vsub.f32 v62, v44;
	v31 =	vsub.f32 v63, v46;
	v29 =	vld.idx.msk [tilespmem:v29+s21+$0x0], $0xffff  }
0x181: {  	vm9 =	vmneg vm4;
	v42 =	vsel vm14, $0x1, v1;
	v60 =	vld.idx.msk [tilespmem:v43+s21+$0x0], $0xffff;
	v43 =	vadd.s32 v0, v28  }
0x182: {  	v50 =	vld.idx.msk [tilespmem:v20+s18+$0x0], $0xffff;
	v28 =	vor.u32 v42, v28;
	v19 =	vmul.f32 v51, v51;
	v31 =	vmul.f32 v31, v31  }
0x183: {  	v58 =	vld.idx.msk [tilespmem:v53+s21+$0x0], $0xffff;
	v53 =	vadd.f32 v33, v6;
	v45 =	vand.u32 $0x7FFFFF80, v43;
	vm13 =	vlt.s32 v59, v18  }
0x184: {  	v38 =	vor.u32 v28, v45;
	v19 =	vadd.f32 v31, v19;
	v28 =	vshll.u32 v28, $0x1  }
0x185: {  	v31 =	vmul.f32 v53, v53;
	v49 =	vsel vm13, v47, v24;
	v56 =	vadd.s32 v0, v28  }
0x186: {  	v47 =	vadd.f32 v33, v8;
	vm15 =	veq.s32 v29, v61;
	vm3 =	veq.s32 v29, v14  }
0x187: {  	v30 =	vadd.s32 $0x7, v49;
	v14 =	vsub.f32 v48, v50;
	v55 =	vadd.s32 $0x8, v49  }
0x188: {  	v24 =	vld [tilespmem:s2+$0xFFFFFFE0];
	v57 =	vand.u32 $0x7FFFFF80, v56;
	vm12 =	veq.s32 v58, v61;
	vm14 =	veq.s32 v60, v61  }
0x189: {  	v60 =	vadd.f32 v33, v7;
	vm2 =	vmor vm15, vm12;
	vm12 =	vmxor vm7, vm8  }
0x18a: {  	v26 =	vld [tilespmem:s9+$0xFFFFFFE0];
	vm15 =	vmor vm5, vm6;
	vm7 =	vmor vm7, vm8;
	vm8 =	vmor vm6, vm4  }
0x18b: {  	v14 =	vmul.f32 v14, v14;
	vm2 =	vmor vm2, vm14;
	vm11 =	vmor vm15, vm3  }
0x18c: {  	v52 =	vld.idx.msk [tilespmem:v38+s22+$0x0], $0xffff;
	v34 =	vmul.f32 v60, v60;
	vm13 =	vmor vm4, vm11;
	vm11 =	vmneg vm8  }
0x18d: {  	v14 =	vadd.f32 v14, v19;
	v54 =	vmul.u32 $0x4E20, v24;
	vm8 =	vmneg vm13  }
0x18e: {  	vm14 =	vge.f32 v47, $0.0e+00;
	v30 =	vld.idx.msk [tilespmem:v30+s21+$0x0], $0xffff;
	vm13 =	vmor vm7, vm6;
	vm7 =	vmand vm12, vm8  }
0x18f: {  	vm8 =	vmor vm5, vm13;
	v19 =	vadd.s32 v26, v54;
	v14 =	vadd.f32 $9.999999960e-13, v14  }
0x190: {  	v54 =	vmul.f32 v47, v47;
	v19 =	vshll.u32 v19, $0x1;
	vm8 =	vmor vm8, vm3  }
0x191: {  	vm12 =	vlt.s32 v52, v17;
	v62 =	vshrl.u32 v14, $0x1;
	v63 =	vmul.f32 $5.000000000e-01, v14  }
0x192: {  	vm8 =	vmor vm8, vm2;
	v32 =	vsel vm12, $0x1, v1;
	v36 =	vsub.s32 $0x5F3759DF, v62  }
0x193: {  	vm4 =	vmor vm4, vm8;
	vm12 =	vlt.s32 v30, v18;
	v28 =	vor.u32 v32, v28  }
0x194: {  	v46 =	vmul.f32 v36, v63;
	v29 =	vsel vm12, v55, v49;
	v58 =	vor.u32 v28, v57  }
0x195: {  	vm4 =	vmneg vm4;
	vm12 =	vlt.s32 v13, v19;
	v61 =	vadd.s32 $0x3, v29  }
0x196: {  	v28 =	vshll.u32 v28, $0x8;
	v55 =	vadd.f32 v33, v9;
	v57 =	vadd.f32 v33, v10  }
0x197: {  	v33 =	vadd.f32 v33, v11;
	v59 =	vsel vm12, $0x3, v4;
	vm12 =	vge.f32 v53, $0.0e+00  }
0x198: {  	v39 =	vmul.f32 v36, v46;
	v50 =	vadd.s32 $0x4, v29;
	v45 =	vor.u32 v0, v59  }
0x199: {  	vm10 =	vmand vm10, vm12;
	vm12 =	vge.f32 v60, $0.0e+00;
	v32 =	vshll.u32 v59, $0x1;
	v30 =	vld.idx.msk [tilespmem:v58+s22+$0x0], $0xffff  }
0x19a: {  	v41 =	vmul.f32 v57, v57;
	vm9 =	vmand vm10, vm9;
	vm13 =	vmand vm12, vm11;
	v35 =	vld.idx.msk [tilespmem:v61+s21+$0x0], $0xffff  }
0x19b: {  	v39 =	vsub.f32 $1.500000000e+00, v39;
	vm11 =	vge.f32 v55, $0.0e+00;
	vm12 =	vge.f32 v57, $0.0e+00  }
0x19c: {  	vm6 =	vmand vm6, vm9;
	vm5 =	vmand vm5, vm13;
	vm4 =	vmand vm11, vm4  }
0x19d: {  	vm3 =	vmand vm3, vm12;
	vm6 =	vmand vm0, vm6;
	vm5 =	vmand vm0, vm5;
	v38 =	vld.idx.msk [tilespmem:v45+s22+$0x0], $0xffff  }
0x19e: {  	v48 =	vmul.f32 v36, v39;
	vm4 =	vmand vm0, vm4;
	v39 =	vmul.f32 v55, v55  }
0x19f: {  	v31 =	vnsel vm6, $0x0, v31;
	vm15 =	vlt.s32 v30, v17;
	vm9 =	vlt.s32 v35, v18  }
0x1a0: {  	v34 =	vnsel vm5, $0x0, v34;
	v49 =	vsel vm15, $0x80, v1;
	v29 =	vsel vm9, v50, v29  }
0x1a1: {  	v31 =	vadd.f32 v31, v34;
	v34 =	vor.u32 v49, v28;
	v52 =	vadd.s32 $0x1, v29  }
0x1a2: {  	v53 =	vmul.f32 v48, v63;
	vm10 =	vlt.s32 v38, v19;
	v51 =	vadd.s32 $0xFFFFC03F, v34  }
0x1a3: {  	v20 =	vld.idx.msk [tilespmem:v20+s19+$0x0], $0xffff;
	vm3 =	vmand vm0, vm3;
	vm5 =	vmand vm7, vm14;
	v38 =	vsel vm10, $0x1, v1  }
0x1a4: {  	vm7 =	vge.f32 v33, $0.0e+00;
	v28 =	vld.idx.msk [tilespmem:v16+s19+$0x0], $0xffff;
	v16 =	vmul.f32 v53, v48;
	v32 =	vor.u32 v38, v32  }
0x1a5: {  	v33 =	vmul.f32 v33, v33;
	vm1 =	vmand vm2, vm7;
	v56 =	vor.u32 v0, v32  }
0x1a6: {  	vm5 =	vmand vm0, vm5;
	vm0 =	vmand vm0, vm1;
	v16 =	vsub.f32 $1.500000000e+00, v16;
	v36 =	vld.idx.msk [tilespmem:v52+s21+$0x0], $0xffff  }
0x1a7: {  	v44 =	vnsel vm3, $0x0, v41;
	v58 =	vnsel vm4, $0x0, v39;
	v47 =	vnsel vm0, $0x0, v33;
	v35 =	vld.idx.msk [tilespmem:v51+s21+$0x0], $0xffff  }
0x1a8: {  	v30 =	vand.u32 $0x3F, v20;
	v38 =	vnsel vm5, $0x0, v54;
	v16 =	vmul.f32 v16, v48  }
0x1a9: {  	vm7 =	vlt.u32 v30, $0x4;
	v31 =	vadd.f32 v31, v38;
	v42 =	vand.u32 $0x3F, v28  }
0x1aa: {  	v59 =	vadd.s32 $0x2, v29;
	v32 =	vshll.u32 v32, $0x1;
	v37 =	vmul.f32 v16, v63;
	v40 =	vld.idx.msk [tilespmem:v56+s22+$0x0], $0xffff  }
0x1ab: {  	v31 =	vadd.f32 v31, v58;
	v50 =	vshrl.u32 v28, $0xC;
	vm14 =	vlt.s32 v36, v18  }
0x1ac: {  	v37 =	vmul.f32 v37, v16;
	vm13 =	vlt.s32 v35, v17;
	v29 =	vsel vm14, v59, v29  }
0x1ad: {  	v62 =	vld.idx.msk [tilespmem:v30+s20+$0x0], $0xffff;
	v51 =	vshrl.u32 v20, $0xC;
	vm6 =	vlt.u32 v42, $0x4;
	v60 =	vsel vm13, $0xFFFFC040, v5  }
0x1ae: {  	v31 =	vadd.f32 v31, v44;
	v61 =	vld.idx.msk [tilespmem:v42+s20+$0x0], $0xffff;
	v37 =	vsub.f32 $1.500000000e+00, v37;
	v34 =	vadd.s32 v60, v34  }
0x1af: {  	v36 =	vand.u32 $0x40, v60;
	vm15 =	vlt.s32 v40, v19;
	v63 =	vand.u32 $0xFFFFFF80, v34  }
0x1b0: {  	v16 =	vmul.f32 v37, v16;
	v40 =	vsel vm15, $0x1, v1;
	v36 =	vor.u32 v63, v36  }
0x1b1: {  	v60 =	vxor.u32 v28, v20;
	v32 =	vor.u32 v40, v32;
	v36 =	vor.u32 $0x1F, v36;
	v45 =	vld.idx.msk [tilespmem:v29+s21+$0x0], $0xffff  }
0x1b2: {  	v37 =	vmul.f32 v16, v14;
	v16 =	vadd.f32 v25, v15;
	v40 =	vor.u32 v0, v32  }
0x1b3: {  	v20 =	vor.u32 v28, v20;
	v15 =	vadd.f32 v23, v27;
	v35 =	vadd.f32 v62, v61  }
0x1b4: {  	v14 =	vadd.f32 v31, v47;
	v54 =	vor.u32 $0x20, v34;
	vm15 =	veq.s32 v50, v51  }
0x1b5: {  	v20 =	vand.u32 $0x3C, v20;
	v61 =	vsub.s32 v50, v51;
	v46 =	vadd.f32 $6.000000240e-01, v35  }
0x1b6: {  	v62 =	vmul.u32 $0x5, v42;
	vm9 =	vle.f32 v37, $5.000000000e+00;
	v36 =	vld.idx.msk [tilespmem:v36+s21+$0x0], $0xffff;
	vm8 =	vlt.s32 v45, v18  }
0x1b7: {  	v32 =	vshll.u32 v32, $0x1;
	v49 =	vsub.f32 v37, v46;
	v48 =	vld.idx.msk [tilespmem:v40+s22+$0x0], $0xffff;
	v52 =	vsel vm8, $0x1, v1  }
0x1b8: {  	v63 =	vsub.s32 $0x0, v61;
	v46 =	vadd.s32 v62, v30;
	v53 =	vadd.s32 v52, v29  }
0x1b9: {  	v57 =	vor.u32 v0, v32;
	v47 =	vmin.u32 v46, $0x1F;
	vm10 =	vle.f32 v49, $0.0e+00  }
0x1ba: {  	v59 =	vand.u32 $0x7FFFFF80, v57;
	v27 =	vshrl.u32 v2, v47;
	vm0 =	vmand vm9, vm10  }
0x1bb: {  	v51 =	vld.idx.msk [tilespmem:v21+s3+$0x0], $0xffff;
	v29 =	vadd.s32 $0x1, v53;
	v25 =	vadd.s32 $0x2, v53;
	vm11 =	vlt.s32 v36, v17  }
0x1bc: {  	vm12 =	vlt.s32 v48, v19;
	v55 =	vsel vm11, v54, v34;
	v34 =	vand.u32 $0xFC0, v60;
	v60 =	vld.idx.msk [tilespmem:v22+s17+$0x0], $0xffff  }
0x1bd: {  	v45 =	vmin.u32 v61, v63;
	vm9 =	vlt.u32 v30, $0x5;
	v56 =	vsel vm12, $0x1, v1;
	v44 =	vld.idx.msk [tilespmem:v53+s21+$0x0], $0xffff  }
0x1be: {  	v27 =	vand.u32 $0x1, v27;
	vm8 =	vlt.u32 v42, $0x5;
	v32 =	vor.u32 v56, v32;
	v53 =	vld.idx.msk [tilespmem:v21+s17+$0x0], $0xffff  }
0x1bf: {  	vm10 =	veq.s32 v27, $0x1;
	v58 =	vor.u32 $0xF, v55;
	v33 =	vor.u32 v32, v59;
	v59 =	vld.idx.msk [tilespmem:v22+s3+$0x0], $0xffff  }
0x1c0: {  	vm1 =	vmand vm8, vm9;
	v52 =	vshll.u32 v32, $0x1;
	v32 =	vsub.f32 v35, v37;
	v29 =	vld.idx.msk [tilespmem:v29+s21+$0x0], $0xffff  }
0x1c1: {  	v49 =	vor.u32 $0x1, v18;
	vm14 =	veq.s32 v45, $0x1;
	vm3 =	vmand vm1, vm10;
	v25 =	vld.idx.msk [tilespmem:v25+s21+$0x0], $0xffff  }
0x1c2: {  	vm10 =	veq.s32 v20, $0x0;
	vm13 =	veq.s32 v34, $0x0;
	v63 =	vadd.f32 v32, v6  }
0x1c3: {  	vm8 =	vmneg vm3;
	v50 =	vor.u32 $0x10, v55;
	vm5 =	vmand vm13, vm14  }
0x1c4: {  	vm4 =	vmand vm15, vm13;
	v47 =	vadd.f32 v32, v7;
	v48 =	vld.idx.msk [tilespmem:v58+s21+$0x0], $0xffff;
	v31 =	vmul.f32 v63, v63  }
0x1c5: {  	v33 =	vld.idx.msk [tilespmem:v33+s22+$0x0], $0xffff;
	vm11 =	veq.s32 v44, v49;
	vm2 =	veq.s32 v44, v18;
	v30 =	vsub.f32 v51, v59  }
0x1c6: {  	v28 =	vsub.f32 v53, v60;
	vm12 =	veq.s32 v29, v49;
	vm15 =	veq.s32 v25, v49  }
0x1c7: {  	v61 =	vld.idx.msk [tilespmem:v22+s18+$0x0], $0xffff;
	vm1 =	vmor vm11, vm12;
	vm12 =	vmor vm4, vm5;
	vm11 =	vmor vm5, vm3  }
0x1c8: {  	v56 =	vld.idx.msk [tilespmem:v21+s18+$0x0], $0xffff;
	v30 =	vmul.f32 v30, v30;
	v28 =	vmul.f32 v28, v28;
	vm1 =	vmor vm1, vm15  }
0x1c9: {  	vm12 =	vmor vm12, vm2;
	vm9 =	vmneg vm11;
	vm15 =	vge.f32 v47, $0.0e+00  }
0x1ca: {  	v18 =	vld [tilespmem:s2+$0xFFFFFFF0];
	vm13 =	vlt.s32 v48, v17;
	vm11 =	vmor vm3, vm12;
	vm14 =	vlt.s32 v33, v19  }
0x1cb: {  	v23 =	vsel vm13, v50, v55;
	v55 =	vadd.s32 v0, v52;
	v33 =	vsel vm14, $0x1, v1  }
0x1cc: {  	v54 =	vadd.s32 $0x7, v23;
	v58 =	vand.u32 $0x7FFFFF80, v55;
	v57 =	vor.u32 v33, v52  }
0x1cd: {  	vm12 =	vmxor vm6, vm7;
	v33 =	vsub.f32 v56, v61;
	v29 =	vor.u32 v57, v58  }
0x1ce: {  	vm6 =	vmor vm6, vm7;
	v40 =	vadd.f32 v28, v30;
	vm11 =	vmneg vm11  }
0x1cf: {  	vm7 =	vmor vm6, vm5;
	v43 =	vmul.u32 $0x4E20, v18;
	v41 =	vmul.f32 v33, v33  }
0x1d0: {  	vm6 =	vmand vm12, vm11;
	vm7 =	vmor vm4, vm7;
	v39 =	vadd.s32 $0x8, v23  }
0x1d1: {  	vm12 =	vge.f32 v63, $0.0e+00;
	vm7 =	vmor vm7, vm2;
	v62 =	vld.idx.msk [tilespmem:v54+s21+$0x0], $0xffff;
	v20 =	vadd.f32 v41, v40  }
0x1d2: {  	vm10 =	vmand vm10, vm12;
	v56 =	vadd.f32 v32, v8;
	v27 =	vshll.u32 v57, $0x1;
	v29 =	vld.idx.msk [tilespmem:v29+s22+$0x0], $0xffff  }
0x1d3: {  	v25 =	vld [tilespmem:s9+$0xFFFFFFF0];
	vm8 =	vmand vm10, vm8;
	vm12 =	vmor vm7, vm1;
	v33 =	vadd.f32 $9.999999960e-13, v20  }
0x1d4: {  	v45 =	vadd.s32 v0, v27;
	vm8 =	vmand vm5, vm8;
	vm10 =	vge.f32 v56, $0.0e+00  }
0x1d5: {  	vm3 =	vmor vm3, vm12;
	v48 =	vshrl.u32 v33, $0x1;
	v49 =	vmul.f32 $5.000000000e-01, v33  }
0x1d6: {  	v46 =	vand.u32 $0x7FFFFF80, v45;
	vm11 =	vlt.s32 v62, v17;
	v34 =	vsub.s32 $0x5F3759DF, v48  }
0x1d7: {  	v23 =	vsel vm11, v39, v23;
	v52 =	vmul.f32 v34, v49;
	vm13 =	vlt.s32 v29, v19  }
0x1d8: {  	v42 =	vadd.s32 $0x3, v23;
	v29 =	vadd.s32 v25, v43;
	v44 =	vsel vm13, $0x1, v1  }
0x1d9: {  	v20 =	vshll.u32 v29, $0x1;
	v38 =	vmul.f32 v34, v52;
	v27 =	vor.u32 v44, v27  }
0x1da: {  	vm3 =	vmneg vm3;
	vm14 =	vlt.s32 v13, v20;
	v28 =	vor.u32 v27, v46  }
0x1db: {  	v62 =	vadd.f32 v32, v9;
	v50 =	vsel vm14, $0x3, v4;
	v38 =	vsub.f32 $1.500000000e+00, v38  }
0x1dc: {  	v39 =	vmul.f32 v56, v56;
	v53 =	vadd.s32 $0x4, v23;
	v51 =	vor.u32 v0, v50  }
0x1dd: {  	vm12 =	vge.f32 v62, $0.0e+00;
	vm14 =	vmand vm15, vm9;
	v30 =	vld.idx.msk [tilespmem:v42+s21+$0x0], $0xffff;
	v34 =	vmul.f32 v34, v38  }
0x1de: {  	vm13 =	vmand vm0, vm8;
	v29 =	vmul.f32 v47, v47;
	vm4 =	vmand vm4, vm14  }
0x1df: {  	vm3 =	vmand vm12, vm3;
	vm4 =	vmand vm0, vm4;
	v60 =	vmul.f32 v34, v49;
	v28 =	vld.idx.msk [tilespmem:v28+s22+$0x0], $0xffff  }
0x1e0: {  	v21 =	vld.idx.msk [tilespmem:v21+s19+$0x0], $0xffff;
	v54 =	vnsel vm13, $0x0, v31;
	v44 =	vadd.f32 v32, v10;
	v29 =	vnsel vm4, $0x0, v29  }
0x1e1: {  	vm3 =	vmand vm0, vm3;
	v57 =	vadd.f32 v54, v29;
	v37 =	vld.idx.msk [tilespmem:v51+s22+$0x0], $0xffff;
	v29 =	vmul.f32 v60, v34  }
0x1e2: {  	v32 =	vadd.f32 v32, v11;
	v58 =	vshll.u32 v27, $0x8;
	vm15 =	vlt.s32 v30, v17  }
0x1e3: {  	v36 =	vshll.u32 v50, $0x1;
	v30 =	vsel vm15, v53, v23;
	v23 =	vld.idx.msk [tilespmem:v22+s19+$0x0], $0xffff;
	v29 =	vsub.f32 $1.500000000e+00, v29  }
0x1e4: {  	vm14 =	vge.f32 v44, $0.0e+00;
	vm7 =	vge.f32 v32, $0.0e+00;
	vm9 =	vlt.s32 v28, v19  }
0x1e5: {  	v55 =	vadd.s32 $0x1, v30;
	v29 =	vmul.f32 v29, v34;
	v59 =	vsel vm9, $0x80, v1  }
0x1e6: {  	v34 =	vand.u32 $0x3F, v21;
	vm11 =	vlt.s32 v37, v20;
	v27 =	vor.u32 v59, v58  }
0x1e7: {  	v37 =	vsel vm11, $0x1, v1;
	v35 =	vmul.f32 v29, v49;
	v61 =	vadd.s32 $0xFFFFC03F, v27  }
0x1e8: {  	v38 =	vmul.f32 v62, v62;
	v36 =	vor.u32 v37, v36;
	v40 =	vand.u32 $0x3F, v23  }
0x1e9: {  	vm4 =	vmand vm6, vm10;
	v37 =	vor.u32 v0, v36;
	v35 =	vmul.f32 v35, v29  }
0x1ea: {  	vm2 =	vmand vm2, vm14;
	vm1 =	vmand vm1, vm7;
	vm4 =	vmand vm0, vm4;
	v31 =	vld.idx.msk [tilespmem:v55+s21+$0x0], $0xffff  }
0x1eb: {  	v45 =	vnsel vm4, $0x0, v39;
	v51 =	vmul.f32 v44, v44;
	v47 =	vld.idx.msk [tilespmem:v34+s20+$0x0], $0xffff;
	v35 =	vsub.f32 $1.500000000e+00, v35  }
0x1ec: {  	vm2 =	vmand vm0, vm2;
	vm1 =	vmand vm0, vm1;
	v28 =	vadd.f32 v57, v45;
	v22 =	vld.idx.msk [tilespmem:v61+s21+$0x0], $0xffff  }
0x1ed: {  	v46 =	vnsel vm3, $0x0, v38;
	v56 =	vnsel vm2, $0x0, v51;
	v49 =	vld.idx.msk [tilespmem:v40+s20+$0x0], $0xffff;
	v29 =	vmul.f32 v35, v29  }
0x1ee: {  	v63 =	vadd.s32 $0x2, v30;
	v44 =	vmul.u32 $0x5, v34;
	v48 =	vadd.f32 v28, v46;
	v37 =	vld.idx.msk [tilespmem:v37+s22+$0x0], $0xffff  }
0x1ef: {  	v53 =	vshll.u32 v36, $0x1;
	vm13 =	vlt.s32 v31, v17;
	v29 =	vmul.f32 v29, v33  }
0x1f0: {  	vm7 =	vlt.u32 v40, $0x4;
	v61 =	vshrl.u32 v21, $0xC;
	v30 =	vsel vm13, v63, v30  }
0x1f1: {  	v63 =	vshrl.u32 v23, $0xC;
	vm9 =	vle.f32 v29, $5.000000000e+00;
	vm15 =	vlt.s32 v22, v19  }
0x1f2: {  	v28 =	vadd.f32 v49, v47;
	v22 =	vadd.f32 v48, v56;
	v48 =	vxor.u32 v21, v23  }
0x1f3: {  	v49 =	vsub.s32 v61, v63;
	v50 =	vsel vm15, $0xFFFFC040, v5;
	vm6 =	vlt.s32 v37, v20  }
0x1f4: {  	v46 =	vld.idx.msk [tilespmem:v24+s17+$0x0], $0xffff;
	vm15 =	veq.s32 v61, v63;
	v42 =	vadd.s32 v50, v27;
	v31 =	vand.u32 $0x40, v50  }
0x1f5: {  	v52 =	vld.idx.msk [tilespmem:v30+s21+$0x0], $0xffff;
	v57 =	vadd.f32 $6.000000240e-01, v28;
	v50 =	vsub.s32 $0x0, v49;
	v27 =	vand.u32 $0xFFFFFF80, v42  }
0x1f6: {  	v61 =	vld.idx.msk [tilespmem:v26+s18+$0x0], $0xffff;
	v54 =	vsel vm6, $0x1, v1;
	v56 =	vmin.u32 v49, v50;
	v27 =	vor.u32 v27, v31  }
0x1f7: {  	v31 =	vor.u32 v54, v53;
	v33 =	vsub.f32 v29, v57;
	v53 =	vld.idx.msk [tilespmem:v24+s3+$0x0], $0xffff;
	v27 =	vor.u32 $0x1F, v27  }
0x1f8: {  	vm6 =	vlt.u32 v34, $0x4;
	v57 =	vld.idx.msk [tilespmem:v24+s18+$0x0], $0xffff;
	vm14 =	veq.s32 v56, $0x1;
	v55 =	vor.u32 v0, v31  }
0x1f9: {  	v24 =	vld.idx.msk [tilespmem:v24+s19+$0x0], $0xffff;
	v31 =	vshll.u32 v31, $0x1;
	vm10 =	vle.f32 v33, $0.0e+00;
	v33 =	vand.u32 $0xFC0, v48  }
0x1fa: {  	v45 =	vor.u32 v0, v31;
	vm8 =	vlt.s32 v52, v17;
	vm0 =	vmand vm9, vm10  }
0x1fb: {  	v52 =	vor.u32 $0x20, v42;
	vm13 =	veq.s32 v33, $0x0;
	v58 =	vsel vm8, $0x1, v1  }
0x1fc: {  	vm10 =	vlt.u32 v34, $0x5;
	vm8 =	vmand vm13, vm14;
	v30 =	vadd.s32 v58, v30;
	v60 =	vld.idx.msk [tilespmem:v27+s21+$0x0], $0xffff  }
0x1fd: {  	vm5 =	vmand vm15, vm13;
	v58 =	vadd.s32 v44, v40;
	v62 =	vadd.s32 $0x2, v30;
	v35 =	vld.idx.msk [tilespmem:v55+s22+$0x0], $0xffff  }
0x1fe: {  	v44 =	vor.u32 v21, v23;
	v48 =	vsub.f32 v57, v61;
	v41 =	vand.u32 $0x3F, v24  }
0x1ff: {  	v59 =	vadd.s32 $0x1, v30;
	v27 =	vmul.f32 v32, v32;
	v32 =	vmin.u32 v58, $0x1F  }
0x200: {  	v55 =	vand.u32 $0x7FFFFF80, v45;
	v21 =	vand.u32 $0x3C, v44;
	v32 =	vshrl.u32 v2, v32  }
0x201: {  	vm9 =	veq.s32 v21, $0x0;
	v32 =	vand.u32 $0x1, v32;
	v27 =	vnsel vm1, $0x0, v27;
	v30 =	vld.idx.msk [tilespmem:v30+s21+$0x0], $0xffff  }
0x202: {  	vm11 =	vlt.s32 v60, v19;
	v51 =	vld.idx.msk [tilespmem:v62+s21+$0x0], $0xffff;
	vm12 =	vlt.s32 v35, v20;
	v62 =	vor.u32 $0x1, v17  }
0x203: {  	v38 =	vsel vm11, v52, v42;
	v54 =	vsel vm12, $0x1, v1;
	vm11 =	vlt.u32 v40, $0x5  }
0x204: {  	v36 =	vld.idx.msk [tilespmem:v59+s21+$0x0], $0xffff;
	vm12 =	veq.s32 v32, $0x1;
	v47 =	vor.u32 $0xF, v38;
	v31 =	vor.u32 v54, v31  }
0x205: {  	v59 =	vld.idx.msk [tilespmem:v26+s3+$0x0], $0xffff;
	vm2 =	vmand vm10, vm11;
	v49 =	vor.u32 $0x10, v38;
	vm11 =	vmxor vm6, vm7  }
0x206: {  	v60 =	vld.idx.msk [tilespmem:v26+s17+$0x0], $0xffff;
	vm6 =	vmor vm6, vm7;
	v42 =	vor.u32 v31, v55;
	vm4 =	vmand vm2, vm12  }
0x207: {  	v31 =	vshll.u32 v31, $0x1;
	v55 =	vmul.f32 v48, v48;
	vm13 =	veq.s32 v30, v62  }
0x208: {  	vm3 =	veq.s32 v30, v17;
	v17 =	vsub.f32 v28, v29;
	v50 =	vadd.s32 v0, v31  }
0x209: {  	vm10 =	vmor vm8, vm4;
	vm14 =	veq.s32 v36, v62;
	vm12 =	veq.s32 v51, v62  }
0x20a: {  	v45 =	vsub.f32 v53, v59;
	v52 =	vand.u32 $0x7FFFFF80, v50;
	v53 =	vadd.f32 v17, v6;
	v63 =	vld.idx.msk [tilespmem:v47+s21+$0x0], $0xffff  }
0x20b: {  	vm15 =	vmor vm13, vm14;
	v59 =	vadd.f32 v17, v7;
	v47 =	vsub.f32 v46, v60;
	v42 =	vld.idx.msk [tilespmem:v42+s22+$0x0], $0xffff  }
0x20c: {  	v48 =	vadd.f32 v17, v8;
	vm2 =	vmor vm15, vm12;
	v23 =	vmul.f32 v45, v45  }
0x20d: {  	v26 =	vld.idx.msk [tilespmem:v26+s19+$0x0], $0xffff;
	vm12 =	vmor vm5, vm8;
	vm7 =	vge.f32 v53, $0.0e+00;
	v28 =	vmul.f32 v47, v47  }
0x20e: {  	vm12 =	vmor vm12, vm3;
	v33 =	vmul.f32 v53, v53;
	v29 =	vmul.f32 v59, v59  }
0x20f: {  	vm15 =	vmor vm4, vm12;
	v54 =	vadd.f32 v28, v23;
	vm13 =	vlt.s32 v63, v19  }
0x210: {  	vm12 =	vmor vm6, vm8;
	vm14 =	vlt.s32 v42, v20;
	v30 =	vsel vm13, v49, v38  }
0x211: {  	vm13 =	vmand vm9, vm7;
	v21 =	vadd.f32 v55, v54;
	vm7 =	vmneg vm10  }
0x212: {  	v23 =	vld [tilespmem:s2+$0x0];
	vm9 =	vmneg vm15;
	v42 =	vand.u32 $0x3F, v26;
	v32 =	vsel vm14, $0x1, v1  }
0x213: {  	v51 =	vadd.s32 $0x7, v30;
	vm14 =	vmneg vm4;
	v31 =	vor.u32 v32, v31  }
0x214: {  	v28 =	vld [tilespmem:s9+$0x0];
	vm6 =	vmand vm11, vm9;
	vm9 =	vmor vm5, vm12;
	v32 =	vor.u32 v31, v52  }
0x215: {  	v58 =	vadd.s32 $0x8, v30;
	vm12 =	vge.f32 v59, $0.0e+00;
	v59 =	vadd.f32 v17, v9  }
0x216: {  	v34 =	vadd.f32 $9.999999960e-13, v21;
	vm13 =	vmand vm13, vm14;
	vm7 =	vmand vm12, vm7  }
0x217: {  	vm9 =	vmor vm9, vm3;
	vm8 =	vmand vm8, vm13;
	v62 =	vmul.u32 $0x4E20, v23  }
0x218: {  	v61 =	vshll.u32 v31, $0x1;
	vm5 =	vmand vm5, vm7;
	vm9 =	vmor vm9, vm2;
	v56 =	vld.idx.msk [tilespmem:v51+s21+$0x0], $0xffff  }
0x219: {  	v21 =	vshrl.u32 v34, $0x1;
	v35 =	vmul.f32 $5.000000000e-01, v34;
	v31 =	vadd.s32 v28, v62;
	v32 =	vld.idx.msk [tilespmem:v32+s22+$0x0], $0xffff  }
0x21a: {  	v44 =	vadd.s32 v0, v61;
	v57 =	vsub.s32 $0x5F3759DF, v21;
	v21 =	vshll.u32 v31, $0x1  }
0x21b: {  	vm8 =	vmand vm0, vm8;
	vm5 =	vmand vm0, vm5;
	vm13 =	vlt.s32 v13, v21  }
0x21c: {  	vm4 =	vmor vm4, vm9;
	v45 =	vand.u32 $0x7FFFFF80, v44;
	v47 =	vsel vm13, $0x3, v4  }
0x21d: {  	v60 =	vmul.f32 v57, v35;
	v49 =	vor.u32 v0, v47;
	vm14 =	vlt.s32 v56, v19  }
0x21e: {  	v33 =	vnsel vm8, $0x0, v33;
	v30 =	vsel vm14, v58, v30;
	vm15 =	vlt.s32 v32, v20  }
0x21f: {  	v46 =	vmul.f32 v57, v60;
	v63 =	vadd.s32 $0x3, v30;
	v43 =	vsel vm15, $0x1, v1  }
0x220: {  	v29 =	vnsel vm5, $0x0, v29;
	vm4 =	vmneg vm4;
	v38 =	vor.u32 v43, v61  }
0x221: {  	v51 =	vmul.f32 v48, v48;
	v31 =	vsub.f32 $1.500000000e+00, v46;
	v39 =	vor.u32 v38, v45  }
0x222: {  	v29 =	vadd.f32 v33, v29;
	vm13 =	vge.f32 v59, $0.0e+00;
	v37 =	vshll.u32 v47, $0x1;
	v54 =	vld.idx.msk [tilespmem:v49+s22+$0x0], $0xffff  }
0x223: {  	vm4 =	vmand vm13, vm4;
	vm14 =	vge.f32 v48, $0.0e+00;
	v31 =	vmul.f32 v57, v31  }
0x224: {  	vm4 =	vmand vm0, vm4;
	v46 =	vxor.u32 v24, v26;
	vm6 =	vmand vm6, vm14;
	v32 =	vld.idx.msk [tilespmem:v63+s21+$0x0], $0xffff  }
0x225: {  	v55 =	vadd.s32 $0x4, v30;
	vm15 =	vmand vm0, vm6;
	v52 =	vmul.f32 v31, v35  }
0x226: {  	v49 =	vadd.f32 v17, v10;
	v17 =	vadd.f32 v17, v11;
	v53 =	vnsel vm15, $0x0, v51;
	v50 =	vld.idx.msk [tilespmem:v39+s22+$0x0], $0xffff  }
0x227: {  	v40 =	vmul.f32 v52, v31;
	v56 =	vshll.u32 v38, $0x8;
	vm12 =	vlt.s32 v54, v21  }
0x228: {  	v29 =	vadd.f32 v29, v53;
	vm14 =	vge.f32 v49, $0.0e+00;
	v61 =	vsel vm12, $0x1, v1  }
0x229: {  	v62 =	vld.idx.msk [tilespmem:v41+s20+$0x0], $0xffff;
	v52 =	vmul.f32 v49, v49;
	v37 =	vor.u32 v61, v37;
	vm10 =	vlt.s32 v32, v19  }
0x22a: {  	v57 =	vsub.f32 $1.500000000e+00, v40;
	v63 =	vld.idx.msk [tilespmem:v42+s20+$0x0], $0xffff;
	v48 =	vor.u32 v0, v37;
	v30 =	vsel vm10, v55, v30  }
0x22b: {  	vm7 =	vge.f32 v17, $0.0e+00;
	v58 =	vadd.s32 $0x1, v30;
	vm11 =	vlt.s32 v50, v20  }
0x22c: {  	vm1 =	vmand vm3, vm14;
	v31 =	vmul.f32 v57, v31;
	v36 =	vsel vm11, $0x80, v1  }
0x22d: {  	v45 =	vshrl.u32 v26, $0xC;
	vm1 =	vmand vm0, vm1;
	v32 =	vor.u32 v36, v56  }
0x22e: {  	v61 =	vmul.f32 v17, v17;
	v35 =	vmul.f32 v31, v35;
	v60 =	vadd.s32 $0xFFFFC03F, v32  }
0x22f: {  	v17 =	vadd.f32 v22, v27;
	v38 =	vadd.f32 v63, v62;
	v63 =	vshrl.u32 v24, $0xC;
	v53 =	vld.idx.msk [tilespmem:v48+s22+$0x0], $0xffff  }
0x230: {  	v55 =	vnsel vm1, $0x0, v52;
	vm1 =	vmand vm2, vm7;
	v50 =	vmul.f32 v35, v31;
	v40 =	vld.idx.msk [tilespmem:v58+s21+$0x0], $0xffff  }
0x231: {  	vm7 =	vlt.u32 v42, $0x4;
	v49 =	vsub.s32 v63, v45;
	v36 =	vmul.f32 v59, v59  }
0x232: {  	v54 =	vadd.s32 $0x2, v30;
	v33 =	vsub.f32 $1.500000000e+00, v50;
	v50 =	vmul.u32 $0x5, v41  }
0x233: {  	vm0 =	vmand vm0, vm1;
	v56 =	vadd.f32 $6.000000240e-01, v38;
	v36 =	vnsel vm4, $0x0, v36;
	v51 =	vld.idx.msk [tilespmem:v60+s21+$0x0], $0xffff  }
0x234: {  	v31 =	vmul.f32 v33, v31;
	v58 =	vshll.u32 v37, $0x1;
	v52 =	vadd.s32 v50, v42  }
0x235: {  	v29 =	vadd.f32 v29, v36;
	vm8 =	vlt.s32 v53, v21;
	vm15 =	vlt.s32 v40, v19  }
0x236: {  	v31 =	vmul.f32 v31, v34;
	v59 =	vsel vm8, $0x1, v1;
	v30 =	vsel vm15, v54, v30  }
0x237: {  	v22 =	vadd.f32 v29, v55;
	v29 =	vnsel vm0, $0x0, v61;
	vm8 =	vlt.u32 v41, $0x5  }
0x238: {  	v36 =	vor.u32 v59, v58;
	v34 =	vsub.f32 v31, v56;
	vm6 =	vlt.s32 v51, v20  }
0x239: {  	vm9 =	vle.f32 v31, $5.000000000e+00;
	v62 =	vor.u32 v0, v36;
	v35 =	vsel vm6, $0xFFFFC040, v5  }
0x23a: {  	v36 =	vshll.u32 v36, $0x1;
	vm10 =	vle.f32 v34, $0.0e+00;
	v32 =	vadd.s32 v35, v32  }
0x23b: {  	v34 =	vand.u32 $0xFC0, v46;
	v35 =	vand.u32 $0x40, v35;
	v60 =	vld.idx.msk [tilespmem:v30+s21+$0x0], $0xffff;
	v57 =	vand.u32 $0xFFFFFF80, v32  }
0x23c: {  	v54 =	vmin.u32 v52, $0x1F;
	vm0 =	vmand vm9, vm10;
	v35 =	vor.u32 v57, v35  }
0x23d: {  	vm12 =	veq.s32 v34, $0x0;
	vm9 =	vlt.u32 v42, $0x5;
	v35 =	vor.u32 $0x1F, v35  }
0x23e: {  	v61 =	vld.idx.msk [tilespmem:v18+s3+$0x0], $0xffff;
	vm10 =	veq.s32 v63, v45;
	v42 =	vor.u32 v24, v26;
	vm2 =	vmand vm8, vm9  }
0x23f: {  	v45 =	vld.idx.msk [tilespmem:v25+s3+$0x0], $0xffff;
	vm4 =	vmand vm10, vm12;
	v51 =	vsub.s32 $0x0, v49;
	vm6 =	vlt.u32 v41, $0x4  }
0x240: {  	v48 =	vld.idx.msk [tilespmem:v62+s22+$0x0], $0xffff;
	v34 =	vmin.u32 v49, v51;
	v62 =	vor.u32 $0x1, v19;
	vm11 =	vlt.s32 v60, v19  }
0x241: {  	v44 =	vld.idx.msk [tilespmem:v18+s18+$0x0], $0xffff;
	vm13 =	veq.s32 v34, $0x1;
	v34 =	vshrl.u32 v2, v54;
	v47 =	vsel vm11, $0x1, v1  }
0x242: {  	vm9 =	vmxor vm6, vm7;
	vm7 =	vmor vm6, vm7;
	v30 =	vadd.s32 v47, v30;
	v35 =	vld.idx.msk [tilespmem:v35+s21+$0x0], $0xffff  }
0x243: {  	v46 =	vld.idx.msk [tilespmem:v25+s17+$0x0], $0xffff;
	v55 =	vor.u32 $0x20, v32;
	vm5 =	vmand vm12, vm13;
	v37 =	vadd.s32 $0x1, v30  }
0x244: {  	v34 =	vand.u32 $0x1, v34;
	v27 =	vsub.f32 v61, v45;
	v47 =	vld.idx.msk [tilespmem:v25+s18+$0x0], $0xffff;
	v53 =	vadd.s32 $0x2, v30  }
0x245: {  	v57 =	vor.u32 v0, v36;
	vm15 =	vlt.s32 v48, v21;
	vm11 =	veq.s32 v34, $0x1;
	v25 =	vld.idx.msk [tilespmem:v25+s19+$0x0], $0xffff  }
0x246: {  	v26 =	vld [tilespmem:s2+$0x10];
	v59 =	vand.u32 $0x7FFFFF80, v57;
	v56 =	vsel vm15, $0x1, v1;
	vm3 =	vmand vm2, vm11  }
0x247: {  	vm8 =	vmneg vm3;
	v30 =	vld.idx.msk [tilespmem:v30+s21+$0x0], $0xffff;
	vm14 =	vlt.s32 v35, v20;
	v35 =	vor.u32 v56, v36  }
0x248: {  	vm11 =	vmor vm5, vm3;
	v37 =	vld.idx.msk [tilespmem:v37+s21+$0x0], $0xffff;
	v32 =	vsel vm14, v55, v32;
	v36 =	vor.u32 v35, v59  }
0x249: {  	vm6 =	vmneg vm11;
	v51 =	vsub.f32 v44, v47;
	v60 =	vld.idx.msk [tilespmem:v53+s21+$0x0], $0xffff;
	v58 =	vor.u32 $0xF, v32  }
0x24a: {  	v63 =	vld.idx.msk [tilespmem:v18+s17+$0x0], $0xffff;
	v44 =	vand.u32 $0x3F, v25;
	v53 =	vmul.f32 v27, v27;
	v35 =	vshll.u32 v35, $0x1  }
0x24b: {  	v27 =	vld [tilespmem:s9+$0x10];
	v56 =	vmul.u32 $0x4E20, v26;
	v54 =	vmul.f32 v51, v51;
	v50 =	vadd.s32 v0, v35  }
0x24c: {  	v48 =	vor.u32 $0x10, v32;
	v52 =	vand.u32 $0x7FFFFF80, v50;
	vm2 =	veq.s32 v30, v19  }
0x24d: {  	vm12 =	veq.s32 v30, v62;
	v19 =	vand.u32 $0x3C, v42;
	vm13 =	veq.s32 v37, v62;
	v43 =	vld.idx.msk [tilespmem:v36+s22+$0x0], $0xffff  }
0x24e: {  	vm14 =	veq.s32 v60, v62;
	vm10 =	veq.s32 v19, $0x0;
	v19 =	vsub.f32 v38, v31;
	v41 =	vld.idx.msk [tilespmem:v58+s21+$0x0], $0xffff  }
0x24f: {  	v31 =	vsub.f32 v63, v46;
	vm1 =	vmor vm12, vm13;
	vm12 =	vmor vm4, vm5  }
0x250: {  	v59 =	vadd.s32 v27, v56;
	vm12 =	vmor vm12, vm2;
	v49 =	vadd.f32 v19, v6  }
0x251: {  	vm1 =	vmor vm1, vm14;
	v31 =	vmul.f32 v31, v31;
	vm11 =	vmor vm3, vm12  }
0x252: {  	v55 =	vadd.f32 v19, v7;
	vm12 =	vge.f32 v49, $0.0e+00;
	vm11 =	vmneg vm11  }
0x253: {  	v31 =	vadd.f32 v31, v53;
	vm13 =	vlt.s32 v43, v21;
	vm15 =	vlt.s32 v41, v20  }
0x254: {  	v57 =	vmul.f32 v49, v49;
	v24 =	vsel vm13, $0x1, v1;
	v30 =	vsel vm15, v48, v32  }
0x255: {  	v49 =	vadd.f32 v19, v8;
	v35 =	vor.u32 v24, v35;
	v32 =	vadd.s32 $0x7, v30  }
0x256: {  	v34 =	vmul.f32 v55, v55;
	vm12 =	vmand vm10, vm12;
	v24 =	vor.u32 v35, v52  }
0x257: {  	vm8 =	vmand vm12, vm8;
	v31 =	vadd.f32 v54, v31;
	v54 =	vadd.f32 v19, v9  }
0x258: {  	vm13 =	vmor vm7, vm5;
	vm7 =	vmand vm9, vm11;
	vm8 =	vmand vm5, vm8  }
0x259: {  	v41 =	vmul.f32 v49, v49;
	vm14 =	vmor vm4, vm13;
	vm8 =	vmand vm0, vm8  }
0x25a: {  	vm15 =	vge.f32 v55, $0.0e+00;
	v38 =	vadd.f32 $9.999999960e-13, v31;
	vm5 =	vmor vm14, vm2;
	v32 =	vld.idx.msk [tilespmem:v32+s21+$0x0], $0xffff  }
0x25b: {  	v60 =	vadd.s32 $0x8, v30;
	v35 =	vshll.u32 v35, $0x1;
	v58 =	vld.idx.msk [tilespmem:v24+s22+$0x0], $0xffff;
	v24 =	vshll.u32 v59, $0x1  }
0x25c: {  	vm6 =	vmand vm15, vm6;
	v51 =	vnsel vm8, $0x0, v57;
	vm13 =	vlt.s32 v13, v24  }
0x25d: {  	vm15 =	vge.f32 v49, $0.0e+00;
	v49 =	vadd.f32 v19, v10;
	v62 =	vsel vm13, $0x3, v4  }
0x25e: {  	v61 =	vshrl.u32 v38, $0x1;
	v33 =	vmul.f32 $5.000000000e-01, v38;
	v63 =	vor.u32 v0, v62  }
0x25f: {  	v46 =	vadd.s32 v0, v35;
	vm4 =	vmand vm4, vm6;
	vm12 =	vlt.s32 v32, v20  }
0x260: {  	vm9 =	vmand vm7, vm15;
	v32 =	vsub.s32 $0x5F3759DF, v61;
	v30 =	vsel vm12, v60, v30  }
0x261: {  	vm14 =	vlt.s32 v58, v21;
	v47 =	vmul.f32 v32, v33;
	v31 =	vadd.s32 $0x3, v30  }
0x262: {  	vm5 =	vmor vm5, vm1;
	v48 =	vand.u32 $0x7FFFFF80, v46;
	v45 =	vsel vm14, $0x1, v1  }
0x263: {  	vm4 =	vmand vm0, vm4;
	v35 =	vor.u32 v45, v35;
	v42 =	vmul.f32 v32, v47;
	v52 =	vld.idx.msk [tilespmem:v63+s22+$0x0], $0xffff  }
0x264: {  	vm3 =	vmor vm3, vm5;
	v34 =	vnsel vm4, $0x0, v34;
	v40 =	vor.u32 v35, v48  }
0x265: {  	vm4 =	vmand vm0, vm9;
	vm3 =	vmneg vm3;
	v53 =	vsub.f32 $1.500000000e+00, v42  }
0x266: {  	v34 =	vadd.f32 v51, v34;
	v41 =	vnsel vm4, $0x0, v41;
	v58 =	vshll.u32 v62, $0x1;
	v50 =	vld.idx.msk [tilespmem:v31+s21+$0x0], $0xffff  }
0x267: {  	vm12 =	vge.f32 v54, $0.0e+00;
	vm14 =	vge.f32 v49, $0.0e+00;
	v32 =	vmul.f32 v32, v53  }
0x268: {  	v56 =	vadd.s32 $0x4, v30;
	vm3 =	vmand vm12, vm3;
	vm11 =	vlt.s32 v52, v24  }
0x269: {  	vm2 =	vmand vm2, vm14;
	v55 =	vld.idx.msk [tilespmem:v40+s22+$0x0], $0xffff;
	v57 =	vmul.f32 v32, v33;
	v59 =	vsel vm11, $0x1, v1  }
0x26a: {  	v35 =	vshll.u32 v35, $0x8;
	vm3 =	vmand vm0, vm3;
	v31 =	vld.idx.msk [tilespmem:v18+s19+$0x0], $0xffff;
	v36 =	vor.u32 v59, v58  }
0x26b: {  	v60 =	vmul.f32 v57, v32;
	v61 =	vor.u32 v0, v36;
	vm10 =	vlt.s32 v50, v20  }
0x26c: {  	vm2 =	vmand vm0, vm2;
	v42 =	vmul.f32 v54, v54;
	v30 =	vsel vm10, v56, v30  }
0x26d: {  	v54 =	vmul.f32 v49, v49;
	v39 =	vsub.f32 $1.500000000e+00, v60;
	v18 =	vadd.s32 $0x1, v30  }
0x26e: {  	v52 =	vnsel vm3, $0x0, v42;
	v58 =	vadd.f32 v19, v11;
	vm13 =	vlt.s32 v55, v21  }
0x26f: {  	v40 =	vand.u32 $0x3F, v31;
	v62 =	vsel vm13, $0x80, v1;
	v32 =	vmul.f32 v39, v32  }
0x270: {  	v59 =	vnsel vm2, $0x0, v54;
	v50 =	vadd.f32 v34, v41;
	v35 =	vor.u32 v62, v35;
	v51 =	vld.idx.msk [tilespmem:v61+s22+$0x0], $0xffff  }
0x271: {  	vm7 =	vge.f32 v58, $0.0e+00;
	v48 =	vadd.s32 $0xFFFFC03F, v35;
	v33 =	vmul.f32 v32, v33  }
0x272: {  	vm1 =	vmand vm1, vm7;
	vm7 =	vlt.u32 v40, $0x4;
	v56 =	vadd.s32 $0x2, v30;
	v63 =	vld.idx.msk [tilespmem:v18+s21+$0x0], $0xffff  }
0x273: {  	v55 =	vld.idx.msk [tilespmem:v44+s20+$0x0], $0xffff;
	v18 =	vadd.f32 v22, v29;
	v22 =	vadd.f32 v50, v52;
	v33 =	vmul.f32 v33, v32  }
0x274: {  	vm0 =	vmand vm0, vm1;
	v61 =	vshll.u32 v36, $0x1;
	v53 =	vld.idx.msk [tilespmem:v40+s20+$0x0], $0xffff;
	v50 =	vshrl.u32 v25, $0xC  }
0x275: {  	v60 =	vsub.f32 $1.500000000e+00, v33;
	vm6 =	vlt.s32 v51, v24;
	v19 =	vadd.f32 v22, v59  }
0x276: {  	v57 =	vld.idx.msk [tilespmem:v48+s21+$0x0], $0xffff;
	v48 =	vshrl.u32 v31, $0xC;
	v51 =	vxor.u32 v31, v25;
	v62 =	vsel vm6, $0x1, v1  }
0x277: {  	v36 =	vand.u32 $0xFC0, v51;
	v29 =	vor.u32 v62, v61;
	vm15 =	vlt.s32 v63, v20  }
0x278: {  	vm12 =	veq.s32 v36, $0x0;
	v33 =	vor.u32 v0, v29;
	v41 =	vsel vm15, v56, v30  }
0x279: {  	v29 =	vshll.u32 v29, $0x1;
	v30 =	vmul.f32 v60, v32;
	v32 =	vadd.f32 v55, v53  }
0x27a: {  	v53 =	vsub.s32 v48, v50;
	vm15 =	veq.s32 v48, v50;
	v60 =	vmul.u32 $0x5, v40  }
0x27b: {  	v48 =	vor.u32 $0x1, v20;
	vm8 =	vlt.s32 v57, v21;
	v54 =	vsub.s32 $0x0, v53  }
0x27c: {  	vm5 =	vmand vm15, vm12;
	v34 =	vmul.f32 v30, v38;
	v45 =	vsel vm8, $0xFFFFC040, v5  }
0x27d: {  	v63 =	vadd.f32 $6.000000240e-01, v32;
	v30 =	vmul.f32 v58, v58;
	v22 =	vadd.s32 v45, v35;
	v42 =	vld.idx.msk [tilespmem:v41+s21+$0x0], $0xffff  }
0x27e: {  	v56 =	vmin.u32 v53, v54;
	v37 =	vand.u32 $0x40, v45;
	v47 =	vand.u32 $0xFFFFFF80, v22  }
0x27f: {  	v58 =	vor.u32 v0, v29;
	vm8 =	vlt.u32 v44, $0x4;
	v33 =	vld.idx.msk [tilespmem:v33+s22+$0x0], $0xffff;
	v37 =	vor.u32 v47, v37  }
0x280: {  	v36 =	vadd.s32 v60, v44;
	vm14 =	veq.s32 v56, $0x1;
	v49 =	vor.u32 $0x1F, v37  }
0x281: {  	v59 =	vand.u32 $0x7FFFFF80, v58;
	v36 =	vmin.u32 v36, $0x1F;
	v46 =	vsub.f32 v34, v63  }
0x282: {  	vm9 =	vle.f32 v34, $5.000000000e+00;
	vm6 =	vmand vm12, vm14;
	vm11 =	vlt.s32 v42, v20  }
0x283: {  	v45 =	vor.u32 $0x20, v22;
	vm12 =	vlt.u32 v44, $0x5;
	v52 =	vsel vm11, $0x1, v1  }
0x284: {  	v50 =	vld.idx.msk [tilespmem:v23+s3+$0x0], $0xffff;
	v30 =	vnsel vm0, $0x0, v30;
	vm13 =	vlt.s32 v33, v24;
	v38 =	vadd.s32 v52, v41  }
0x285: {  	vm10 =	vle.f32 v46, $0.0e+00;
	v57 =	vsel vm13, $0x1, v1;
	v35 =	vld.idx.msk [tilespmem:v49+s21+$0x0], $0xffff;
	v41 =	vadd.s32 $0x1, v38  }
0x286: {  	v46 =	vshrl.u32 v2, v36;
	v29 =	vor.u32 v57, v29;
	v57 =	vld.idx.msk [tilespmem:v28+s3+$0x0], $0xffff;
	v55 =	vadd.s32 $0x2, v38  }
0x287: {  	v60 =	vld.idx.msk [tilespmem:v28+s17+$0x0], $0xffff;
	vm1 =	vmand vm9, vm10;
	vm11 =	vlt.u32 v40, $0x5;
	v33 =	vor.u32 v29, v59  }
0x288: {  	v49 =	vor.u32 v31, v25;
	vm2 =	vmand vm11, vm12;
	v52 =	vld.idx.msk [tilespmem:v23+s17+$0x0], $0xffff;
	v53 =	vshll.u32 v29, $0x1  }
0x289: {  	vm11 =	vmxor vm7, vm8;
	vm7 =	vmor vm7, vm8;
	v56 =	vadd.s32 v0, v53;
	v61 =	vld.idx.msk [tilespmem:v38+s21+$0x0], $0xffff  }
0x28a: {  	v25 =	vand.u32 $0x3C, v49;
	vm7 =	vmor vm7, vm6;
	v59 =	vand.u32 $0x7FFFFF80, v56;
	v62 =	vld.idx.msk [tilespmem:v41+s21+$0x0], $0xffff  }
0x28b: {  	vm10 =	vlt.s32 v35, v21;
	v35 =	vand.u32 $0x1, v46;
	v31 =	vsub.f32 v50, v57;
	v63 =	vld.idx.msk [tilespmem:v55+s21+$0x0], $0xffff  }
0x28c: {  	vm7 =	vmor vm5, vm7;
	v22 =	vsel vm10, v45, v22;
	v33 =	vld.idx.msk [tilespmem:v33+s22+$0x0], $0xffff;
	vm13 =	veq.s32 v35, $0x1  }
0x28d: {  	v47 =	vor.u32 $0xF, v22;
	vm4 =	vmand vm2, vm13;
	v31 =	vmul.f32 v31, v31  }
0x28e: {  	vm10 =	vmneg vm4;
	vm14 =	veq.s32 v61, v48;
	vm3 =	veq.s32 v61, v20  }
0x28f: {  	v20 =	vsub.f32 v32, v34;
	v61 =	vor.u32 $0x10, v22;
	v34 =	vsub.f32 v52, v60  }
0x290: {  	vm15 =	veq.s32 v62, v48;
	vm13 =	veq.s32 v63, v48;
	vm7 =	vmor vm7, vm3  }
0x291: {  	v54 =	vld.idx.msk [tilespmem:v23+s18+$0x0], $0xffff;
	vm12 =	vmor vm14, vm15;
	vm14 =	veq.s32 v25, $0x0;
	vm15 =	vlt.s32 v33, v24  }
0x292: {  	v51 =	vld.idx.msk [tilespmem:v47+s21+$0x0], $0xffff;
	v33 =	vadd.f32 v20, v6;
	v34 =	vmul.f32 v34, v34;
	v55 =	vsel vm15, $0x1, v1  }
0x293: {  	v25 =	vld [tilespmem:s2+$0x20];
	vm2 =	vmor vm12, vm13;
	vm15 =	vmor vm5, vm6;
	v58 =	vor.u32 v55, v53  }
0x294: {  	v29 =	vld [tilespmem:s9+$0x20];
	vm12 =	vge.f32 v33, $0.0e+00;
	vm8 =	vmor vm15, vm3;
	vm7 =	vmor vm7, vm2  }
0x295: {  	v62 =	vld.idx.msk [tilespmem:v28+s18+$0x0], $0xffff;
	v31 =	vadd.f32 v34, v31;
	v33 =	vmul.f32 v33, v33;
	v36 =	vor.u32 v58, v59  }
0x296: {  	vm12 =	vmand vm14, vm12;
	vm14 =	vmor vm6, vm4;
	vm8 =	vmor vm4, vm8  }
0x297: {  	v38 =	vshll.u32 v58, $0x1;
	v59 =	vadd.f32 v20, v8;
	vm13 =	vlt.s32 v51, v21  }
0x298: {  	vm4 =	vmor vm4, vm7;
	v32 =	vsel vm13, v61, v22;
	v44 =	vmul.u32 $0x4E20, v25  }
0x299: {  	vm9 =	vmneg vm14;
	vm8 =	vmneg vm8;
	v63 =	vadd.s32 $0x7, v32  }
0x29a: {  	vm10 =	vmand vm12, vm10;
	v35 =	vsub.f32 v54, v62;
	v45 =	vadd.s32 v29, v44  }
0x29b: {  	v49 =	vadd.s32 v0, v38;
	v51 =	vadd.f32 v20, v7;
	v22 =	vshll.u32 v45, $0x1  }
0x29c: {  	vm4 =	vmneg vm4;
	vm8 =	vmand vm11, vm8;
	v36 =	vld.idx.msk [tilespmem:v36+s22+$0x0], $0xffff;
	vm13 =	vlt.s32 v13, v22  }
0x29d: {  	v28 =	vld.idx.msk [tilespmem:v28+s19+$0x0], $0xffff;
	vm6 =	vmand vm6, vm10;
	v52 =	vand.u32 $0x7FFFFF80, v49;
	v47 =	vsel vm13, $0x3, v4  }
0x29e: {  	v40 =	vmul.f32 v59, v59;
	v53 =	vmul.f32 v35, v35;
	v46 =	vld.idx.msk [tilespmem:v63+s21+$0x0], $0xffff;
	v50 =	vor.u32 v0, v47  }
0x29f: {  	vm6 =	vmand vm1, vm6;
	v55 =	vadd.s32 $0x8, v32;
	vm12 =	vge.f32 v51, $0.0e+00  }
0x2a0: {  	v58 =	vmul.f32 v51, v51;
	v51 =	vadd.f32 v20, v9;
	vm9 =	vmand vm12, vm9  }
0x2a1: {  	v33 =	vnsel vm6, $0x0, v33;
	v31 =	vadd.f32 v53, v31;
	vm14 =	vlt.s32 v36, v24  }
0x2a2: {  	v44 =	vand.u32 $0x3F, v28;
	vm5 =	vmand vm5, vm9;
	v48 =	vsel vm14, $0x1, v1  }
0x2a3: {  	v31 =	vadd.f32 $9.999999960e-13, v31;
	v38 =	vor.u32 v48, v38;
	vm15 =	vlt.s32 v46, v21;
	v57 =	vld.idx.msk [tilespmem:v50+s22+$0x0], $0xffff  }
0x2a4: {  	vm10 =	vge.f32 v51, $0.0e+00;
	v54 =	vor.u32 v38, v52;
	v32 =	vsel vm15, v55, v32  }
0x2a5: {  	v60 =	vshrl.u32 v31, $0x1;
	v61 =	vmul.f32 $5.000000000e-01, v31;
	v56 =	vadd.s32 $0x3, v32  }
0x2a6: {  	v43 =	vmul.f32 v51, v51;
	vm5 =	vmand vm1, vm5;
	v62 =	vsub.s32 $0x5F3759DF, v60  }
0x2a7: {  	vm4 =	vmand vm10, vm4;
	vm13 =	vge.f32 v59, $0.0e+00;
	v41 =	vmul.f32 v62, v61  }
0x2a8: {  	v23 =	vld.idx.msk [tilespmem:v23+s19+$0x0], $0xffff;
	v39 =	vnsel vm5, $0x0, v58;
	vm5 =	vmand vm8, vm13;
	vm14 =	vlt.s32 v57, v22  }
0x2a9: {  	v36 =	vshll.u32 v47, $0x1;
	v41 =	vmul.f32 v62, v41;
	v35 =	vld.idx.msk [tilespmem:v54+s22+$0x0], $0xffff;
	v37 =	vsel vm14, $0x1, v1  }
0x2aa: {  	v33 =	vadd.f32 v33, v39;
	vm5 =	vmand vm1, vm5;
	v34 =	vld.idx.msk [tilespmem:v56+s21+$0x0], $0xffff;
	v63 =	vor.u32 v37, v36  }
0x2ab: {  	v40 =	vnsel vm5, $0x0, v40;
	v41 =	vsub.f32 $1.500000000e+00, v41;
	v49 =	vor.u32 v0, v63  }
0x2ac: {  	v51 =	vshrl.u32 v28, $0xC;
	vm4 =	vmand vm1, vm4;
	v33 =	vadd.f32 v33, v40  }
0x2ad: {  	v40 =	vand.u32 $0x3F, v23;
	v47 =	vshll.u32 v38, $0x8;
	v52 =	vmul.f32 v62, v41  }
0x2ae: {  	v50 =	vadd.s32 $0x4, v32;
	v54 =	vadd.f32 v20, v10;
	v20 =	vadd.f32 v20, v11  }
0x2af: {  	v55 =	vmul.f32 v52, v61;
	vm15 =	vlt.s32 v35, v24;
	vm9 =	vlt.s32 v34, v21  }
0x2b0: {  	vm11 =	vge.f32 v54, $0.0e+00;
	v48 =	vsel vm15, $0x80, v1;
	v32 =	vsel vm9, v50, v32;
	v38 =	vld.idx.msk [tilespmem:v49+s22+$0x0], $0xffff  }
0x2b1: {  	v57 =	vmul.f32 v55, v52;
	v36 =	vor.u32 v48, v47;
	v53 =	vadd.s32 $0x1, v32  }
0x2b2: {  	v56 =	vnsel vm4, $0x0, v43;
	v58 =	vmul.f32 v54, v54;
	v37 =	vadd.s32 $0xFFFFC03F, v36  }
0x2b3: {  	vm3 =	vmand vm3, vm11;
	v33 =	vadd.f32 v33, v56;
	v43 =	vsub.f32 $1.500000000e+00, v57  }
0x2b4: {  	vm3 =	vmand vm1, vm3;
	v35 =	vshll.u32 v63, $0x1;
	vm15 =	vge.f32 v20, $0.0e+00  }
0x2b5: {  	v20 =	vmul.f32 v20, v20;
	v34 =	vmul.f32 v43, v52;
	vm12 =	vlt.s32 v38, v22  }
0x2b6: {  	vm2 =	vmand vm2, vm15;
	vm15 =	vlt.u32 v44, $0x5;
	v39 =	vld.idx.msk [tilespmem:v53+s21+$0x0], $0xffff;
	v59 =	vsel vm12, $0x1, v1  }
0x2b7: {  	vm6 =	vmand vm1, vm2;
	v42 =	vmul.f32 v34, v61;
	v37 =	vld.idx.msk [tilespmem:v37+s21+$0x0], $0xffff;
	v35 =	vor.u32 v59, v35  }
0x2b8: {  	v49 =	vshrl.u32 v23, $0xC;
	v62 =	vadd.s32 $0x2, v32;
	v41 =	vor.u32 v0, v35  }
0x2b9: {  	v47 =	vnsel vm6, $0x0, v20;
	v20 =	vadd.f32 v19, v30;
	v42 =	vmul.f32 v42, v34  }
0x2ba: {  	v60 =	vld.idx.msk [tilespmem:v40+s20+$0x0], $0xffff;
	vm6 =	vlt.u32 v40, $0x4;
	v57 =	vsub.s32 v49, v51;
	v38 =	vnsel vm3, $0x0, v58  }
0x2bb: {  	v61 =	vld.idx.msk [tilespmem:v44+s20+$0x0], $0xffff;
	v42 =	vsub.f32 $1.500000000e+00, v42;
	v58 =	vxor.u32 v23, v28;
	vm14 =	vlt.s32 v39, v21  }
0x2bc: {  	v23 =	vor.u32 v23, v28;
	vm13 =	vlt.s32 v37, v24;
	v32 =	vsel vm14, v62, v32  }
0x2bd: {  	v33 =	vadd.f32 v33, v38;
	v23 =	vand.u32 $0x3C, v23;
	v37 =	vsel vm13, $0xFFFFC040, v5;
	v41 =	vld.idx.msk [tilespmem:v41+s22+$0x0], $0xffff  }
0x2be: {  	v34 =	vmul.f32 v42, v34;
	v59 =	vsub.s32 $0x0, v57;
	v36 =	vadd.s32 v37, v36  }
0x2bf: {  	v19 =	vadd.f32 v33, v47;
	v37 =	vand.u32 $0x40, v37;
	v63 =	vand.u32 $0xFFFFFF80, v36  }
0x2c0: {  	v35 =	vshll.u32 v35, $0x1;
	v39 =	vadd.f32 v61, v60;
	v37 =	vor.u32 v63, v37  }
0x2c1: {  	v33 =	vmul.f32 v34, v31;
	v52 =	vor.u32 v0, v35;
	v37 =	vor.u32 $0x1F, v37;
	v48 =	vld.idx.msk [tilespmem:v32+s21+$0x0], $0xffff  }
0x2c2: {  	v53 =	vand.u32 $0x7FFFFF80, v52;
	v50 =	vadd.f32 $6.000000240e-01, v39;
	vm7 =	vlt.s32 v41, v22  }
0x2c3: {  	vm8 =	vle.f32 v33, $5.000000000e+00;
	vm13 =	veq.s32 v49, v51;
	v41 =	vsel vm7, $0x1, v1  }
0x2c4: {  	v62 =	vmul.u32 $0x5, v40;
	v34 =	vsub.f32 v33, v50;
	v35 =	vor.u32 v41, v35  }
0x2c5: {  	vm14 =	vlt.u32 v40, $0x5;
	v56 =	vor.u32 $0x20, v36;
	v54 =	vor.u32 v35, v53  }
0x2c6: {  	v33 =	vsub.f32 v39, v33;
	vm9 =	vle.f32 v34, $0.0e+00;
	v37 =	vld.idx.msk [tilespmem:v37+s21+$0x0], $0xffff;
	vm10 =	vlt.s32 v48, v21  }
0x2c7: {  	v52 =	vld.idx.msk [tilespmem:v26+s17+$0x0], $0xffff;
	vm0 =	vmand vm8, vm9;
	v41 =	vand.u32 $0xFC0, v58;
	v55 =	vsel vm10, $0x1, v1  }
0x2c8: {  	v49 =	vld.idx.msk [tilespmem:v26+s3+$0x0], $0xffff;
	vm7 =	vlt.u32 v44, $0x4;
	vm1 =	veq.s32 v41, $0x0;
	v32 =	vadd.s32 v55, v32  }
0x2c9: {  	v58 =	vld.idx.msk [tilespmem:v26+s18+$0x0], $0xffff;
	v41 =	vadd.s32 v62, v44;
	v35 =	vshll.u32 v35, $0x1;
	v60 =	vadd.s32 $0x1, v32  }
0x2ca: {  	vm4 =	vmand vm13, vm1;
	v51 =	vadd.s32 v0, v35;
	v61 =	vadd.s32 $0x2, v32;
	v30 =	vld.idx.msk [tilespmem:v54+s22+$0x0], $0xffff  }
0x2cb: {  	v53 =	vand.u32 $0x7FFFFF80, v51;
	vm10 =	veq.s32 v23, $0x0;
	vm11 =	vlt.s32 v37, v24;
	v54 =	vld.idx.msk [tilespmem:v27+s3+$0x0], $0xffff  }
0x2cc: {  	v34 =	vsel vm11, v56, v36;
	v36 =	vmin.u32 v57, v59;
	v56 =	vor.u32 $0x1, v21;
	v57 =	vld.idx.msk [tilespmem:v27+s17+$0x0], $0xffff  }
0x2cd: {  	v37 =	vor.u32 $0xF, v34;
	vm12 =	veq.s32 v36, $0x1;
	v63 =	vld.idx.msk [tilespmem:v32+s21+$0x0], $0xffff;
	v32 =	vmin.u32 v41, $0x1F  }
0x2ce: {  	v55 =	vor.u32 $0x10, v34;
	vm5 =	vmand vm1, vm12;
	v46 =	vld.idx.msk [tilespmem:v60+s21+$0x0], $0xffff;
	v32 =	vshrl.u32 v2, v32  }
0x2cf: {  	vm12 =	vmand vm14, vm15;
	v47 =	vld.idx.msk [tilespmem:v61+s21+$0x0], $0xffff;
	vm13 =	vlt.s32 v30, v22;
	v48 =	vand.u32 $0x1, v32  }
0x2d0: {  	v60 =	vld.idx.msk [tilespmem:v27+s18+$0x0], $0xffff;
	v62 =	vsub.f32 v49, v54;
	v50 =	vsel vm13, $0x1, v1;
	vm14 =	veq.s32 v48, $0x1  }
0x2d1: {  	v48 =	vadd.f32 v33, v6;
	v35 =	vor.u32 v50, v35;
	vm3 =	vmand vm12, vm14  }
0x2d2: {  	v30 =	vld [tilespmem:s2+$0x30];
	v41 =	vmul.f32 v62, v62;
	v40 =	vor.u32 v35, v53;
	vm12 =	veq.s32 v63, v56  }
0x2d3: {  	v45 =	vld.idx.msk [tilespmem:v37+s21+$0x0], $0xffff;
	vm2 =	veq.s32 v63, v21;
	vm9 =	vmneg vm3;
	v63 =	vsub.f32 v52, v57  }
0x2d4: {  	v35 =	vshll.u32 v35, $0x1;
	v52 =	vadd.f32 v33, v7;
	vm13 =	veq.s32 v46, v56  }
0x2d5: {  	vm14 =	veq.s32 v47, v56;
	v21 =	vsub.f32 v58, v60;
	v44 =	vadd.s32 v0, v35  }
0x2d6: {  	v60 =	vadd.f32 v33, v8;
	vm1 =	vmor vm12, vm13;
	vm12 =	vmor vm4, vm5  }
0x2d7: {  	v31 =	vld [tilespmem:s9+$0x30];
	v32 =	vmul.f32 v63, v63;
	v42 =	vmul.u32 $0x4E20, v30;
	v23 =	vand.u32 $0x7FFFFF80, v44  }
0x2d8: {  	v63 =	vadd.f32 v33, v9;
	vm15 =	vlt.s32 v45, v24;
	vm1 =	vmor vm1, vm14  }
0x2d9: {  	v21 =	vmul.f32 v21, v21;
	v34 =	vsel vm15, v55, v34;
	v32 =	vadd.f32 v32, v41;
	v61 =	vld.idx.msk [tilespmem:v40+s22+$0x0], $0xffff  }
0x2da: {  	vm13 =	vmor vm12, vm2;
	vm12 =	vmxor vm6, vm7;
	v59 =	vadd.s32 $0x7, v34  }
0x2db: {  	vm6 =	vmor vm6, vm7;
	vm15 =	vmor vm5, vm3;
	v21 =	vadd.f32 v21, v32  }
0x2dc: {  	vm11 =	vmor vm3, vm13;
	v28 =	vadd.s32 v31, v42;
	v41 =	vmul.f32 v52, v52  }
0x2dd: {  	v44 =	vmul.f32 v63, v63;
	vm8 =	vmneg vm15;
	v38 =	vadd.f32 $9.999999960e-13, v21  }
0x2de: {  	vm11 =	vmneg vm11;
	v45 =	vadd.s32 $0x8, v34;
	vm14 =	vlt.s32 v61, v22  }
0x2df: {  	v32 =	vmul.f32 v48, v48;
	v40 =	vld.idx.msk [tilespmem:v59+s21+$0x0], $0xffff;
	v51 =	vshrl.u32 v38, $0x1;
	v43 =	vsel vm14, $0x1, v1  }
0x2e0: {  	vm14 =	vmor vm6, vm5;
	vm6 =	vmand vm12, vm11;
	v39 =	vsub.s32 $0x5F3759DF, v51  }
0x2e1: {  	vm12 =	vge.f32 v52, $0.0e+00;
	vm11 =	vge.f32 v63, $0.0e+00;
	v35 =	vor.u32 v43, v35  }
0x2e2: {  	vm7 =	vmor vm4, vm14;
	vm8 =	vmand vm12, vm8;
	v43 =	vmul.f32 v60, v60  }
0x2e3: {  	v27 =	vld.idx.msk [tilespmem:v27+s19+$0x0], $0xffff;
	v46 =	vor.u32 v35, v23;
	v23 =	vshll.u32 v28, $0x1;
	vm7 =	vmor vm7, vm2  }
0x2e4: {  	vm4 =	vmand vm4, vm8;
	v35 =	vshll.u32 v35, $0x8;
	vm15 =	vlt.s32 v40, v24  }
0x2e5: {  	v26 =	vld.idx.msk [tilespmem:v26+s19+$0x0], $0xffff;
	vm13 =	vlt.s32 v13, v23;
	vm4 =	vmand vm0, vm4;
	v47 =	vsel vm15, v45, v34  }
0x2e6: {  	v49 =	vsel vm13, $0x3, v4;
	v40 =	vmul.f32 $5.000000000e-01, v38;
	v34 =	vadd.s32 $0x3, v47  }
0x2e7: {  	v41 =	vnsel vm4, $0x0, v41;
	v50 =	vor.u32 v0, v49;
	vm15 =	vge.f32 v48, $0.0e+00  }
0x2e8: {  	v36 =	vshll.u32 v49, $0x1;
	v45 =	vand.u32 $0x3F, v27;
	vm10 =	vmand vm10, vm15;
	v37 =	vld.idx.msk [tilespmem:v46+s22+$0x0], $0xffff  }
0x2e9: {  	v53 =	vmul.f32 v39, v40;
	v56 =	vadd.s32 $0x4, v47;
	vm9 =	vmand vm10, vm9  }
0x2ea: {  	vm10 =	vge.f32 v60, $0.0e+00;
	v60 =	vshrl.u32 v26, $0xC;
	vm9 =	vmand vm5, vm9  }
0x2eb: {  	vm5 =	vmor vm7, vm1;
	v42 =	vmul.f32 v39, v53;
	vm4 =	vmand vm6, vm10;
	v34 =	vld.idx.msk [tilespmem:v34+s21+$0x0], $0xffff  }
0x2ec: {  	vm7 =	vmand vm0, vm9;
	vm4 =	vmand vm0, vm4;
	vm3 =	vmor vm3, vm5;
	v21 =	vld.idx.msk [tilespmem:v50+s22+$0x0], $0xffff  }
0x2ed: {  	v54 =	vsub.f32 $1.500000000e+00, v42;
	v32 =	vnsel vm7, $0x0, v32;
	vm13 =	vlt.s32 v37, v22  }
0x2ee: {  	v49 =	vnsel vm4, $0x0, v43;
	vm3 =	vmneg vm3;
	v55 =	vsel vm13, $0x80, v1  }
0x2ef: {  	v43 =	vand.u32 $0x3F, v26;
	v50 =	vadd.f32 v33, v10;
	v35 =	vor.u32 v55, v35  }
0x2f0: {  	v37 =	vmul.f32 v39, v54;
	v57 =	vadd.s32 $0xFFFFC03F, v35;
	vm14 =	vlt.s32 v34, v24  }
0x2f1: {  	v33 =	vadd.f32 v33, v11;
	vm15 =	vlt.s32 v21, v23;
	v28 =	vsel vm14, v56, v47  }
0x2f2: {  	v62 =	vmul.f32 v37, v40;
	v59 =	vsel vm15, $0x1, v1;
	v58 =	vadd.s32 $0x1, v28  }
0x2f3: {  	v32 =	vadd.f32 v32, v41;
	vm3 =	vmand vm11, vm3;
	v36 =	vor.u32 v59, v36  }
0x2f4: {  	vm3 =	vmand vm0, vm3;
	v48 =	vmul.f32 v62, v37;
	v61 =	vor.u32 v0, v36  }
0x2f5: {  	v46 =	vmul.f32 v50, v50;
	vm6 =	vge.f32 v33, $0.0e+00;
	v33 =	vmul.f32 v33, v33;
	v34 =	vld.idx.msk [tilespmem:v57+s21+$0x0], $0xffff  }
0x2f6: {  	v32 =	vadd.f32 v32, v49;
	vm1 =	vmand vm1, vm6;
	v41 =	vsub.f32 $1.500000000e+00, v48  }
0x2f7: {  	vm1 =	vmand vm0, vm1;
	vm15 =	vge.f32 v50, $0.0e+00;
	v62 =	vshrl.u32 v27, $0xC;
	v21 =	vld.idx.msk [tilespmem:v58+s21+$0x0], $0xffff  }
0x2f8: {  	v56 =	vnsel vm3, $0x0, v44;
	vm2 =	vmand vm2, vm15;
	v37 =	vmul.f32 v41, v37  }
0x2f9: {  	vm15 =	vlt.u32 v45, $0x5;
	v51 =	vadd.s32 $0x2, v28;
	v36 =	vshll.u32 v36, $0x1;
	v39 =	vld.idx.msk [tilespmem:v61+s22+$0x0], $0xffff  }
0x2fa: {  	vm2 =	vmand vm0, vm2;
	v40 =	vmul.f32 v37, v40;
	vm12 =	vlt.s32 v34, v22  }
0x2fb: {  	v54 =	vld.idx.msk [tilespmem:v45+s20+$0x0], $0xffff;
	v48 =	vxor.u32 v26, v27;
	v26 =	vor.u32 v26, v27;
	v34 =	vsel vm12, $0xFFFFC040, v5  }
0x2fc: {  	v52 =	vld.idx.msk [tilespmem:v43+s20+$0x0], $0xffff;
	v40 =	vmul.f32 v40, v37;
	v35 =	vadd.s32 v34, v35;
	vm13 =	vlt.s32 v21, v24  }
0x2fd: {  	v34 =	vand.u32 $0x40, v34;
	v53 =	vand.u32 $0xFFFFFF80, v35;
	v28 =	vsel vm13, v51, v28  }
0x2fe: {  	v40 =	vsub.f32 $1.500000000e+00, v40;
	vm14 =	vlt.s32 v39, v23;
	v34 =	vor.u32 v53, v34  }
0x2ff: {  	v48 =	vand.u32 $0xFC0, v48;
	v55 =	vsel vm14, $0x1, v1;
	v34 =	vor.u32 $0x1F, v34  }
0x300: {  	v26 =	vand.u32 $0x3C, v26;
	v37 =	vmul.f32 v40, v37;
	v36 =	vor.u32 v55, v36  }
0x301: {  	v39 =	vadd.f32 v54, v52;
	v21 =	vadd.f32 v32, v56;
	v41 =	vor.u32 v0, v36  }
0x302: {  	v32 =	vnsel vm2, $0x0, v46;
	v50 =	vor.u32 $0x20, v35;
	v56 =	vmul.u32 $0x5, v43;
	v57 =	vld.idx.msk [tilespmem:v28+s21+$0x0], $0xffff  }
0x303: {  	vm2 =	veq.s32 v48, $0x0;
	vm13 =	veq.s32 v60, v62;
	vm14 =	vlt.u32 v43, $0x5  }
0x304: {  	v37 =	vmul.f32 v37, v38;
	v58 =	vadd.f32 $6.000000240e-01, v39;
	v55 =	vsub.s32 v60, v62;
	v34 =	vld.idx.msk [tilespmem:v34+s21+$0x0], $0xffff  }
0x305: {  	v46 =	vadd.s32 v56, v45;
	vm6 =	vmand vm13, vm2;
	v21 =	vadd.f32 v21, v32  }
0x306: {  	v36 =	vshll.u32 v36, $0x1;
	v49 =	vsub.s32 $0x0, v55;
	v38 =	vsub.f32 v37, v58;
	v59 =	vld.idx.msk [tilespmem:v41+s22+$0x0], $0xffff  }
0x307: {  	v60 =	vld.idx.msk [tilespmem:v25+s3+$0x0], $0xffff;
	vm8 =	vle.f32 v37, $5.000000000e+00;
	v52 =	vor.u32 v0, v36;
	vm7 =	vlt.s32 v57, v24  }
0x308: {  	v62 =	vld.idx.msk [tilespmem:v29+s3+$0x0], $0xffff;
	v40 =	vmin.u32 v55, v49;
	v58 =	vmin.u32 v46, $0x1F;
	v61 =	vsel vm7, $0x1, v1  }
0x309: {  	v49 =	vld.idx.msk [tilespmem:v25+s18+$0x0], $0xffff;
	v54 =	vand.u32 $0x7FFFFF80, v52;
	vm10 =	vlt.s32 v34, v22;
	v28 =	vadd.s32 v61, v28  }
0x30a: {  	v52 =	vld.idx.msk [tilespmem:v29+s18+$0x0], $0xffff;
	vm9 =	vle.f32 v38, $0.0e+00;
	v34 =	vsel vm10, v50, v35;
	v63 =	vadd.s32 $0x1, v28  }
0x30b: {  	vm0 =	vmand vm8, vm9;
	vm11 =	vlt.s32 v59, v23;
	v53 =	vor.u32 $0xF, v34  }
0x30c: {  	vm8 =	vlt.u32 v45, $0x4;
	v45 =	vld.idx.msk [tilespmem:v29+s19+$0x0], $0xffff;
	v51 =	vsel vm11, $0x1, v1;
	v57 =	vadd.s32 $0x2, v28  }
0x30d: {  	v37 =	vsub.f32 v39, v37;
	vm12 =	veq.s32 v40, $0x1;
	v61 =	vld.idx.msk [tilespmem:v25+s17+$0x0], $0xffff;
	v35 =	vor.u32 v51, v36  }
0x30e: {  	v40 =	vshrl.u32 v2, v58;
	v56 =	vsub.f32 v60, v62;
	v36 =	vor.u32 v35, v54;
	v28 =	vld.idx.msk [tilespmem:v28+s21+$0x0], $0xffff  }
0x30f: {  	vm5 =	vmand vm2, vm12;
	v58 =	vsub.f32 v49, v52;
	v52 =	vadd.f32 v37, v7;
	v38 =	vld.idx.msk [tilespmem:v63+s21+$0x0], $0xffff  }
0x310: {  	v40 =	vand.u32 $0x1, v40;
	v60 =	vadd.f32 v37, v6;
	v27 =	vmul.f32 v56, v56;
	v42 =	vld.idx.msk [tilespmem:v53+s21+$0x0], $0xffff  }
0x311: {  	vm7 =	vlt.u32 v43, $0x4;
	v43 =	vmul.f32 v52, v52;
	v47 =	vand.u32 $0x3F, v45;
	v59 =	vld.idx.msk [tilespmem:v57+s21+$0x0], $0xffff  }
0x312: {  	vm10 =	vmand vm14, vm15;
	vm11 =	veq.s32 v40, $0x1;
	v48 =	vor.u32 $0x10, v34;
	v63 =	vld.idx.msk [tilespmem:v29+s17+$0x0], $0xffff  }
0x313: {  	vm4 =	vmand vm10, vm11;
	vm10 =	veq.s32 v26, $0x0;
	v35 =	vshll.u32 v35, $0x1;
	v36 =	vld.idx.msk [tilespmem:v36+s22+$0x0], $0xffff  }
0x314: {  	v26 =	vmul.f32 v58, v58;
	vm9 =	vmneg vm4;
	v51 =	vadd.s32 v0, v35  }
0x315: {  	v54 =	vand.u32 $0x7FFFFF80, v51;
	vm3 =	veq.s32 v28, v24;
	v24 =	vor.u32 $0x1, v24  }
0x316: {  	vm12 =	veq.s32 v28, v24;
	vm13 =	veq.s32 v38, v24;
	vm14 =	vlt.s32 v42, v22  }
0x317: {  	v57 =	vsub.f32 v61, v63;
	v38 =	vmul.f32 v60, v60;
	v34 =	vsel vm14, v48, v34  }
0x318: {  	vm2 =	vmor vm12, vm13;
	vm12 =	veq.s32 v59, v24;
	vm15 =	vlt.s32 v36, v23  }
0x319: {  	vm13 =	vmor vm6, vm5;
	v53 =	vadd.s32 $0x7, v34;
	v50 =	vsel vm15, $0x1, v1  }
0x31a: {  	vm2 =	vmor vm2, vm12;
	vm12 =	vmxor vm7, vm8;
	v35 =	vor.u32 v50, v35  }
0x31b: {  	v28 =	vmul.f32 v57, v57;
	vm8 =	vmor vm7, vm8;
	v55 =	vor.u32 v35, v54  }
0x31c: {  	vm7 =	vmor vm5, vm4;
	vm11 =	vmor vm13, vm3;
	v61 =	vadd.s32 $0x8, v34  }
0x31d: {  	vm13 =	vmor vm4, vm11;
	vm11 =	vmneg vm7;
	vm8 =	vmor vm8, vm5  }
0x31e: {  	vm15 =	vge.f32 v52, $0.0e+00;
	v27 =	vadd.f32 v28, v27;
	v28 =	vld [tilespmem:s2+$0x40];
	vm8 =	vmor vm6, vm8  }
0x31f: {  	v52 =	vadd.f32 v37, v9;
	vm14 =	vmneg vm13;
	vm8 =	vmor vm8, vm3;
	v59 =	vld.idx.msk [tilespmem:v53+s21+$0x0], $0xffff  }
0x320: {  	vm7 =	vmand vm12, vm14;
	v26 =	vadd.f32 v26, v27;
	vm8 =	vmor vm8, vm2;
	v24 =	vld.idx.msk [tilespmem:v55+s22+$0x0], $0xffff  }
0x321: {  	v35 =	vshll.u32 v35, $0x1;
	vm14 =	vge.f32 v52, $0.0e+00;
	v27 =	vld [tilespmem:s9+$0x40];
	vm4 =	vmor vm4, vm8  }
0x322: {  	v48 =	vadd.s32 v0, v35;
	v39 =	vadd.f32 $9.999999960e-13, v26;
	vm4 =	vmneg vm4  }
0x323: {  	v49 =	vand.u32 $0x7FFFFF80, v48;
	v62 =	vmul.u32 $0x4E20, v28;
	vm4 =	vmand vm14, vm4  }
0x324: {  	v26 =	vshrl.u32 v39, $0x1;
	v40 =	vmul.f32 $5.000000000e-01, v39;
	vm12 =	vlt.s32 v59, v22  }
0x325: {  	v50 =	vsub.s32 $0x5F3759DF, v26;
	v34 =	vsel vm12, v61, v34;
	vm12 =	vlt.s32 v24, v23  }
0x326: {  	v36 =	vadd.s32 v27, v62;
	v51 =	vmul.f32 v50, v40;
	v24 =	vsel vm12, $0x1, v1  }
0x327: {  	v26 =	vshll.u32 v36, $0x1;
	v63 =	vadd.s32 $0x3, v34;
	v24 =	vor.u32 v24, v35  }
0x328: {  	v36 =	vmul.f32 v50, v51;
	vm12 =	vge.f32 v60, $0.0e+00;
	v35 =	vor.u32 v24, v49  }
0x329: {  	v55 =	vadd.f32 v37, v8;
	vm10 =	vmand vm10, vm12;
	vm12 =	vlt.s32 v13, v26  }
0x32a: {  	vm4 =	vmand vm0, vm4;
	v36 =	vsub.f32 $1.500000000e+00, v36;
	v53 =	vsel vm12, $0x3, v4  }
0x32b: {  	v48 =	vmul.f32 v55, v55;
	v60 =	vshll.u32 v24, $0x8;
	v24 =	vld.idx.msk [tilespmem:v25+s19+$0x0], $0xffff;
	v54 =	vor.u32 v0, v53  }
0x32c: {  	v59 =	vadd.s32 $0x4, v34;
	vm9 =	vmand vm10, vm9;
	v36 =	vmul.f32 v50, v36;
	v41 =	vld.idx.msk [tilespmem:v63+s21+$0x0], $0xffff  }
0x32d: {  	vm10 =	vge.f32 v55, $0.0e+00;
	v55 =	vadd.f32 v37, v10;
	v37 =	vadd.f32 v37, v11;
	v35 =	vld.idx.msk [tilespmem:v35+s22+$0x0], $0xffff  }
0x32e: {  	vm5 =	vmand vm5, vm9;
	vm9 =	vmand vm15, vm11;
	v50 =	vshll.u32 v53, $0x1  }
0x32f: {  	vm6 =	vmand vm6, vm9;
	vm5 =	vmand vm0, vm5;
	v58 =	vmul.f32 v36, v40  }
0x330: {  	vm15 =	vge.f32 v55, $0.0e+00;
	vm6 =	vmand vm0, vm6;
	v38 =	vnsel vm5, $0x0, v38;
	v57 =	vld.idx.msk [tilespmem:v54+s22+$0x0], $0xffff  }
0x331: {  	vm5 =	vmand vm7, vm10;
	v56 =	vnsel vm6, $0x0, v43;
	v62 =	vmul.f32 v58, v36  }
0x332: {  	v44 =	vand.u32 $0x3F, v24;
	vm11 =	vlt.s32 v41, v22;
	vm12 =	vlt.s32 v35, v23  }
0x333: {  	vm5 =	vmand vm0, vm5;
	v34 =	vsel vm11, v59, v34;
	v61 =	vsel vm12, $0x80, v1  }
0x334: {  	v25 =	vsub.f32 $1.500000000e+00, v62;
	v63 =	vadd.s32 $0x1, v34;
	v35 =	vor.u32 v61, v60  }
0x335: {  	v38 =	vadd.f32 v38, v56;
	vm13 =	vlt.s32 v57, v26;
	v49 =	vadd.s32 $0xFFFFC03F, v35  }
0x336: {  	v56 =	vnsel vm1, $0x0, v33;
	v25 =	vmul.f32 v25, v36;
	v51 =	vsel vm13, $0x1, v1  }
0x337: {  	vm1 =	vmand vm3, vm15;
	v41 =	vnsel vm5, $0x0, v48;
	v59 =	vld.idx.msk [tilespmem:v44+s20+$0x0], $0xffff;
	v43 =	vor.u32 v51, v50  }
0x338: {  	v54 =	vmul.f32 v52, v52;
	v40 =	vmul.f32 v25, v40;
	v60 =	vld.idx.msk [tilespmem:v47+s20+$0x0], $0xffff;
	v53 =	vor.u32 v0, v43  }
0x339: {  	vm1 =	vmand vm0, vm1;
	v21 =	vadd.f32 v21, v56;
	v38 =	vadd.f32 v38, v41;
	v42 =	vld.idx.msk [tilespmem:v63+s21+$0x0], $0xffff  }
0x33a: {  	vm11 =	vge.f32 v37, $0.0e+00;
	v57 =	vnsel vm4, $0x0, v54;
	v40 =	vmul.f32 v40, v25;
	v29 =	vld.idx.msk [tilespmem:v49+s21+$0x0], $0xffff  }
0x33b: {  	vm12 =	vmand vm2, vm11;
	v33 =	vadd.f32 v38, v57;
	v50 =	vmul.f32 v55, v55  }
0x33c: {  	v61 =	vadd.s32 $0x2, v34;
	v57 =	vxor.u32 v24, v45;
	v58 =	vsub.f32 $1.500000000e+00, v40  }
0x33d: {  	v63 =	vshll.u32 v43, $0x1;
	v54 =	vnsel vm1, $0x0, v50;
	vm1 =	vmand vm0, vm12;
	v36 =	vld.idx.msk [tilespmem:v53+s22+$0x0], $0xffff  }
0x33e: {  	v25 =	vmul.f32 v58, v25;
	v40 =	vadd.f32 v60, v59;
	vm8 =	vlt.s32 v42, v22  }
0x33f: {  	v59 =	vand.u32 $0xFC0, v57;
	v34 =	vsel vm8, v61, v34;
	vm9 =	vlt.s32 v29, v23  }
0x340: {  	v39 =	vmul.f32 v25, v39;
	v25 =	vadd.f32 v33, v54;
	v29 =	vsel vm9, $0xFFFFC040, v5  }
0x341: {  	v33 =	vshrl.u32 v24, $0xC;
	v53 =	vadd.f32 $6.000000240e-01, v40;
	v35 =	vadd.s32 v29, v35  }
0x342: {  	vm10 =	vlt.s32 v36, v26;
	v29 =	vand.u32 $0x40, v29;
	v62 =	vand.u32 $0xFFFFFF80, v35  }
0x343: {  	vm12 =	veq.s32 v59, $0x0;
	v48 =	vsel vm10, $0x1, v1;
	v29 =	vor.u32 v62, v29  }
0x344: {  	v55 =	vsub.f32 v39, v53;
	v51 =	vld.idx.msk [tilespmem:v34+s21+$0x0], $0xffff;
	v36 =	vor.u32 v48, v63;
	v49 =	vor.u32 $0x1F, v29  }
0x345: {  	v24 =	vor.u32 v24, v45;
	vm8 =	vlt.u32 v44, $0x4;
	v52 =	vor.u32 v0, v36  }
0x346: {  	v24 =	vand.u32 $0x3C, v24;
	vm13 =	vle.f32 v39, $5.000000000e+00;
	vm14 =	vle.f32 v55, $0.0e+00  }
0x347: {  	vm0 =	vmand vm13, vm14;
	vm14 =	vlt.u32 v44, $0x5;
	v62 =	vmul.u32 $0x5, v44  }
0x348: {  	v36 =	vshll.u32 v36, $0x1;
	v29 =	vmul.f32 v37, v37;
	v37 =	vshrl.u32 v45, $0xC  }
0x349: {  	v53 =	vor.u32 v0, v36;
	vm15 =	vlt.s32 v51, v22;
	v58 =	vsub.s32 v33, v37;
	v41 =	vld.idx.msk [tilespmem:v49+s21+$0x0], $0xffff  }
0x34a: {  	v51 =	vor.u32 $0x20, v35;
	v54 =	vand.u32 $0x7FFFFF80, v53;
	v38 =	vsel vm15, $0x1, v1;
	v56 =	vld.idx.msk [tilespmem:v52+s22+$0x0], $0xffff  }
0x34b: {  	vm9 =	veq.s32 v33, v37;
	v37 =	vsub.f32 v40, v39;
	v34 =	vadd.s32 v38, v34  }
0x34c: {  	v46 =	vld.idx.msk [tilespmem:v31+s17+$0x0], $0xffff;
	v60 =	vsub.s32 $0x0, v58;
	vm15 =	vlt.u32 v47, $0x5;
	v63 =	vadd.s32 $0x2, v34  }
0x34d: {  	v43 =	vld.idx.msk [tilespmem:v30+s18+$0x0], $0xffff;
	vm6 =	vmand vm9, vm12;
	v29 =	vnsel vm1, $0x0, v29;
	v61 =	vadd.s32 $0x1, v34  }
0x34e: {  	v45 =	vld.idx.msk [tilespmem:v31+s3+$0x0], $0xffff;
	v55 =	vmin.u32 v58, v60;
	vm3 =	vmand vm14, vm15;
	vm10 =	vlt.s32 v41, v23  }
0x34f: {  	v60 =	vld.idx.msk [tilespmem:v30+s3+$0x0], $0xffff;
	vm13 =	veq.s32 v55, $0x1;
	vm11 =	vlt.s32 v56, v26;
	v32 =	vsel vm10, v51, v35  }
0x350: {  	vm5 =	vmand vm12, vm13;
	v34 =	vld.idx.msk [tilespmem:v34+s21+$0x0], $0xffff;
	v52 =	vsel vm11, $0x1, v1;
	v50 =	vor.u32 $0xF, v32  }
0x351: {  	v56 =	vadd.s32 v62, v47;
	v59 =	vld.idx.msk [tilespmem:v63+s21+$0x0], $0xffff;
	v63 =	vor.u32 $0x1, v22;
	v35 =	vor.u32 v52, v36  }
0x352: {  	v57 =	vld.idx.msk [tilespmem:v61+s21+$0x0], $0xffff;
	v58 =	vmin.u32 v56, $0x1F;
	vm11 =	vlt.u32 v47, $0x4;
	v36 =	vor.u32 v35, v54  }
0x353: {  	v61 =	vld.idx.msk [tilespmem:v30+s17+$0x0], $0xffff;
	v38 =	vshrl.u32 v2, v58;
	vm9 =	vmxor vm8, vm11;
	vm11 =	vmor vm8, vm11  }
0x354: {  	v47 =	vld.idx.msk [tilespmem:v31+s18+$0x0], $0xffff;
	v58 =	vadd.f32 v37, v6;
	v38 =	vand.u32 $0x1, v38;
	v48 =	vor.u32 $0x10, v32  }
0x355: {  	v52 =	vshll.u32 v35, $0x1;
	vm11 =	vmor vm11, vm5;
	vm10 =	veq.s32 v38, $0x1;
	v62 =	vld.idx.msk [tilespmem:v50+s21+$0x0], $0xffff  }
0x356: {  	vm12 =	veq.s32 v34, v63;
	v54 =	vadd.s32 v0, v52;
	vm11 =	vmor vm6, vm11  }
0x357: {  	v38 =	vmul.f32 v58, v58;
	vm4 =	vmand vm3, vm10;
	vm3 =	veq.s32 v34, v22;
	v36 =	vld.idx.msk [tilespmem:v36+s22+$0x0], $0xffff  }
0x358: {  	vm13 =	veq.s32 v57, v63;
	v34 =	vsub.f32 v60, v45;
	v53 =	vsub.f32 v61, v46  }
0x359: {  	vm14 =	veq.s32 v59, v63;
	vm10 =	veq.s32 v24, $0x0;
	v22 =	vsub.f32 v43, v47  }
0x35a: {  	v34 =	vmul.f32 v34, v34;
	v35 =	vmul.f32 v53, v53;
	vm8 =	vlt.s32 v62, v23  }
0x35b: {  	vm2 =	vmor vm12, vm13;
	v22 =	vmul.f32 v22, v22;
	v49 =	vsel vm8, v48, v32  }
0x35c: {  	v34 =	vadd.f32 v35, v34;
	vm12 =	vlt.s32 v36, v26;
	v51 =	vadd.s32 $0x7, v49  }
0x35d: {  	v56 =	vand.u32 $0x7FFFFF80, v54;
	v63 =	vadd.f32 v37, v7;
	v50 =	vsel vm12, $0x1, v1  }
0x35e: {  	vm7 =	vmneg vm4;
	v22 =	vadd.f32 v22, v34;
	v32 =	vld [tilespmem:s2+$0x50];
	v55 =	vor.u32 v50, v52  }
0x35f: {  	vm11 =	vmor vm11, vm3;
	vm2 =	vmor vm2, vm14;
	v24 =	vor.u32 v55, v56  }
0x360: {  	v33 =	vld [tilespmem:s9+$0x50];
	vm15 =	vge.f32 v63, $0.0e+00;
	v40 =	vadd.f32 $9.999999960e-13, v22;
	v22 =	vmul.f32 v63, v63  }
0x361: {  	v63 =	vadd.f32 v37, v10;
	vm8 =	vmor vm5, vm4;
	vm12 =	vmor vm6, vm5;
	v57 =	vld.idx.msk [tilespmem:v51+s21+$0x0], $0xffff  }
0x362: {  	vm8 =	vmneg vm8;
	vm12 =	vmor vm12, vm3;
	v62 =	vadd.s32 $0x8, v49  }
0x363: {  	v48 =	vshrl.u32 v40, $0x1;
	vm12 =	vmor vm4, vm12;
	v59 =	vmul.u32 $0x4E20, v32  }
0x364: {  	v43 =	vmul.f32 $5.000000000e-01, v40;
	v41 =	vshll.u32 v55, $0x1;
	vm12 =	vmneg vm12;
	v60 =	vld.idx.msk [tilespmem:v24+s22+$0x0], $0xffff  }
0x365: {  	vm9 =	vmand vm9, vm12;
	vm12 =	vge.f32 v58, $0.0e+00;
	v61 =	vadd.s32 v33, v59  }
0x366: {  	vm10 =	vmand vm10, vm12;
	v24 =	vshll.u32 v61, $0x1;
	vm12 =	vlt.s32 v57, v23  }
0x367: {  	v35 =	vsub.s32 $0x5F3759DF, v48;
	v34 =	vsel vm12, v62, v49;
	vm12 =	vlt.s32 v13, v24  }
0x368: {  	vm8 =	vmand vm15, vm8;
	v36 =	vadd.s32 $0x3, v34;
	v49 =	vsel vm12, $0x3, v4  }
0x369: {  	v55 =	vadd.f32 v37, v8;
	vm12 =	vlt.s32 v60, v26;
	v50 =	vor.u32 v0, v49  }
0x36a: {  	v52 =	vadd.s32 v0, v41;
	v54 =	vmul.f32 v35, v43;
	v51 =	vsel vm12, $0x1, v1  }
0x36b: {  	vm6 =	vmand vm6, vm8;
	v53 =	vand.u32 $0x7FFFFF80, v52;
	v41 =	vor.u32 v51, v41  }
0x36c: {  	vm6 =	vmand vm0, vm6;
	v46 =	vmul.f32 v55, v55;
	v44 =	vor.u32 v41, v53  }
0x36d: {  	v45 =	vmul.f32 v35, v54;
	v22 =	vnsel vm6, $0x0, v22;
	vm10 =	vmand vm10, vm7;
	v36 =	vld.idx.msk [tilespmem:v36+s21+$0x0], $0xffff  }
0x36e: {  	vm7 =	vmor vm11, vm2;
	vm11 =	vge.f32 v55, $0.0e+00;
	vm5 =	vmand vm5, vm10;
	v39 =	vld.idx.msk [tilespmem:v50+s22+$0x0], $0xffff  }
0x36f: {  	v45 =	vsub.f32 $1.500000000e+00, v45;
	vm4 =	vmor vm4, vm7;
	vm10 =	vge.f32 v63, $0.0e+00  }
0x370: {  	vm5 =	vmand vm0, vm5;
	v61 =	vadd.f32 v37, v9;
	vm4 =	vmneg vm4  }
0x371: {  	vm1 =	vmand vm3, vm10;
	v37 =	vadd.f32 v37, v11;
	v38 =	vnsel vm5, $0x0, v38;
	v44 =	vld.idx.msk [tilespmem:v44+s22+$0x0], $0xffff  }
0x372: {  	vm5 =	vmand vm9, vm11;
	v35 =	vmul.f32 v35, v45;
	v22 =	vadd.f32 v38, v22  }
0x373: {  	v56 =	vadd.s32 $0x4, v34;
	vm12 =	vlt.s32 v36, v23;
	vm13 =	vlt.s32 v39, v24  }
0x374: {  	v57 =	vshll.u32 v49, $0x1;
	v38 =	vsel vm12, v56, v34;
	v39 =	vsel vm13, $0x1, v1  }
0x375: {  	v59 =	vmul.f32 v35, v43;
	v58 =	vadd.s32 $0x1, v38;
	v39 =	vor.u32 v39, v57  }
0x376: {  	vm1 =	vmand vm0, vm1;
	v36 =	vld.idx.msk [tilespmem:v31+s19+$0x0], $0xffff;
	vm14 =	vlt.s32 v44, v26;
	v60 =	vor.u32 v0, v39  }
0x377: {  	v41 =	vshll.u32 v41, $0x8;
	v31 =	vmul.f32 v59, v35;
	v34 =	vld.idx.msk [tilespmem:v30+s19+$0x0], $0xffff;
	v62 =	vsel vm14, $0x80, v1  }
0x378: {  	vm5 =	vmand vm0, vm5;
	vm15 =	vge.f32 v61, $0.0e+00;
	v41 =	vor.u32 v62, v41  }
0x379: {  	vm4 =	vmand vm15, vm4;
	v31 =	vsub.f32 $1.500000000e+00, v31;
	v45 =	vadd.s32 $0xFFFFC03F, v41  }
0x37a: {  	v46 =	vnsel vm5, $0x0, v46;
	vm9 =	vmand vm0, vm4;
	v49 =	vmul.f32 v37, v37;
	v30 =	vld.idx.msk [tilespmem:v58+s21+$0x0], $0xffff  }
0x37b: {  	v51 =	vadd.f32 v22, v46;
	v31 =	vmul.f32 v31, v35;
	v48 =	vand.u32 $0x3F, v36;
	v42 =	vld.idx.msk [tilespmem:v60+s22+$0x0], $0xffff  }
0x37c: {  	v22 =	vadd.f32 v25, v29;
	v44 =	vmul.f32 v61, v61;
	v47 =	vand.u32 $0x3F, v34  }
0x37d: {  	v56 =	vadd.s32 $0x2, v38;
	vm14 =	vge.f32 v37, $0.0e+00;
	v43 =	vmul.f32 v31, v43  }
0x37e: {  	v39 =	vshll.u32 v39, $0x1;
	v44 =	vnsel vm9, $0x0, v44;
	vm2 =	vmand vm2, vm14;
	v45 =	vld.idx.msk [tilespmem:v45+s21+$0x0], $0xffff  }
0x37f: {  	v52 =	vadd.f32 v51, v44;
	vm0 =	vmand vm0, vm2;
	v54 =	vmul.f32 v43, v31  }
0x380: {  	v25 =	vshrl.u32 v34, $0xC;
	v55 =	vld.idx.msk [tilespmem:v48+s20+$0x0], $0xffff;
	vm11 =	vlt.s32 v30, v23;
	vm12 =	vlt.s32 v42, v24  }
0x381: {  	v35 =	vsub.f32 $1.500000000e+00, v54;
	v53 =	vld.idx.msk [tilespmem:v47+s20+$0x0], $0xffff;
	v30 =	vsel vm11, v56, v38;
	v42 =	vsel vm12, $0x1, v1  }
0x382: {  	v58 =	vmul.f32 v63, v63;
	vm6 =	vlt.u32 v47, $0x4;
	v57 =	vor.u32 v42, v39  }
0x383: {  	v31 =	vmul.f32 v35, v31;
	vm13 =	vlt.s32 v45, v26;
	v39 =	vor.u32 v0, v57  }
0x384: {  	v51 =	vnsel vm1, $0x0, v58;
	v35 =	vnsel vm0, $0x0, v49;
	v59 =	vsel vm13, $0xFFFFC040, v5  }
0x385: {  	v40 =	vmul.f32 v31, v40;
	vm12 =	vlt.u32 v47, $0x5;
	v41 =	vadd.s32 v59, v41  }
0x386: {  	v43 =	vadd.f32 v55, v53;
	v61 =	vand.u32 $0x40, v59;
	v63 =	vld.idx.msk [tilespmem:v30+s21+$0x0], $0xffff;
	v60 =	vand.u32 $0xFFFFFF80, v41  }
0x387: {  	v42 =	vshrl.u32 v36, $0xC;
	vm15 =	vle.f32 v40, $5.000000000e+00;
	v29 =	vor.u32 v60, v61  }
0x388: {  	v38 =	vshll.u32 v57, $0x1;
	v57 =	vxor.u32 v34, v36;
	v50 =	vor.u32 $0x1F, v29;
	v39 =	vld.idx.msk [tilespmem:v39+s22+$0x0], $0xffff  }
0x389: {  	v58 =	vsub.s32 v25, v42;
	vm11 =	veq.s32 v25, v42;
	vm13 =	vlt.u32 v48, $0x5  }
0x38a: {  	v34 =	vor.u32 v34, v36;
	v62 =	vadd.f32 $6.000000240e-01, v43;
	v54 =	vor.u32 v0, v38  }
0x38b: {  	v59 =	vmul.u32 $0x5, v47;
	vm1 =	vmand vm12, vm13;
	vm5 =	vlt.s32 v63, v23  }
0x38c: {  	v34 =	vand.u32 $0x3C, v34;
	v29 =	vadd.f32 v52, v51;
	v52 =	vsel vm5, $0x1, v1  }
0x38d: {  	v56 =	vand.u32 $0x7FFFFF80, v54;
	v30 =	vadd.s32 v52, v30;
	v37 =	vld.idx.msk [tilespmem:v50+s21+$0x0], $0xffff;
	vm7 =	vlt.s32 v39, v24  }
0x38e: {  	v31 =	vsub.f32 v40, v62;
	v61 =	vor.u32 $0x20, v41;
	v53 =	vsel vm7, $0x1, v1  }
0x38f: {  	v62 =	vsub.s32 $0x0, v58;
	v55 =	vadd.s32 $0x1, v30;
	v38 =	vor.u32 v53, v38  }
0x390: {  	vm4 =	vle.f32 v31, $0.0e+00;
	v52 =	vmin.u32 v58, v62;
	v31 =	vor.u32 v38, v56  }
0x391: {  	vm0 =	vmand vm15, vm4;
	v60 =	vadd.s32 $0x2, v30;
	vm10 =	veq.s32 v52, $0x1  }
0x392: {  	v39 =	vand.u32 $0xFC0, v57;
	vm7 =	vlt.u32 v48, $0x4;
	v63 =	vld.idx.msk [tilespmem:v30+s21+$0x0], $0xffff;
	vm8 =	vlt.s32 v37, v26  }
0x393: {  	vm9 =	veq.s32 v39, $0x0;
	v53 =	vadd.s32 v59, v48;
	v30 =	vld [tilespmem:s2+$0x60];
	v37 =	vsel vm8, v61, v41  }
0x394: {  	vm5 =	vmand vm9, vm10;
	vm4 =	vmand vm11, vm9;
	v54 =	vld.idx.msk [tilespmem:v55+s21+$0x0], $0xffff;
	v55 =	vor.u32 $0xF, v37  }
0x395: {  	vm10 =	veq.s32 v34, $0x0;
	v56 =	vmin.u32 v53, $0x1F;
	v38 =	vshll.u32 v38, $0x1;
	v57 =	vld.idx.msk [tilespmem:v31+s22+$0x0], $0xffff  }
0x396: {  	v34 =	vsub.f32 v43, v40;
	v25 =	vshrl.u32 v2, v56;
	v58 =	vld.idx.msk [tilespmem:v60+s21+$0x0], $0xffff;
	v61 =	vadd.s32 v0, v38  }
0x397: {  	v59 =	vor.u32 $0x1, v23;
	v25 =	vand.u32 $0x1, v25;
	v52 =	vand.u32 $0x7FFFFF80, v61;
	v61 =	vld.idx.msk [tilespmem:v27+s18+$0x0], $0xffff  }
0x398: {  	v43 =	vadd.f32 v34, v7;
	vm14 =	veq.s32 v25, $0x1;
	v56 =	vor.u32 $0x10, v37;
	v31 =	vld [tilespmem:s9+$0x60]  }
0x399: {  	vm3 =	vmand vm1, vm14;
	vm2 =	veq.s32 v63, v23;
	vm15 =	veq.s32 v63, v59;
	v60 =	vld.idx.msk [tilespmem:v55+s21+$0x0], $0xffff  }
0x39a: {  	v62 =	vmul.u32 $0x4E20, v30;
	v63 =	vld.idx.msk [tilespmem:v28+s3+$0x0], $0xffff;
	vm9 =	vmneg vm3;
	vm13 =	vlt.s32 v57, v24  }
0x39b: {  	vm11 =	vmor vm5, vm3;
	vm14 =	veq.s32 v58, v59;
	v58 =	vld.idx.msk [tilespmem:v28+s18+$0x0], $0xffff;
	v39 =	vsel vm13, $0x1, v1  }
0x39c: {  	vm12 =	veq.s32 v54, v59;
	vm8 =	vmneg vm11;
	v55 =	vld.idx.msk [tilespmem:v27+s3+$0x0], $0xffff;
	v38 =	vor.u32 v39, v38  }
0x39d: {  	vm1 =	vmor vm15, vm12;
	v54 =	vadd.s32 v31, v62;
	v39 =	vor.u32 v38, v52  }
0x39e: {  	v53 =	vld.idx.msk [tilespmem:v28+s17+$0x0], $0xffff;
	vm1 =	vmor vm1, vm14;
	v25 =	vshll.u32 v54, $0x1;
	vm15 =	vlt.s32 v60, v26  }
0x39f: {  	v57 =	vld.idx.msk [tilespmem:v27+s17+$0x0], $0xffff;
	vm13 =	vmor vm4, vm5;
	vm12 =	vlt.s32 v13, v25;
	v23 =	vsel vm15, v56, v37  }
0x3a0: {  	v36 =	vsub.f32 v58, v61;
	v60 =	vsel vm12, $0x3, v4;
	v59 =	vadd.s32 $0x7, v23  }
0x3a1: {  	vm12 =	vmor vm13, vm2;
	v42 =	vsub.f32 v63, v55;
	v51 =	vshll.u32 v38, $0x1  }
0x3a2: {  	v36 =	vmul.f32 v36, v36;
	v62 =	vor.u32 v0, v60;
	vm11 =	vmor vm3, vm12;
	v39 =	vld.idx.msk [tilespmem:v39+s22+$0x0], $0xffff  }
0x3a3: {  	vm12 =	vmor vm6, vm7;
	vm6 =	vmxor vm6, vm7;
	v56 =	vadd.f32 v34, v6  }
0x3a4: {  	vm15 =	vge.f32 v43, $0.0e+00;
	v41 =	vsub.f32 v53, v57;
	vm7 =	vmneg vm11  }
0x3a5: {  	vm11 =	vmor vm12, vm5;
	v49 =	vmul.f32 v42, v42;
	v53 =	vadd.s32 v0, v51;
	v63 =	vld.idx.msk [tilespmem:v59+s21+$0x0], $0xffff  }
0x3a6: {  	v55 =	vadd.s32 $0x8, v23;
	v57 =	vshll.u32 v60, $0x1;
	v41 =	vmul.f32 v41, v41  }
0x3a7: {  	vm8 =	vmand vm15, vm8;
	v54 =	vand.u32 $0x7FFFFF80, v53;
	vm12 =	vlt.s32 v39, v24  }
0x3a8: {  	vm6 =	vmand vm6, vm7;
	v50 =	vld.idx.msk [tilespmem:v62+s22+$0x0], $0xffff;
	v52 =	vadd.f32 v41, v49;
	v39 =	vsel vm12, $0x1, v1  }
0x3a9: {  	vm14 =	vmor vm4, vm11;
	vm4 =	vmand vm4, vm8;
	v37 =	vor.u32 v39, v51  }
0x3aa: {  	v36 =	vadd.f32 v36, v52;
	vm12 =	vlt.s32 v63, v26;
	v39 =	vor.u32 v37, v54  }
0x3ab: {  	vm7 =	vmor vm14, vm2;
	vm4 =	vmand vm0, vm4;
	v23 =	vsel vm12, v55, v23  }
0x3ac: {  	vm13 =	vmor vm7, vm1;
	v40 =	vadd.f32 $9.999999960e-13, v36;
	v59 =	vadd.s32 $0x3, v23  }
0x3ad: {  	v41 =	vmul.f32 v56, v56;
	vm3 =	vmor vm3, vm13;
	vm12 =	vlt.s32 v50, v25  }
0x3ae: {  	v61 =	vshrl.u32 v40, $0x1;
	v45 =	vmul.f32 $5.000000000e-01, v40;
	v58 =	vsel vm12, $0x1, v1  }
0x3af: {  	v44 =	vsub.s32 $0x5F3759DF, v61;
	vm12 =	vge.f32 v56, $0.0e+00;
	v38 =	vor.u32 v58, v57;
	v39 =	vld.idx.msk [tilespmem:v39+s22+$0x0], $0xffff  }
0x3b0: {  	v62 =	vmul.f32 v44, v45;
	vm10 =	vmand vm10, vm12;
	v60 =	vor.u32 v0, v38  }
0x3b1: {  	v52 =	vadd.f32 v34, v8;
	v63 =	vmul.f32 v43, v43;
	vm9 =	vmand vm10, vm9;
	v42 =	vld.idx.msk [tilespmem:v59+s21+$0x0], $0xffff  }
0x3b2: {  	v37 =	vshll.u32 v37, $0x8;
	v46 =	vmul.f32 v44, v62;
	vm5 =	vmand vm5, vm9  }
0x3b3: {  	v53 =	vadd.s32 $0x4, v23;
	vm12 =	vge.f32 v52, $0.0e+00;
	vm5 =	vmand vm0, vm5  }
0x3b4: {  	v46 =	vsub.f32 $1.500000000e+00, v46;
	v41 =	vnsel vm5, $0x0, v41;
	vm9 =	vlt.s32 v39, v24  }
0x3b5: {  	v59 =	vnsel vm4, $0x0, v63;
	vm4 =	vmand vm6, vm12;
	v36 =	vld.idx.msk [tilespmem:v60+s22+$0x0], $0xffff;
	v51 =	vsel vm9, $0x80, v1  }
0x3b6: {  	v44 =	vmul.f32 v44, v46;
	vm10 =	vlt.s32 v42, v26;
	v43 =	vor.u32 v51, v37  }
0x3b7: {  	v60 =	vmul.f32 v52, v52;
	v46 =	vsel vm10, v53, v23;
	v54 =	vadd.s32 $0xFFFFC03F, v43  }
0x3b8: {  	vm4 =	vmand vm0, vm4;
	v57 =	vmul.f32 v44, v45;
	v23 =	vadd.s32 $0x1, v46  }
0x3b9: {  	v55 =	vshll.u32 v38, $0x1;
	v41 =	vadd.f32 v41, v59;
	v61 =	vnsel vm4, $0x0, v60  }
0x3ba: {  	v39 =	vadd.f32 v34, v9;
	v38 =	vmul.f32 v57, v44;
	vm11 =	vlt.s32 v36, v25  }
0x3bb: {  	vm3 =	vmneg vm3;
	v41 =	vadd.f32 v41, v61;
	v36 =	vld.idx.msk [tilespmem:v28+s19+$0x0], $0xffff;
	v56 =	vsel vm11, $0x1, v1  }
0x3bc: {  	vm14 =	vge.f32 v39, $0.0e+00;
	v38 =	vsub.f32 $1.500000000e+00, v38;
	v58 =	vor.u32 v56, v55;
	v42 =	vld.idx.msk [tilespmem:v54+s21+$0x0], $0xffff  }
0x3bd: {  	v39 =	vmul.f32 v39, v39;
	vm3 =	vmand vm14, vm3;
	v37 =	vor.u32 v0, v58;
	v62 =	vld.idx.msk [tilespmem:v23+s21+$0x0], $0xffff  }
0x3be: {  	vm3 =	vmand vm0, vm3;
	v38 =	vmul.f32 v38, v44;
	v23 =	vadd.f32 v29, v35;
	v35 =	vld.idx.msk [tilespmem:v27+s19+$0x0], $0xffff  }
0x3bf: {  	v44 =	vadd.f32 v34, v10;
	v39 =	vnsel vm3, $0x0, v39  }
0x3c0: {  	v48 =	vshll.u32 v58, $0x1;
	v39 =	vadd.f32 v41, v39;
	v52 =	vmul.f32 v38, v45  }
0x3c1: {  	v59 =	vor.u32 v0, v48;
	vm10 =	vge.f32 v44, $0.0e+00;
	v44 =	vmul.f32 v44, v44;
	v29 =	vld [tilespmem:s2+$0x70]  }
0x3c2: {  	v54 =	vadd.s32 $0x2, v46;
	vm2 =	vmand vm2, vm10;
	v63 =	vld.idx.msk [tilespmem:v37+s22+$0x0], $0xffff;
	v37 =	vand.u32 $0x3F, v36  }
0x3c3: {  	vm15 =	vlt.s32 v42, v24;
	vm8 =	vlt.s32 v62, v26;
	v47 =	vand.u32 $0x3F, v35  }
0x3c4: {  	v28 =	vld [tilespmem:s9+$0x70];
	v42 =	vmul.f32 v52, v38;
	v53 =	vsel vm15, $0xFFFFC040, v5;
	v45 =	vsel vm8, v54, v46  }
0x3c5: {  	v61 =	vand.u32 $0x7FFFFF80, v59;
	vm2 =	vmand vm0, vm2;
	v43 =	vadd.s32 v53, v43  }
0x3c6: {  	v56 =	vand.u32 $0x40, v53;
	v42 =	vsub.f32 $1.500000000e+00, v42;
	v53 =	vmul.u32 $0x5, v37  }
0x3c7: {  	v55 =	vand.u32 $0xFFFFFF80, v43;
	vm9 =	vlt.s32 v63, v25;
	v62 =	vld.idx.msk [tilespmem:v37+s20+$0x0], $0xffff;
	v63 =	vmul.u32 $0x4E20, v29  }
0x3c8: {  	v57 =	vor.u32 v55, v56;
	v58 =	vsel vm9, $0x1, v1;
	v38 =	vmul.f32 v42, v38;
	v52 =	vld.idx.msk [tilespmem:v47+s20+$0x0], $0xffff  }
0x3c9: {  	v60 =	vor.u32 $0x1F, v57;
	v46 =	vor.u32 v58, v48;
	v27 =	vadd.s32 v28, v63;
	v51 =	vld.idx.msk [tilespmem:v45+s21+$0x0], $0xffff  }
0x3ca: {  	v56 =	vnsel vm2, $0x0, v44;
	v49 =	vor.u32 v46, v61;
	v27 =	vshll.u32 v27, $0x1  }
0x3cb: {  	v38 =	vmul.f32 v38, v40;
	v61 =	vshrl.u32 v35, $0xC;
	vm11 =	vlt.s32 v13, v27  }
0x3cc: {  	v46 =	vshll.u32 v46, $0x1;
	v13 =	vadd.f32 v39, v56;
	v44 =	vsel vm11, $0x3, v4  }
0x3cd: {  	v56 =	vadd.s32 v0, v46;
	v58 =	vor.u32 v0, v44;
	v44 =	vshll.u32 v44, $0x1  }
0x3ce: {  	v55 =	vld.idx.msk [tilespmem:v60+s21+$0x0], $0xffff;
	v40 =	vadd.f32 v52, v62;
	v60 =	vshrl.u32 v36, $0xC;
	vm12 =	vlt.s32 v51, v26  }
0x3cf: {  	vm5 =	veq.s32 v60, v61;
	v60 =	vsub.s32 v60, v61;
	v59 =	vsel vm12, $0x1, v1  }
0x3d0: {  	v57 =	vld.idx.msk [tilespmem:v49+s22+$0x0], $0xffff;
	v61 =	vadd.s32 v53, v47;
	v62 =	vadd.f32 $6.000000240e-01, v40;
	v45 =	vadd.s32 v59, v45  }
0x3d1: {  	v59 =	vxor.u32 v36, v35;
	v35 =	vor.u32 v36, v35;
	v63 =	vadd.s32 $0x1, v45  }
0x3d2: {  	v39 =	vld.idx.msk [tilespmem:v58+s22+$0x0], $0xffff;
	v58 =	vsub.f32 v38, v62;
	v48 =	vand.u32 $0xFC0, v59;
	v54 =	vadd.s32 $0x2, v45  }
0x3d3: {  	v62 =	vmin.u32 v61, $0x1F;
	v59 =	vor.u32 $0x1, v26;
	v35 =	vand.u32 $0x3C, v35  }
0x3d4: {  	vm13 =	vlt.s32 v55, v24;
	v55 =	vor.u32 $0x20, v43;
	vm4 =	veq.s32 v48, $0x0  }
0x3d5: {  	vm14 =	vlt.s32 v57, v25;
	v41 =	vsel vm13, v55, v43;
	v43 =	vand.u32 $0x7FFFFF80, v56  }
0x3d6: {  	vm15 =	vle.f32 v58, $0.0e+00;
	v56 =	vsub.s32 $0x0, v60;
	vm13 =	vle.f32 v38, $5.000000000e+00  }
0x3d7: {  	v52 =	vld.idx.msk [tilespmem:v33+s17+$0x0], $0xffff;
	vm6 =	vmand vm5, vm4;
	v38 =	vsub.f32 v40, v38;
	v42 =	vsel vm14, $0x1, v1  }
0x3d8: {  	v57 =	vor.u32 $0xF, v41;
	vm2 =	vmand vm13, vm15;
	v42 =	vor.u32 v42, v46;
	v45 =	vld.idx.msk [tilespmem:v45+s21+$0x0], $0xffff  }
0x3d9: {  	vm13 =	vlt.u32 v47, $0x5;
	v46 =	vmin.u32 v60, v56;
	v60 =	vld.idx.msk [tilespmem:v32+s3+$0x0], $0xffff;
	v43 =	vor.u32 v42, v43  }
0x3da: {  	v49 =	vld.idx.msk [tilespmem:v63+s21+$0x0], $0xffff;
	vm11 =	vlt.s32 v39, v27;
	v39 =	vshrl.u32 v2, v62;
	vm12 =	veq.s32 v46, $0x1  }
0x3db: {  	v62 =	vld.idx.msk [tilespmem:v33+s3+$0x0], $0xffff;
	v42 =	vshll.u32 v42, $0x1;
	v55 =	vsel vm11, $0x1, v1;
	v39 =	vand.u32 $0x1, v39  }
0x3dc: {  	v61 =	vld.idx.msk [tilespmem:v32+s17+$0x0], $0xffff;
	vm7 =	vmand vm4, vm12;
	vm12 =	vlt.u32 v37, $0x5;
	v44 =	vor.u32 v55, v44  }
0x3dd: {  	vm8 =	veq.s32 v39, $0x1;
	vm4 =	vmand vm12, vm13;
	v63 =	vld.idx.msk [tilespmem:v57+s21+$0x0], $0xffff;
	v58 =	vor.u32 v0, v44  }
0x3de: {  	v40 =	vadd.f32 v38, v6;
	v55 =	vadd.s32 v0, v42;
	v57 =	vld.idx.msk [tilespmem:v54+s21+$0x0], $0xffff;
	vm5 =	vmand vm4, vm8  }
0x3df: {  	v44 =	vshll.u32 v44, $0x1;
	vm3 =	veq.s32 v45, v26;
	vm9 =	veq.s32 v45, v59  }
0x3e0: {  	v26 =	vadd.f32 v34, v11;
	v43 =	vld.idx.msk [tilespmem:v43+s22+$0x0], $0xffff;
	vm10 =	veq.s32 v49, v59;
	v46 =	vsub.f32 v60, v62  }
0x3e1: {  	v56 =	vld.idx.msk [tilespmem:v32+s18+$0x0], $0xffff;
	v49 =	vand.u32 $0x7FFFFF80, v55;
	vm15 =	vmor vm9, vm10;
	vm10 =	vlt.u32 v37, $0x4  }
0x3e2: {  	vm9 =	vmneg vm5;
	v62 =	vmul.f32 v46, v46;
	vm14 =	vlt.s32 v63, v24;
	v53 =	vld.idx.msk [tilespmem:v58+s22+$0x0], $0xffff  }
0x3e3: {  	v63 =	vor.u32 $0x10, v41;
	vm12 =	veq.s32 v57, v59;
	v57 =	vld.idx.msk [tilespmem:v33+s18+$0x0], $0xffff;
	v58 =	vsub.f32 v61, v52  }
0x3e4: {  	v41 =	vsel vm14, v63, v41;
	vm4 =	vmor vm15, vm12;
	vm14 =	vmor vm6, vm7  }
0x3e5: {  	vm11 =	vlt.s32 v43, v25;
	v59 =	vadd.s32 $0x7, v41;
	v34 =	vmul.f32 v58, v58  }
0x3e6: {  	vm8 =	vmor vm14, vm3;
	v51 =	vadd.s32 $0x8, v41;
	v54 =	vsel vm11, $0x1, v1  }
0x3e7: {  	v58 =	vadd.f32 v38, v7;
	vm11 =	vlt.u32 v47, $0x4;
	v39 =	vor.u32 v54, v42  }
0x3e8: {  	v49 =	vor.u32 v39, v49;
	vm13 =	vlt.s32 v53, v27;
	v42 =	vsub.f32 v56, v57  }
0x3e9: {  	vm8 =	vmor vm5, vm8;
	v34 =	vadd.f32 v34, v62;
	v60 =	vsel vm13, $0x1, v1  }
0x3ea: {  	vm12 =	vmxor vm10, vm11;
	v61 =	vor.u32 v60, v44;
	v47 =	vmul.f32 v42, v42;
	v48 =	vld.idx.msk [tilespmem:v59+s21+$0x0], $0xffff  }
0x3eb: {  	vm8 =	vmneg vm8;
	vm10 =	vmor vm10, vm11;
	v44 =	vor.u32 v0, v61  }
0x3ec: {  	vm8 =	vmand vm12, vm8;
	v37 =	vshll.u32 v61, $0x1;
	v34 =	vadd.f32 v47, v34  }
0x3ed: {  	vm12 =	veq.s32 v35, $0x0;
	v39 =	vshll.u32 v39, $0x8;
	v55 =	vor.u32 v0, v37;
	v63 =	vld.idx.msk [tilespmem:v49+s22+$0x0], $0xffff  }
0x3ee: {  	v60 =	vmul.f32 v58, v58;
	v56 =	vand.u32 $0x7FFFFF80, v55;
	v35 =	vadd.f32 $9.999999960e-13, v34  }
0x3ef: {  	v55 =	vadd.f32 v38, v10;
	vm13 =	vlt.s32 v48, v24;
	v48 =	vadd.f32 v38, v8  }
0x3f0: {  	v49 =	vld.idx.msk [tilespmem:v44+s22+$0x0], $0xffff;
	v52 =	vshrl.u32 v35, $0x1;
	v41 =	vsel vm13, v51, v41;
	v45 =	vmul.f32 $5.000000000e-01, v35  }
0x3f1: {  	vm13 =	vge.f32 v58, $0.0e+00;
	v53 =	vadd.s32 $0x3, v41;
	v43 =	vsub.s32 $0x5F3759DF, v52  }
0x3f2: {  	v59 =	vadd.s32 $0x4, v41;
	vm15 =	vlt.s32 v63, v25;
	v57 =	vmul.f32 v43, v45  }
0x3f3: {  	v50 =	vsel vm15, $0x80, v1;
	vm15 =	vge.f32 v40, $0.0e+00;
	v40 =	vmul.f32 v40, v40  }
0x3f4: {  	v34 =	vor.u32 v50, v39;
	vm11 =	vmand vm12, vm15;
	vm12 =	vmor vm7, vm5  }
0x3f5: {  	v44 =	vmul.f32 v43, v57;
	v39 =	vadd.s32 $0xFFFFC03F, v34;
	vm14 =	vlt.s32 v49, v27  }
0x3f6: {  	vm12 =	vmneg vm12;
	vm9 =	vmand vm11, vm9;
	v54 =	vsel vm14, $0x1, v1  }
0x3f7: {  	vm9 =	vmand vm7, vm9;
	vm7 =	vmor vm10, vm7;
	vm14 =	vmand vm13, vm12  }
0x3f8: {  	v44 =	vsub.f32 $1.500000000e+00, v44;
	v37 =	vor.u32 v54, v37;
	vm9 =	vmand vm2, vm9  }
0x3f9: {  	v36 =	vld.idx.msk [tilespmem:v53+s21+$0x0], $0xffff;
	vm7 =	vmor vm6, vm7;
	v54 =	vadd.f32 v38, v9;
	v42 =	vor.u32 v37, v56  }
0x3fa: {  	v38 =	vadd.f32 v38, v11;
	v40 =	vnsel vm9, $0x0, v40;
	vm9 =	vmand vm6, vm14  }
0x3fb: {  	vm6 =	vge.f32 v26, $0.0e+00;
	v43 =	vmul.f32 v43, v44;
	v37 =	vshll.u32 v37, $0x1;
	v39 =	vld.idx.msk [tilespmem:v39+s21+$0x0], $0xffff  }
0x3fc: {  	vm7 =	vmor vm7, vm3;
	vm14 =	vge.f32 v48, $0.0e+00;
	v26 =	vmul.f32 v26, v26  }
0x3fd: {  	vm9 =	vmand vm2, vm9;
	vm7 =	vmor vm7, vm4;
	vm8 =	vmand vm8, vm14  }
0x3fe: {  	vm1 =	vmand vm1, vm6;
	vm10 =	vge.f32 v38, $0.0e+00;
	vm12 =	vlt.s32 v36, v24;
	v42 =	vld.idx.msk [tilespmem:v42+s22+$0x0], $0xffff  }
0x3ff: {  	v38 =	vmul.f32 v38, v38;
	v51 =	vnsel vm9, $0x0, v60;
	v36 =	vsel vm12, v59, v41  }
0x400: {  	v53 =	vmul.f32 v43, v45;
	v62 =	vadd.s32 $0x1, v36;
	vm15 =	vlt.s32 v39, v25  }
0x401: {  	vm5 =	vmor vm5, vm7;
	vm0 =	vmand vm0, vm1;
	v39 =	vsel vm15, $0xFFFFC040, v5  }
0x402: {  	vm5 =	vmneg vm5;
	v26 =	vnsel vm0, $0x0, v26;
	v61 =	vadd.s32 v39, v34  }
0x403: {  	v39 =	vand.u32 $0x40, v39;
	v34 =	vand.u32 $0xFFFFFF80, v61;
	vm13 =	vlt.s32 v42, v27  }
0x404: {  	vm0 =	vmand vm4, vm10;
	v42 =	vsel vm13, $0x1, v1;
	v34 =	vor.u32 v34, v39  }
0x405: {  	v46 =	vld.idx.msk [tilespmem:v62+s21+$0x0], $0xffff;
	v63 =	vor.u32 v42, v37;
	v37 =	vadd.s32 v0, v37;
	v49 =	vor.u32 $0x1F, v34  }
0x406: {  	vm12 =	vge.f32 v54, $0.0e+00;
	v13 =	vadd.f32 v13, v26;
	v50 =	vand.u32 $0x7FFFFF80, v37  }
0x407: {  	v33 =	vld.idx.msk [tilespmem:v33+s19+$0x0], $0xffff;
	vm0 =	vmand vm2, vm0;
	vm5 =	vmand vm12, vm5;
	v52 =	vor.u32 v63, v50  }
0x408: {  	vm15 =	vmand vm2, vm8;
	vm8 =	vge.f32 v55, $0.0e+00;
	v34 =	vld.idx.msk [tilespmem:v32+s19+$0x0], $0xffff;
	v32 =	vmul.f32 v53, v43  }
0x409: {  	v56 =	vadd.s32 $0x2, v36;
	vm5 =	vmand vm2, vm5;
	vm3 =	vmand vm3, vm8  }
0x40a: {  	v57 =	vor.u32 $0x20, v61;
	v32 =	vsub.f32 $1.500000000e+00, v32;
	vm13 =	vlt.s32 v46, v24;
	v47 =	vld.idx.msk [tilespmem:v49+s21+$0x0], $0xffff  }
0x40b: {  	vm9 =	vmand vm2, vm3;
	v42 =	vmul.f32 v48, v48;
	v36 =	vsel vm13, v56, v36  }
0x40c: {  	v48 =	vand.u32 $0x3F, v33;
	v37 =	vadd.f32 v40, v51;
	v32 =	vmul.f32 v32, v43;
	v44 =	vld.idx.msk [tilespmem:v52+s22+$0x0], $0xffff  }
0x40d: {  	v40 =	vmul.f32 v54, v54;
	v39 =	vshll.u32 v63, $0x1;
	v43 =	vand.u32 $0x3F, v34  }
0x40e: {  	v42 =	vnsel vm15, $0x0, v42;
	v58 =	vadd.s32 v0, v39;
	v45 =	vmul.f32 v32, v45  }
0x40f: {  	v37 =	vadd.f32 v37, v42;
	v60 =	vand.u32 $0x7FFFFF80, v58;
	vm14 =	vlt.s32 v47, v25  }
0x410: {  	v40 =	vnsel vm5, $0x0, v40;
	v45 =	vmul.f32 v45, v32;
	v63 =	vld.idx.msk [tilespmem:v36+s21+$0x0], $0xffff;
	v41 =	vsel vm14, v57, v61  }
0x411: {  	v42 =	vmul.f32 v55, v55;
	v62 =	vld.idx.msk [tilespmem:v48+s20+$0x0], $0xffff;
	vm15 =	vlt.s32 v44, v27;
	v59 =	vor.u32 $0xF, v41  }
0x412: {  	v37 =	vadd.f32 v37, v40;
	v45 =	vsub.f32 $1.500000000e+00, v45;
	v61 =	vld.idx.msk [tilespmem:v43+s20+$0x0], $0xffff;
	v44 =	vsel vm15, $0x1, v1  }
0x413: {  	v42 =	vnsel vm9, $0x0, v42;
	v58 =	vshrl.u32 v34, $0xC;
	v39 =	vor.u32 v44, v39  }
0x414: {  	v49 =	vmul.u32 $0x5, v43;
	v32 =	vmul.f32 v45, v32;
	v44 =	vor.u32 v39, v60  }
0x415: {  	vm6 =	vlt.u32 v43, $0x4;
	v26 =	vadd.f32 v37, v42;
	vm11 =	vlt.s32 v63, v24  }
0x416: {  	v54 =	vor.u32 $0x10, v41;
	v35 =	vmul.f32 v32, v35;
	v53 =	vsel vm11, $0x1, v1;
	v47 =	vld.idx.msk [tilespmem:v59+s21+$0x0], $0xffff  }
0x417: {  	v39 =	vshll.u32 v39, $0x8;
	v60 =	vxor.u32 v34, v33;
	v40 =	vadd.f32 v62, v61  }
0x418: {  	v36 =	vadd.s32 v53, v36;
	v46 =	vand.u32 $0xFC0, v60;
	vm9 =	vle.f32 v35, $5.000000000e+00  }
0x419: {  	v55 =	vadd.s32 $0x1, v36;
	v59 =	vshrl.u32 v33, $0xC;
	vm15 =	veq.s32 v46, $0x0;
	v51 =	vld.idx.msk [tilespmem:v44+s22+$0x0], $0xffff  }
0x41a: {  	v33 =	vor.u32 v34, v33;
	v52 =	vadd.f32 $6.000000240e-01, v40;
	v62 =	vsub.s32 v58, v59  }
0x41b: {  	vm11 =	veq.s32 v58, v59;
	v58 =	vor.u32 $0x1, v24;
	vm12 =	vlt.s32 v47, v25  }
0x41c: {  	v59 =	vld.idx.msk [tilespmem:v30+s18+$0x0], $0xffff;
	v63 =	vsub.s32 $0x0, v62;
	vm4 =	vmand vm11, vm15;
	v41 =	vsel vm12, v54, v41  }
0x41d: {  	v32 =	vsub.f32 v35, v52;
	v52 =	vadd.s32 v49, v48;
	v50 =	vld.idx.msk [tilespmem:v36+s21+$0x0], $0xffff;
	v56 =	vadd.s32 $0x7, v41  }
0x41e: {  	v35 =	vsub.f32 v40, v35;
	v36 =	vadd.s32 $0x2, v36;
	v44 =	vld.idx.msk [tilespmem:v55+s21+$0x0], $0xffff;
	vm13 =	vlt.s32 v51, v27  }
0x41f: {  	v42 =	vmin.u32 v52, $0x1F;
	vm14 =	vle.f32 v32, $0.0e+00;
	v55 =	vld.idx.msk [tilespmem:v30+s17+$0x0], $0xffff;
	v57 =	vsel vm13, $0x80, v1  }
0x420: {  	v32 =	vnsel vm0, $0x0, v38;
	v38 =	vmin.u32 v62, v63;
	v54 =	vld.idx.msk [tilespmem:v31+s3+$0x0], $0xffff;
	v39 =	vor.u32 v57, v39  }
0x421: {  	v42 =	vshrl.u32 v2, v42;
	vm0 =	vmand vm9, vm14;
	v51 =	vld.idx.msk [tilespmem:v30+s3+$0x0], $0xffff;
	v61 =	vadd.s32 $0xFFFFC03F, v39  }
0x422: {  	vm10 =	veq.s32 v38, $0x1;
	vm12 =	vlt.u32 v43, $0x5;
	v42 =	vand.u32 $0x1, v42;
	v37 =	vld.idx.msk [tilespmem:v56+s21+$0x0], $0xffff  }
0x423: {  	vm5 =	vmand vm15, vm10;
	vm15 =	veq.s32 v42, $0x1;
	v30 =	vld.idx.msk [tilespmem:v30+s19+$0x0], $0xffff;
	vm13 =	vlt.u32 v48, $0x5  }
0x424: {  	v36 =	vld.idx.msk [tilespmem:v36+s21+$0x0], $0xffff;
	vm11 =	veq.s32 v50, v58;
	vm2 =	veq.s32 v50, v24;
	vm1 =	vmand vm12, vm13  }
0x425: {  	v57 =	vadd.s32 $0x8, v41;
	vm10 =	veq.s32 v44, v58;
	vm3 =	vmand vm1, vm15;
	v56 =	vld.idx.msk [tilespmem:v31+s17+$0x0], $0xffff  }
0x426: {  	vm1 =	vmor vm11, vm10;
	vm13 =	vmor vm5, vm3;
	vm8 =	vmneg vm3;
	v53 =	vld.idx.msk [tilespmem:v61+s21+$0x0], $0xffff  }
0x427: {  	v38 =	vsub.f32 v51, v54;
	v54 =	vand.u32 $0x3C, v33;
	v61 =	vld.idx.msk [tilespmem:v31+s18+$0x0], $0xffff;
	vm14 =	vlt.s32 v37, v25  }
0x428: {  	vm7 =	vmneg vm13;
	v42 =	vand.u32 $0x3F, v30;
	v31 =	vld.idx.msk [tilespmem:v31+s19+$0x0], $0xffff;
	v37 =	vsel vm14, v57, v41  }
0x429: {  	vm12 =	veq.s32 v36, v58;
	vm10 =	veq.s32 v54, $0x0;
	v60 =	vadd.s32 $0x3, v37  }
0x42a: {  	v38 =	vmul.f32 v38, v38;
	vm1 =	vmor vm1, vm12;
	v43 =	vsub.f32 v55, v56  }
0x42b: {  	vm14 =	vmor vm4, vm5;
	v58 =	vadd.s32 $0x4, v37;
	vm9 =	vlt.s32 v53, v27  }
0x42c: {  	v52 =	vsub.f32 v59, v61;
	v53 =	vmul.f32 v43, v43;
	v61 =	vadd.f32 v35, v6  }
0x42d: {  	v43 =	vand.u32 $0x3F, v31;
	v62 =	vsel vm9, $0xFFFFC040, v5;
	vm9 =	vlt.u32 v48, $0x4  }
0x42e: {  	v39 =	vadd.s32 v62, v39;
	v55 =	vadd.f32 v53, v38;
	v56 =	vmul.f32 v52, v52;
	v49 =	vld.idx.msk [tilespmem:v60+s21+$0x0], $0xffff  }
0x42f: {  	v46 =	vand.u32 $0x40, v62;
	vm12 =	vmxor vm6, vm9;
	vm6 =	vmor vm6, vm9  }
0x430: {  	v63 =	vand.u32 $0xFFFFFF80, v39;
	vm13 =	vmor vm6, vm5;
	v57 =	vadd.f32 v56, v55  }
0x431: {  	v47 =	vor.u32 $0x20, v39;
	v46 =	vor.u32 v63, v46;
	vm9 =	vmor vm4, vm13  }
0x432: {  	v51 =	vor.u32 $0x1F, v46;
	vm9 =	vmor vm9, vm2;
	v24 =	vadd.f32 $9.999999960e-13, v57  }
0x433: {  	v55 =	vadd.f32 v35, v8;
	vm13 =	vmor vm9, vm1;
	vm11 =	vlt.s32 v49, v25  }
0x434: {  	v62 =	vshrl.u32 v24, $0x1;
	v63 =	vmul.f32 $5.000000000e-01, v24;
	v49 =	vadd.f32 v35, v7  }
0x435: {  	v33 =	vsel vm11, v58, v37;
	vm11 =	vmor vm14, vm2;
	v38 =	vsub.s32 $0x5F3759DF, v62  }
0x436: {  	vm14 =	vge.f32 v61, $0.0e+00;
	v37 =	vmul.f32 v61, v61;
	v58 =	vadd.f32 v35, v9  }
0x437: {  	v59 =	vld.idx.msk [tilespmem:v51+s21+$0x0], $0xffff;
	vm11 =	vmor vm3, vm11;
	v60 =	vadd.s32 $0x1, v33;
	v48 =	vmul.f32 v38, v63  }
0x438: {  	vm10 =	vmand vm10, vm14;
	v50 =	vmul.f32 v49, v49;
	v51 =	vadd.s32 $0x2, v33  }
0x439: {  	vm3 =	vmor vm3, vm13;
	vm11 =	vmneg vm11;
	v41 =	vmul.f32 v38, v48  }
0x43a: {  	vm8 =	vmand vm10, vm8;
	vm3 =	vmneg vm3;
	vm6 =	vmand vm12, vm11  }
0x43b: {  	vm5 =	vmand vm5, vm8;
	vm8 =	vge.f32 v58, $0.0e+00;
	v41 =	vsub.f32 $1.500000000e+00, v41  }
0x43c: {  	vm5 =	vmand vm0, vm5;
	vm3 =	vmand vm8, vm3;
	vm15 =	vlt.s32 v59, v27  }
0x43d: {  	v53 =	vnsel vm5, $0x0, v37;
	v36 =	vld.idx.msk [tilespmem:v60+s21+$0x0], $0xffff;
	v34 =	vsel vm15, v47, v39;
	v38 =	vmul.f32 v38, v41  }
0x43e: {  	v37 =	vmul.f32 v55, v55;
	vm15 =	vge.f32 v49, $0.0e+00;
	v39 =	vor.u32 $0xF, v34  }
0x43f: {  	vm3 =	vmand vm0, vm3;
	vm7 =	vmand vm15, vm7;
	v52 =	vmul.f32 v38, v63  }
0x440: {  	v57 =	vor.u32 $0x10, v34;
	vm15 =	vge.f32 v55, $0.0e+00;
	vm4 =	vmand vm4, vm7  }
0x441: {  	v55 =	vxor.u32 v30, v31;
	vm4 =	vmand vm0, vm4;
	v56 =	vmul.f32 v52, v38  }
0x442: {  	vm12 =	vlt.s32 v36, v25;
	v54 =	vnsel vm4, $0x0, v50;
	vm4 =	vmand vm6, vm15  }
0x443: {  	v33 =	vsel vm12, v51, v33;
	v36 =	vadd.f32 v53, v54;
	v39 =	vld.idx.msk [tilespmem:v39+s21+$0x0], $0xffff;
	v41 =	vsub.f32 $1.500000000e+00, v56  }
0x444: {  	vm4 =	vmand vm0, vm4;
	v53 =	vshrl.u32 v30, $0xC;
	v54 =	vshrl.u32 v31, $0xC  }
0x445: {  	v30 =	vor.u32 v30, v31;
	v37 =	vnsel vm4, $0x0, v37;
	v38 =	vmul.f32 v41, v38  }
0x446: {  	v61 =	vld.idx.msk [tilespmem:v42+s20+$0x0], $0xffff;
	v56 =	vsub.s32 v53, v54;
	vm7 =	veq.s32 v53, v54;
	v54 =	vor.u32 $0x1, v25  }
0x447: {  	v62 =	vld.idx.msk [tilespmem:v43+s20+$0x0], $0xffff;
	v30 =	vand.u32 $0x3C, v30;
	v36 =	vadd.f32 v36, v37;
	v40 =	vmul.f32 v38, v63  }
0x448: {  	v63 =	vadd.f32 v35, v10;
	v35 =	vadd.f32 v35, v11;
	vm14 =	vlt.s32 v39, v27  }
0x449: {  	v39 =	vmul.f32 v58, v58;
	v34 =	vsel vm14, v57, v34;
	v40 =	vmul.f32 v40, v38  }
0x44a: {  	v59 =	vld.idx.msk [tilespmem:v33+s21+$0x0], $0xffff;
	vm10 =	vge.f32 v63, $0.0e+00;
	v51 =	vmul.f32 v63, v63;
	v60 =	vadd.s32 $0x7, v34  }
0x44b: {  	v57 =	vmul.u32 $0x5, v42;
	vm14 =	vge.f32 v35, $0.0e+00;
	v35 =	vmul.f32 v35, v35  }
0x44c: {  	v49 =	vnsel vm3, $0x0, v39;
	vm2 =	vmand vm2, vm10;
	v39 =	vadd.f32 v62, v61  }
0x44d: {  	v52 =	vadd.s32 $0x8, v34;
	vm1 =	vmand vm1, vm14;
	vm14 =	vlt.u32 v43, $0x4  }
0x44e: {  	v40 =	vsub.f32 $1.500000000e+00, v40;
	v36 =	vadd.f32 v36, v49;
	vm2 =	vmand vm0, vm2  }
0x44f: {  	v63 =	vadd.s32 v57, v43;
	vm3 =	vmand vm0, vm1;
	vm9 =	vlt.s32 v59, v25;
	v48 =	vld.idx.msk [tilespmem:v60+s21+$0x0], $0xffff  }
0x450: {  	v44 =	vld.idx.msk [tilespmem:v29+s3+$0x0], $0xffff;
	v37 =	vnsel vm2, $0x0, v51;
	v41 =	vadd.f32 $6.000000240e-01, v39;
	v59 =	vand.u32 $0xFC0, v55  }
0x451: {  	v61 =	vld.idx.msk [tilespmem:v28+s3+$0x0], $0xffff;
	v51 =	vmin.u32 v63, $0x1F;
	v35 =	vnsel vm3, $0x0, v35;
	v50 =	vsel vm9, $0x1, v1  }
0x452: {  	v58 =	vld.idx.msk [tilespmem:v29+s17+$0x0], $0xffff;
	v38 =	vmul.f32 v40, v38;
	vm4 =	veq.s32 v59, $0x0;
	v53 =	vshrl.u32 v2, v51  }
0x453: {  	v55 =	vld.idx.msk [tilespmem:v29+s18+$0x0], $0xffff;
	v33 =	vadd.s32 v50, v33;
	vm5 =	vmand vm7, vm4;
	vm7 =	vlt.u32 v42, $0x4  }
0x454: {  	v29 =	vld.idx.msk [tilespmem:v29+s19+$0x0], $0xffff;
	v38 =	vmul.f32 v38, v24;
	v24 =	vadd.f32 v26, v32;
	vm11 =	vlt.s32 v48, v27  }
0x455: {  	v50 =	vld.idx.msk [tilespmem:v28+s17+$0x0], $0xffff;
	v26 =	vadd.f32 v36, v37;
	v60 =	vsub.s32 $0x0, v56;
	v34 =	vsel vm11, v52, v34  }
0x456: {  	v37 =	vand.u32 $0x1, v53;
	v57 =	vsub.f32 v44, v61;
	v36 =	vadd.s32 $0x3, v34  }
0x457: {  	v62 =	vmin.u32 v56, v60;
	vm13 =	veq.s32 v37, $0x1;
	v41 =	vsub.f32 v38, v41  }
0x458: {  	vm6 =	veq.s32 v62, $0x1;
	vm10 =	vle.f32 v38, $5.000000000e+00;
	v31 =	vsub.f32 v39, v38;
	v32 =	vld.idx.msk [tilespmem:v33+s21+$0x0], $0xffff  }
0x459: {  	v56 =	vld.idx.msk [tilespmem:v28+s18+$0x0], $0xffff;
	v53 =	vand.u32 $0x3F, v29;
	v26 =	vadd.f32 v26, v35;
	vm6 =	vmand vm4, vm6  }
0x45a: {  	v58 =	vsub.f32 v58, v50;
	v44 =	vadd.f32 v31, v6;
	v52 =	vadd.s32 $0x1, v33  }
0x45b: {  	vm12 =	vle.f32 v41, $0.0e+00;
	v47 =	vadd.f32 v31, v7;
	v49 =	vadd.f32 v31, v8;
	v36 =	vld.idx.msk [tilespmem:v36+s21+$0x0], $0xffff  }
0x45c: {  	vm0 =	vmand vm10, vm12;
	vm12 =	vlt.u32 v43, $0x5;
	v33 =	vadd.s32 $0x2, v33  }
0x45d: {  	vm11 =	vlt.u32 v42, $0x5;
	v37 =	vmul.f32 v58, v58;
	vm2 =	veq.s32 v32, v25  }
0x45e: {  	v28 =	vld.idx.msk [tilespmem:v28+s19+$0x0], $0xffff;
	vm9 =	veq.s32 v32, v54;
	v25 =	vsub.f32 v55, v56;
	v32 =	vmul.f32 v57, v57  }
0x45f: {  	v48 =	vmul.f32 v44, v44;
	v58 =	vadd.f32 v31, v10;
	v60 =	vadd.s32 $0x4, v34;
	v59 =	vld.idx.msk [tilespmem:v52+s21+$0x0], $0xffff  }
0x460: {  	v32 =	vadd.f32 v37, v32;
	v25 =	vmul.f32 v25, v25;
	vm15 =	vlt.s32 v36, v27  }
0x461: {  	vm1 =	vmand vm11, vm12;
	vm12 =	vmor vm5, vm6;
	v34 =	vsel vm15, v60, v34  }
0x462: {  	vm4 =	vmand vm1, vm13;
	v33 =	vld.idx.msk [tilespmem:v33+s21+$0x0], $0xffff;
	v25 =	vadd.f32 v25, v32;
	v36 =	vadd.s32 $0x1, v34  }
0x463: {  	v42 =	vmul.f32 v58, v58;
	vm10 =	vmneg vm4;
	v55 =	vand.u32 $0x3F, v28  }
0x464: {  	v37 =	vmul.f32 v47, v47;
	v25 =	vadd.f32 $9.999999960e-13, v25;
	vm13 =	veq.s32 v59, v54  }
0x465: {  	vm1 =	vmor vm9, vm13;
	vm9 =	vmor vm12, vm2;
	vm13 =	vmxor vm7, vm14  }
0x466: {  	vm7 =	vmor vm7, vm14;
	v62 =	vshrl.u32 v25, $0x1;
	v63 =	vmul.f32 $5.000000000e-01, v25  }
0x467: {  	vm12 =	vge.f32 v44, $0.0e+00;
	v44 =	vxor.u32 v29, v28;
	vm15 =	veq.s32 v33, v54;
	v61 =	vld.idx.msk [tilespmem:v36+s21+$0x0], $0xffff  }
0x468: {  	vm9 =	vmor vm4, vm9;
	v33 =	vsub.s32 $0x5F3759DF, v62;
	vm7 =	vmor vm7, vm6  }
0x469: {  	v54 =	vadd.f32 v31, v9;
	vm1 =	vmor vm1, vm15;
	v45 =	vmul.f32 v33, v63  }
0x46a: {  	vm9 =	vmneg vm9;
	v43 =	vadd.s32 $0x2, v34;
	vm15 =	veq.s32 v30, $0x0  }
0x46b: {  	vm7 =	vmor vm5, vm7;
	vm9 =	vmand vm13, vm9;
	v46 =	vmul.f32 v33, v45  }
0x46c: {  	vm8 =	vmand vm15, vm12;
	vm13 =	vmor vm6, vm4;
	vm14 =	vlt.s32 v61, v27  }
0x46d: {  	vm7 =	vmor vm7, vm2;
	v30 =	vsub.f32 $1.500000000e+00, v46;
	v32 =	vsel vm14, v43, v34  }
0x46e: {  	vm15 =	vge.f32 v47, $0.0e+00;
	v38 =	vmul.f32 v54, v54;
	vm8 =	vmand vm8, vm10  }
0x46f: {  	vm7 =	vmor vm7, vm1;
	vm10 =	vge.f32 v49, $0.0e+00;
	v30 =	vmul.f32 v33, v30  }
0x470: {  	v45 =	vshrl.u32 v28, $0xC;
	vm6 =	vmand vm6, vm8;
	vm11 =	vmand vm9, vm10  }
0x471: {  	vm4 =	vmor vm4, vm7;
	vm6 =	vmand vm0, vm6;
	v51 =	vmul.f32 v30, v63  }
0x472: {  	vm4 =	vmneg vm4;
	v46 =	vmul.u32 $0x5, v53;
	v33 =	vnsel vm6, $0x0, v48;
	v50 =	vld.idx.msk [tilespmem:v32+s21+$0x0], $0xffff  }
0x473: {  	v48 =	vadd.f32 v31, v11;
	vm6 =	vlt.u32 v53, $0x4;
	v39 =	vmul.f32 v51, v30  }
0x474: {  	v51 =	vor.u32 v29, v28;
	vm14 =	vmneg vm13;
	v34 =	vmul.f32 v49, v49  }
0x475: {  	vm13 =	vge.f32 v54, $0.0e+00;
	v43 =	vshrl.u32 v29, $0xC;
	v52 =	vsub.f32 $1.500000000e+00, v39  }
0x476: {  	v49 =	vadd.s32 v46, v55;
	vm8 =	vmand vm15, vm14;
	vm4 =	vmand vm13, vm4  }
0x477: {  	vm14 =	vge.f32 v58, $0.0e+00;
	v30 =	vmul.f32 v52, v30;
	vm12 =	vlt.s32 v50, v27  }
0x478: {  	vm15 =	vge.f32 v48, $0.0e+00;
	vm5 =	vmand vm5, vm8;
	v56 =	vsel vm12, $0x1, v1  }
0x479: {  	vm5 =	vmand vm0, vm5;
	v36 =	vmul.f32 v30, v63;
	v32 =	vadd.s32 v56, v32  }
0x47a: {  	v59 =	vld.idx.msk [tilespmem:v53+s20+$0x0], $0xffff;
	v37 =	vnsel vm5, $0x0, v37;
	vm5 =	vmand vm0, vm11;
	v57 =	vadd.s32 $0x1, v32  }
0x47b: {  	v61 =	vld.idx.msk [tilespmem:v55+s20+$0x0], $0xffff;
	v33 =	vadd.f32 v33, v37;
	v60 =	vmul.f32 v36, v30;
	v41 =	vadd.s32 $0x2, v32  }
0x47c: {  	v58 =	vmul.f32 v48, v48;
	vm4 =	vmand vm0, vm4;
	v34 =	vnsel vm5, $0x0, v34  }
0x47d: {  	vm2 =	vmand vm2, vm14;
	v33 =	vadd.f32 v33, v34;
	v34 =	vsub.f32 $1.500000000e+00, v60  }
0x47e: {  	vm14 =	vlt.u32 v55, $0x5;
	v38 =	vnsel vm4, $0x0, v38;
	vm4 =	vmand vm1, vm15;
	v32 =	vld.idx.msk [tilespmem:v32+s21+$0x0], $0xffff  }
0x47f: {  	vm2 =	vmand vm0, vm2;
	vm0 =	vmand vm0, vm4;
	v30 =	vmul.f32 v34, v30;
	v37 =	vld.idx.msk [tilespmem:v57+s21+$0x0], $0xffff  }
0x480: {  	v63 =	vnsel vm2, $0x0, v42;
	v33 =	vadd.f32 v33, v38;
	v62 =	vld.idx.msk [tilespmem:v41+s21+$0x0], $0xffff;
	v41 =	vadd.f32 v61, v59  }
0x481: {  	vm5 =	veq.s32 v43, v45;
	v50 =	vmin.u32 v49, $0x1F;
	v25 =	vmul.f32 v30, v25  }
0x482: {  	v33 =	vadd.f32 v33, v63;
	vm12 =	vlt.u32 v53, $0x5;
	v42 =	vadd.f32 $6.000000240e-01, v41  }
0x483: {  	vm13 =	vle.f32 v25, $5.000000000e+00;
	vm2 =	veq.s32 v32, v27;
	v27 =	vor.u32 $0x1, v27  }
0x484: {  	v30 =	vsub.f32 v25, v42;
	v25 =	vsub.f32 v41, v25;
	vm9 =	veq.s32 v32, v27  }
0x485: {  	vm10 =	veq.s32 v37, v27;
	vm3 =	veq.s32 v62, v27;
	v27 =	vand.u32 $0xFC0, v44  }
0x486: {  	v32 =	vsub.s32 v43, v45;
	vm7 =	vle.f32 v30, $0.0e+00;
	vm11 =	veq.s32 v27, $0x0  }
0x487: {  	v47 =	vsub.s32 $0x0, v32;
	v52 =	vadd.f32 v25, v6;
	v53 =	vadd.f32 v25, v7  }
0x488: {  	vm9 =	vmor vm9, vm10;
	v54 =	vadd.f32 v25, v8;
	v56 =	vadd.f32 v25, v9  }
0x489: {  	v57 =	vadd.f32 v25, v10;
	v59 =	vadd.f32 v25, v11;
	v27 =	vmin.u32 v32, v47  }
0x48a: {  	vm1 =	vmand vm13, vm7;
	vm7 =	vmand vm5, vm11;
	vm5 =	vmand vm12, vm14  }
0x48b: {  	vm3 =	vmor vm9, vm3;
	vm8 =	veq.s32 v27, $0x1;
	v27 =	vshrl.u32 v2, v50  }
0x48c: {  	v28 =	vmul.f32 v52, v52;
	vm14 =	vge.f32 v54, $0.0e+00;
	v27 =	vand.u32 $0x1, v27  }
0x48d: {  	vm8 =	vmand vm11, vm8;
	vm13 =	veq.s32 v27, $0x1;
	v27 =	vand.u32 $0x3C, v51  }
0x48e: {  	vm11 =	vge.f32 v52, $0.0e+00;
	vm5 =	vmand vm5, vm13;
	vm10 =	veq.s32 v27, $0x0  }
0x48f: {  	vm12 =	vmneg vm5;
	vm10 =	vmand vm10, vm11;
	vm15 =	vmor vm8, vm5  }
0x490: {  	vm11 =	vmneg vm15;
	vm10 =	vmand vm10, vm12;
	vm12 =	vge.f32 v53, $0.0e+00  }
0x491: {  	vm11 =	vmand vm12, vm11;
	vm10 =	vmand vm8, vm10;
	vm12 =	vlt.u32 v55, $0x4  }
0x492: {  	v27 =	vmul.f32 v53, v53;
	vm10 =	vmand vm1, vm10;
	vm13 =	vmxor vm6, vm12  }
0x493: {  	vm6 =	vmor vm6, vm12;
	v28 =	vnsel vm10, $0x0, v28;
	vm10 =	vmor vm7, vm8  }
0x494: {  	[tilespmem:s0+$0xFFFFFF80] =	vst v12;
	v55 =	vmul.f32 v54, v54;
	vm6 =	vmor vm6, vm8;
	vm10 =	vmor vm10, vm2  }
0x495: {  	[tilespmem:s0+$0xFFFFFF90] =	vst v16;
	vm11 =	vmand vm7, vm11;
	vm6 =	vmor vm7, vm6;
	vm10 =	vmor vm5, vm10  }
0x496: {  	[tilespmem:s0+$0xFFFFFFA0] =	vst v15;
	vm11 =	vmand vm1, vm11;
	vm6 =	vmor vm6, vm2;
	vm10 =	vmneg vm10  }
0x497: {  	[tilespmem:s0+$0xFFFFFFB0] =	vst v14;
	v27 =	vnsel vm11, $0x0, v27;
	vm6 =	vmor vm6, vm3;
	vm10 =	vmand vm13, vm10  }
0x498: {  	[tilespmem:s0+$0xFFFFFFC0] =	vst v17;
	vm11 =	vge.f32 v56, $0.0e+00;
	vm15 =	vmand vm10, vm14;
	vm10 =	vmor vm5, vm6  }
0x499: {  	[tilespmem:s0+$0xFFFFFFD0] =	vst v18;
	v27 =	vadd.f32 v28, v27;
	vm7 =	vmand vm1, vm15;
	vm4 =	vmneg vm10  }
0x49a: {  	[tilespmem:s0+$0xFFFFFFE0] =	vst v20;
	v14 =	vmul.f32 v56, v56;
	v12 =	vnsel vm7, $0x0, v55;
	vm4 =	vmand vm11, vm4  }
0x49b: {  	[tilespmem:s0+$0xFFFFFFF0] =	vst v19;
	vm12 =	vge.f32 v57, $0.0e+00;
	v12 =	vadd.f32 v27, v12;
	vm4 =	vmand vm1, vm4  }
0x49c: {  	[tilespmem:s0+$0x0] =	vst v21;
	v15 =	vmul.f32 v57, v57;
	vm2 =	vmand vm2, vm12;
	v14 =	vnsel vm4, $0x0, v14  }
0x49d: {  	s31 =	sadd.s32 $0x100, s31;
	[tilespmem:s0+$0x10] =	vst v22;
	vm2 =	vmand vm1, vm2;
	vm13 =	vge.f32 v59, $0.0e+00;
	v12 =	vadd.f32 v12, v14  }
0x49e: {  	p0 =	slt.u32 s31, $0x700;
	[tilespmem:s0+$0x20] =	vst v23;
	v61 =	vmul.f32 v59, v59;
	v60 =	vnsel vm2, $0x0, v15;
	vm14 =	vmand vm3, vm13  }
.Ltmp0:
0x49f: {  	[tilespmem:s0+$0x30] =	vst v13;
	v62 =	vnsel vm0, $0x0, v58;
	vm15 =	vmand vm1, vm14;
	v12 =	vadd.f32 v12, v60;
	(pc) =	sbr.rel @p0 .LBB2_3-.Ltmp0, $4  }
0x4a0: {  	[tilespmem:s0+$0x40] =	vst v24;
	v13 =	vadd.f32 v33, v62;
	v63 =	vnsel vm15, $0x0, v61  }
0x4a1: {  	[tilespmem:s0+$0x50] =	vst v26;
	v12 =	vadd.f32 v12, v63  }
0x4a2: {  	[tilespmem:s0+$0x60] =	vst v13  }
0x4a3: {  	s9 =	sadd.s32 $0x100, s9;
	s2 =	sadd.s32 $0x100, s2;
	[tilespmem:s0+$0x70] =	vst v12;
	s0 =	sadd.s32 $0x100, s0  }
0x4a4: {  	s29 =	sadd.s32 $0x1, s29  }
0x4a5: {  	p0 =	sne.s32 s29, $0x10  }
.Ltmp1:
0x4a6: {  	s0 =	sadd.s32 s13, s30;
	(pc) =	sbr.rel @p0 .LBB2_2-.Ltmp1, $4  }
0x4a7: {  	[hbm4b:s0+s3] =	stream.linear.scatter [tilespmem:s26], [sflag:$0x1], $0x800, $0x38;
	[tilespmem:$0x19B80] =	vst v63  }
0x4a8: {  	_ =	swait.ge [sflag:s16], $0x800  }
0x4a9: {  	[sflag:s16] =	ssyncset.done $0x0  }
0x4aa: {  	[sflag:s16] =	ssyncadd.s32 $0xFFFFF800  }
0x4ab: {  	s28 =	sadd.s32 $0x1, s28  }
0x4ac: {  	p0 =	sne.s32 s28, s15  }
.Ltmp2:
0x4ad: {  	_ = 	snop;
	(pc) =	sbr.rel @p0 .LBB2_1-.Ltmp2, $1  }
0x4ae: {  	_ =	sdelay $0x3  }
0x4af: {  	_ =	sfence.sel $0x180000  }
0x4b0: {  	[bflag:$0x0] =	sbarrier.arrive $0xFFFF  }
0x4b1: {  	_ =	strace $0x90000047  }
0x4b2: {  	s0 =	stileid.u32;
	[bflag:$0x2] =	sbarrier.arrive $0xFFFF  }
0x4b3: {  	p0 =	sne.s32 s0, $0x0;
	s0 =	rddreg [dreg:$0x2]  }
0x4b4: {  	s0 =	sadd.s32 @!p0 $0x100000, s0  }
0x4b5: {  	[sflag:s0] =	ssyncadd.tile.s32 @!p0 $0x1;
	_ =	shalt  }
.Lfunc_end2:
_tile_overlayer_lowered:
.L_overlay_start_2:
0x4b6: {  	(tag) =	ssettag $0x2  }
0x4b7: {  	s0 =	rddreg [dreg:$0x0];
	s2 =	stileid.u32  }
0x4b8: {  	s1 =	rddreg [dreg:$0x1];
	p0 =	sne.s32 s2, $0x0  }
0x4b9: {  	s3 =	rddreg [dreg:$0x2];
	[bflag:$0x3] =	sbarrier.arrive $0xFFFF;
	s2 =	simm.s32 @!p0 $0x1C01  }
0x4ba: {  	[timem:s3], [sflag:s2] =	dma.local @!p0 [hbm:s0], s1  }
0x4bb: {  	s0 =	simm.s32 @!p0 $0x1  }
0x4bc: {  	_ =	swait.ge @!p0 [sflag:s0], s1  }
0x4bd: {  	s1 =	ssub.s32 @!p0 $0x0, s1;
	[sflag:s0] =	ssyncset.done @!p0 $0x0  }
0x4be: {  	[sflag:s0] =	ssyncadd.s32 @!p0 s1  }
0x4bf: {  	[bflag:$0x3] =	sbarrier.arrive $0xFFFF  }
0x4c0: {  	_ =	shalt  }

</sc_bundles>
